<compile_context>
chip_gen: v7x
topology: tpu7x:2x2x1
jax: 0.10.2.dev20260603
libtpu: 0.0.44.dev20260713+nightly
codegen_flags: <defaults>
</compile_context>

<pallas_src>
import jax
import jax.numpy as jnp
from jax import lax
from jax.experimental import pallas as pl
from jax.experimental.pallas import tpu as pltpu
from jax.experimental.pallas import tpu_sc as plsc

B = 16384
D = 64
L = 16
NC = 2
NS = 16
NW = NC * NS
ROWS = B // NW
CROWS = B // NC
QROWS = CROWS // 4
CH = 128
NCH = ROWS // CH
NG = ROWS // L
WB = D + L


def _sc_body(x_hbm, z_hbm, idx_hbm, wb_hbm, emb1_hbm, emb2_hbm,
             out_hbm, idx_v, a_v, b_v, x_v, z_v, wb_v, out_v,
             sh_a, sh_b, sem, sem_sh):
    cid = lax.axis_index("c")
    sid = lax.axis_index("s")
    wid = cid * NS + sid
    base = wid * ROWS
    cbase = cid * CROWS

    copies = []

    def fire(src, dst):
        c = pltpu.make_async_copy(src, dst, sem)
        c.start()
        copies.append(c)

    pltpu.sync_copy(idx_hbm.at[pl.ds(wid * NCH, NCH)], idx_v)
    for j in range(NCH):
        fire(emb1_hbm.at[idx_v.at[j]], a_v.at[pl.ds(j * CH, CH)])
        fire(emb2_hbm.at[idx_v.at[j]], b_v.at[pl.ds(j * CH, CH)])
    fire(wb_hbm, wb_v)

    bufs = (sh_a, sh_b)
    phases = [(z_hbm, z_v, h) for h in range(4)] + \
             [(x_hbm, x_v, h) for h in range(4)]

    def dma_of(p):
        arr_hbm, _, h = phases[p]
        return pltpu.make_async_copy(
            arr_hbm.at[pl.ds((cbase + h * QROWS) * D, QROWS * D)],
            bufs[p % 2], sem_sh)

    @pl.when(sid == 0)
    def _dma0():
        dma_of(0).start()

    for p in range(len(phases)):
        _, dst_v, h = phases[p]

        @pl.when(sid == 0)
        def _wait_p(p=p):
            dma_of(p).wait()

        plsc.subcore_barrier()

        if p + 1 < len(phases):
            @pl.when(sid == 0)
            def _next_p(p=p):
                dma_of(p + 1).start()

        @pl.when(sid // 4 == h)
        def _pull(dst_v=dst_v, p=p, h=h):
            pltpu.sync_copy(
                bufs[p % 2].at[pl.ds((sid % 4) * ROWS * D, ROWS * D)], dst_v)

        plsc.subcore_barrier()

    for c in copies:
        c.wait()

    wregs = [wb_v[0, pl.ds(k * L, L)] for k in range(D // L)]
    bias_vec = wb_v[0, pl.ds(D, L)]
    lanes = lax.iota(jnp.int32, L)

    def group(g, carry):
        out16 = jnp.zeros((L,), jnp.float32)
        for rr in range(L):
            r = g * L + rr
            acc = z_v[pl.ds(r * D, L)] * a_v[r, pl.ds(0, L)]
            for k in range(1, D // L):
                acc = acc + z_v[pl.ds(r * D + k * L, L)] * a_v[r, pl.ds(k * L, L)]
            for k in range(D // L):
                acc = acc + x_v[pl.ds(r * D + k * L, L)] * wregs[k]
            s = jnp.sum(acc)
            out16 = jnp.where(lanes == rr, s, out16)
        bv = b_v[pl.dslice(g * L, L)]
        out_v[pl.dslice(g * L, L)] = out16 + bv + bias_vec
        return carry

    lax.fori_loop(0, NG, group, 0)

    pltpu.sync_copy(out_v, out_hbm.at[pl.ds(base, ROWS)])


def _build_sc():
    mesh = plsc.VectorSubcoreMesh(core_axis_name="c", subcore_axis_name="s")
    return pl.kernel(
        _sc_body,
        out_type=jax.ShapeDtypeStruct((B,), jnp.float32),
        mesh=mesh,
        compiler_params=pltpu.CompilerParams(
            needs_layout_passes=False, use_tc_tiling_on_sc=False),
        scratch_types=[
            pltpu.VMEM((NCH, CH), jnp.int32),
            pltpu.VMEM((ROWS, D), jnp.float32),
            pltpu.VMEM((ROWS,), jnp.float32),
            pltpu.VMEM((ROWS * D,), jnp.float32),
            pltpu.VMEM((ROWS * D,), jnp.float32),
            pltpu.VMEM((1, WB), jnp.float32),
            pltpu.VMEM((ROWS,), jnp.float32),
            pltpu.VMEM_SHARED((QROWS * D,), jnp.float32),
            pltpu.VMEM_SHARED((QROWS * D,), jnp.float32),
            pltpu.SemaphoreType.DMA,
            pltpu.SemaphoreType.DMA,
        ],
    )


_sc_kernel = _build_sc()


@jax.jit
def kernel(x, z, idx, W_f, b_f, emb1, emb2):
    wb = jnp.concatenate([W_f, jnp.broadcast_to(b_f, (1, L))], axis=1)
    idx2 = idx.astype(jnp.int32).reshape(NW * NCH, CH)
    out = _sc_kernel(x.reshape(-1), z.reshape(-1), idx2, wb, emb1,
                     emb2.reshape(-1))
    return out.reshape(B, 1)

# --- scband reference (transcript-rebuilt; emitter-appended) ---
"""Pipeline reference for scband-linear-mixed-effects-fast-76871324664076 (READ-ONLY COPY).

The authoritative reference and input builder live on the scoring server;
editing this copy changes nothing except your own understanding.
"""

import jax, jax.numpy as jnp
import numpy as np

B = 16384
N_X = 64
N_Z = 64
N_GROUP = 100000

def setup_inputs(seed: int = 0) -> dict:
    key = jax.random.key(seed)
    ks = jax.random.split(key, 8)
    x = jax.random.normal(ks[0], (B, N_X), dtype=jnp.float32)
    z = jax.random.normal(ks[1], (B, N_Z), dtype=jnp.float32)
    idx = jax.random.randint(ks[2], (B,), 0, N_GROUP)
    # fixed-effect linear layer params (init std=0.001)
    W_f = jax.random.normal(ks[3], (1, N_X), dtype=jnp.float32) * 0.001
    b_f = jax.random.normal(ks[4], (1,), dtype=jnp.float32) * 0.001
    # random-effect embedding tables (init std=1e-7)
    emb1 = jax.random.normal(ks[5], (N_GROUP, N_Z), dtype=jnp.float32) * 1e-7
    emb2 = jax.random.normal(ks[6], (N_GROUP, 1), dtype=jnp.float32) * 1e-7
    return {"x": x, "z": z, "idx": idx, "W_f": W_f, "b_f": b_f, "emb1": emb1, "emb2": emb2}

def reference(x, z, idx, W_f, b_f, emb1, emb2):
    # fixed effect: Linear(n_X, 1)
    fixed_effect = x @ W_f.T + b_f  # [B, 1]
    # random effect: per-group embedding lookups
    a = jnp.take(emb1, idx, axis=0)  # [B, n_Z]
    b = jnp.take(emb2, idx, axis=0)  # [B, 1]
    rand_effect = jnp.sum(z * a, axis=1, keepdims=True) + b  # [B, 1]
    return fixed_effect + rand_effect

if __name__ == "__main__":
    import jax
    _d = setup_inputs()
    print(jax.jit(kernel)(*tuple(_d.values())))

</pallas_src>

<mosaic_0001>
#map = affine_map<(d0, d1) -> (0)>
#map1 = affine_map<(d0, d1) -> (0, 0)>
module attributes {stable_mosaic.version = 14 : i64} {
  func.func @_sc_body(%arg0: i32, %arg1: i32, %arg2: memref<1048576xf32, #tpu.memory_space<hbm>>, %arg3: memref<1048576xf32, #tpu.memory_space<hbm>>, %arg4: memref<128x128xi32, #tpu.memory_space<hbm>>, %arg5: memref<1x80xf32, #tpu.memory_space<hbm>>, %arg6: memref<100000x64xf32, #tpu.memory_space<hbm>>, %arg7: memref<100000xf32, #tpu.memory_space<hbm>>, %arg8: memref<16384xf32, #tpu.memory_space<hbm>>, %arg9: memref<4x128xi32, #tpu.memory_space<vmem>>, %arg10: memref<512x64xf32, #tpu.memory_space<vmem>>, %arg11: memref<512xf32, #tpu.memory_space<vmem>>, %arg12: memref<32768xf32, #tpu.memory_space<vmem>>, %arg13: memref<32768xf32, #tpu.memory_space<vmem>>, %arg14: memref<1x80xf32, #tpu.memory_space<vmem>>, %arg15: memref<512xf32, #tpu.memory_space<vmem>>, %arg16: memref<131072xf32, #tpu.memory_space<vmem_shared>>, %arg17: memref<131072xf32, #tpu.memory_space<vmem_shared>>, %arg18: memref<!tpu.dma_semaphore, #tpu.memory_space<semaphore_mem>>, %arg19: memref<!tpu.dma_semaphore, #tpu.memory_space<semaphore_mem>>) attributes {dimension_semantics = [#tpu.dimension_semantics<core_parallel>, #tpu.dimension_semantics<subcore_parallel>], iteration_bounds = array<i64: 2, 16>, scalar_prefetch = 0 : i64, scratch_operands = 11 : i64, tpu.core_type = #tpu.core_type<sc_vector_subcore>, window_params = [{transform_indices = #map}, {transform_indices = #map}, {transform_indices = #map1}, {transform_indices = #map1}, {transform_indices = #map1}, {transform_indices = #map}, {transform_indices = #map}]} {
    %mul3A = arith.constant 16 : i32
    %mul3A_0 = arith.muli %arg0, %mul3A : i32
    %add3A = arith.addi %mul3A_0, %arg1 : i32
    %mul3A_1 = arith.constant 512 : i32
    %mul3A_2 = arith.muli %add3A, %mul3A_1 : i32
    %mul3A_3 = arith.constant 8192 : i32
    %mul3A_4 = arith.muli %arg0, %mul3A_3 : i32
    %mul3A_5 = arith.constant 4 : i32
    %mul3A_6 = arith.muli %add3A, %mul3A_5 : i32
    "tpu.region"() ({
      %run_scoped3A = tpu.sem_alloc : memref<!tpu.dma_semaphore, #tpu.memory_space<semaphore_mem>>
      %dma_start3A_489 = arith.constant 0 : i32
      %dma_start3A_490 = tpu.memref_slice %arg4[%mul3A_6, %dma_start3A_489] : memref<128x128xi32, #tpu.memory_space<hbm>> -> memref<4x128xi32, #tpu.memory_space<hbm>>
      %dma_start3A_491 = arith.constant 0 : i32
      %dma_start3A_492 = tpu.memref_slice %arg4[%mul3A_6, %dma_start3A_491] : memref<128x128xi32, #tpu.memory_space<hbm>> -> memref<4x128xi32, #tpu.memory_space<hbm>>
      tpu.enqueue_dma source(%dma_start3A_492 : memref<4x128xi32, #tpu.memory_space<hbm>>) target(%arg9 : memref<4x128xi32, #tpu.memory_space<vmem>>) target_semaphore(%run_scoped3A : memref<!tpu.dma_semaphore, #tpu.memory_space<semaphore_mem>>)
      %dma_wait3A_493 = arith.constant 0 : i32
      %dma_wait3A_494 = tpu.memref_slice %arg4[%mul3A_6, %dma_wait3A_493] : memref<128x128xi32, #tpu.memory_space<hbm>> -> memref<4x128xi32, #tpu.memory_space<hbm>>
      %dma_wait3A_495 = arith.constant 0 : i32
      %dma_wait3A_496 = tpu.memref_slice %arg4[%mul3A_6, %dma_wait3A_495] : memref<128x128xi32, #tpu.memory_space<hbm>> -> memref<4x128xi32, #tpu.memory_space<hbm>>
      tpu.wait_dma2 semaphore(%run_scoped3A : memref<!tpu.dma_semaphore, #tpu.memory_space<semaphore_mem>>) src(%dma_wait3A_496 : memref<4x128xi32, #tpu.memory_space<hbm>>) dst(%arg9 : memref<4x128xi32, #tpu.memory_space<vmem>>)
      tpu.yield
    }) : () -> ()
    %dma_start3A = arith.constant 0 : i32
    %dma_start3A_7 = arith.constant 0 : i32
    %dma_start3A_8 = arith.constant 0 : i32
    %dma_start3A_9 = tpu.memref_slice %arg10[%dma_start3A_7, %dma_start3A_8] : memref<512x64xf32, #tpu.memory_space<vmem>> -> memref<128x64xf32, #tpu.memory_space<vmem>>
    %dma_start3A_10 = arith.constant 0 : i32
    %dma_start3A_11 = tpu.memref_slice %arg9[%dma_start3A, %dma_start3A_10] : memref<4x128xi32, #tpu.memory_space<vmem>> -> memref<1x128xi32, #tpu.memory_space<vmem>>
    %dma_start3A_12 = tpu.memref_squeeze %dma_start3A_11 : memref<1x128xi32, #tpu.memory_space<vmem>> -> memref<128xi32, #tpu.memory_space<vmem>>
    %dma_start3A_13 = arith.constant 0 : i32
    %dma_start3A_14 = arith.constant 0 : i32
    %dma_start3A_15 = tpu.memref_slice %arg6[%dma_start3A_13, %dma_start3A_14] : memref<100000x64xf32, #tpu.memory_space<hbm>> -> memref<100000x64xf32, #tpu.memory_space<hbm>>
    tpu.enqueue_indirect_dma source(%dma_start3A_15 : memref<100000x64xf32, #tpu.memory_space<hbm>>) target(%dma_start3A_9 : memref<128x64xf32, #tpu.memory_space<vmem>>) offsets(%dma_start3A_12 : memref<128xi32, #tpu.memory_space<vmem>>) semaphore(%arg18 : memref<!tpu.dma_semaphore, #tpu.memory_space<semaphore_mem>>)
    %dma_start3A_16 = arith.constant 0 : i32
    %dma_start3A_17 = arith.constant 0 : i32
    %dma_start3A_18 = tpu.memref_slice %arg11[%dma_start3A_17] : memref<512xf32, #tpu.memory_space<vmem>> -> memref<128xf32, #tpu.memory_space<vmem>>
    %dma_start3A_19 = arith.constant 0 : i32
    %dma_start3A_20 = tpu.memref_slice %arg9[%dma_start3A_16, %dma_start3A_19] : memref<4x128xi32, #tpu.memory_space<vmem>> -> memref<1x128xi32, #tpu.memory_space<vmem>>
    %dma_start3A_21 = tpu.memref_squeeze %dma_start3A_20 : memref<1x128xi32, #tpu.memory_space<vmem>> -> memref<128xi32, #tpu.memory_space<vmem>>
    %dma_start3A_22 = arith.constant 0 : i32
    %dma_start3A_23 = tpu.memref_slice %arg7[%dma_start3A_22] : memref<100000xf32, #tpu.memory_space<hbm>> -> memref<100000xf32, #tpu.memory_space<hbm>>
    tpu.enqueue_indirect_dma source(%dma_start3A_23 : memref<100000xf32, #tpu.memory_space<hbm>>) target(%dma_start3A_18 : memref<128xf32, #tpu.memory_space<vmem>>) offsets(%dma_start3A_21 : memref<128xi32, #tpu.memory_space<vmem>>) semaphore(%arg18 : memref<!tpu.dma_semaphore, #tpu.memory_space<semaphore_mem>>)
    %dma_start3A_24 = arith.constant 1 : i32
    %dma_start3A_25 = arith.constant 128 : i32
    %dma_start3A_26 = arith.constant 0 : i32
    %dma_start3A_27 = tpu.memref_slice %arg10[%dma_start3A_25, %dma_start3A_26] : memref<512x64xf32, #tpu.memory_space<vmem>> -> memref<128x64xf32, #tpu.memory_space<vmem>>
    %dma_start3A_28 = arith.constant 0 : i32
    %dma_start3A_29 = tpu.memref_slice %arg9[%dma_start3A_24, %dma_start3A_28] : memref<4x128xi32, #tpu.memory_space<vmem>> -> memref<1x128xi32, #tpu.memory_space<vmem>>
    %dma_start3A_30 = tpu.memref_squeeze %dma_start3A_29 : memref<1x128xi32, #tpu.memory_space<vmem>> -> memref<128xi32, #tpu.memory_space<vmem>>
    %dma_start3A_31 = arith.constant 0 : i32
    %dma_start3A_32 = arith.constant 0 : i32
    %dma_start3A_33 = tpu.memref_slice %arg6[%dma_start3A_31, %dma_start3A_32] : memref<100000x64xf32, #tpu.memory_space<hbm>> -> memref<100000x64xf32, #tpu.memory_space<hbm>>
    tpu.enqueue_indirect_dma source(%dma_start3A_33 : memref<100000x64xf32, #tpu.memory_space<hbm>>) target(%dma_start3A_27 : memref<128x64xf32, #tpu.memory_space<vmem>>) offsets(%dma_start3A_30 : memref<128xi32, #tpu.memory_space<vmem>>) semaphore(%arg18 : memref<!tpu.dma_semaphore, #tpu.memory_space<semaphore_mem>>)
    %dma_start3A_34 = arith.constant 1 : i32
    %dma_start3A_35 = arith.constant 128 : i32
    %dma_start3A_36 = tpu.memref_slice %arg11[%dma_start3A_35] : memref<512xf32, #tpu.memory_space<vmem>> -> memref<128xf32, #tpu.memory_space<vmem>>
    %dma_start3A_37 = arith.constant 0 : i32
    %dma_start3A_38 = tpu.memref_slice %arg9[%dma_start3A_34, %dma_start3A_37] : memref<4x128xi32, #tpu.memory_space<vmem>> -> memref<1x128xi32, #tpu.memory_space<vmem>>
    %dma_start3A_39 = tpu.memref_squeeze %dma_start3A_38 : memref<1x128xi32, #tpu.memory_space<vmem>> -> memref<128xi32, #tpu.memory_space<vmem>>
    %dma_start3A_40 = arith.constant 0 : i32
    %dma_start3A_41 = tpu.memref_slice %arg7[%dma_start3A_40] : memref<100000xf32, #tpu.memory_space<hbm>> -> memref<100000xf32, #tpu.memory_space<hbm>>
    tpu.enqueue_indirect_dma source(%dma_start3A_41 : memref<100000xf32, #tpu.memory_space<hbm>>) target(%dma_start3A_36 : memref<128xf32, #tpu.memory_space<vmem>>) offsets(%dma_start3A_39 : memref<128xi32, #tpu.memory_space<vmem>>) semaphore(%arg18 : memref<!tpu.dma_semaphore, #tpu.memory_space<semaphore_mem>>)
    %dma_start3A_42 = arith.constant 2 : i32
    %dma_start3A_43 = arith.constant 256 : i32
    %dma_start3A_44 = arith.constant 0 : i32
    %dma_start3A_45 = tpu.memref_slice %arg10[%dma_start3A_43, %dma_start3A_44] : memref<512x64xf32, #tpu.memory_space<vmem>> -> memref<128x64xf32, #tpu.memory_space<vmem>>
    %dma_start3A_46 = arith.constant 0 : i32
    %dma_start3A_47 = tpu.memref_slice %arg9[%dma_start3A_42, %dma_start3A_46] : memref<4x128xi32, #tpu.memory_space<vmem>> -> memref<1x128xi32, #tpu.memory_space<vmem>>
    %dma_start3A_48 = tpu.memref_squeeze %dma_start3A_47 : memref<1x128xi32, #tpu.memory_space<vmem>> -> memref<128xi32, #tpu.memory_space<vmem>>
    %dma_start3A_49 = arith.constant 0 : i32
    %dma_start3A_50 = arith.constant 0 : i32
    %dma_start3A_51 = tpu.memref_slice %arg6[%dma_start3A_49, %dma_start3A_50] : memref<100000x64xf32, #tpu.memory_space<hbm>> -> memref<100000x64xf32, #tpu.memory_space<hbm>>
    tpu.enqueue_indirect_dma source(%dma_start3A_51 : memref<100000x64xf32, #tpu.memory_space<hbm>>) target(%dma_start3A_45 : memref<128x64xf32, #tpu.memory_space<vmem>>) offsets(%dma_start3A_48 : memref<128xi32, #tpu.memory_space<vmem>>) semaphore(%arg18 : memref<!tpu.dma_semaphore, #tpu.memory_space<semaphore_mem>>)
    %dma_start3A_52 = arith.constant 2 : i32
    %dma_start3A_53 = arith.constant 256 : i32
    %dma_start3A_54 = tpu.memref_slice %arg11[%dma_start3A_53] : memref<512xf32, #tpu.memory_space<vmem>> -> memref<128xf32, #tpu.memory_space<vmem>>
    %dma_start3A_55 = arith.constant 0 : i32
    %dma_start3A_56 = tpu.memref_slice %arg9[%dma_start3A_52, %dma_start3A_55] : memref<4x128xi32, #tpu.memory_space<vmem>> -> memref<1x128xi32, #tpu.memory_space<vmem>>
    %dma_start3A_57 = tpu.memref_squeeze %dma_start3A_56 : memref<1x128xi32, #tpu.memory_space<vmem>> -> memref<128xi32, #tpu.memory_space<vmem>>
    %dma_start3A_58 = arith.constant 0 : i32
    %dma_start3A_59 = tpu.memref_slice %arg7[%dma_start3A_58] : memref<100000xf32, #tpu.memory_space<hbm>> -> memref<100000xf32, #tpu.memory_space<hbm>>
    tpu.enqueue_indirect_dma source(%dma_start3A_59 : memref<100000xf32, #tpu.memory_space<hbm>>) target(%dma_start3A_54 : memref<128xf32, #tpu.memory_space<vmem>>) offsets(%dma_start3A_57 : memref<128xi32, #tpu.memory_space<vmem>>) semaphore(%arg18 : memref<!tpu.dma_semaphore, #tpu.memory_space<semaphore_mem>>)
    %dma_start3A_60 = arith.constant 3 : i32
    %dma_start3A_61 = arith.constant 384 : i32
    %dma_start3A_62 = arith.constant 0 : i32
    %dma_start3A_63 = tpu.memref_slice %arg10[%dma_start3A_61, %dma_start3A_62] : memref<512x64xf32, #tpu.memory_space<vmem>> -> memref<128x64xf32, #tpu.memory_space<vmem>>
    %dma_start3A_64 = arith.constant 0 : i32
    %dma_start3A_65 = tpu.memref_slice %arg9[%dma_start3A_60, %dma_start3A_64] : memref<4x128xi32, #tpu.memory_space<vmem>> -> memref<1x128xi32, #tpu.memory_space<vmem>>
    %dma_start3A_66 = tpu.memref_squeeze %dma_start3A_65 : memref<1x128xi32, #tpu.memory_space<vmem>> -> memref<128xi32, #tpu.memory_space<vmem>>
    %dma_start3A_67 = arith.constant 0 : i32
    %dma_start3A_68 = arith.constant 0 : i32
    %dma_start3A_69 = tpu.memref_slice %arg6[%dma_start3A_67, %dma_start3A_68] : memref<100000x64xf32, #tpu.memory_space<hbm>> -> memref<100000x64xf32, #tpu.memory_space<hbm>>
    tpu.enqueue_indirect_dma source(%dma_start3A_69 : memref<100000x64xf32, #tpu.memory_space<hbm>>) target(%dma_start3A_63 : memref<128x64xf32, #tpu.memory_space<vmem>>) offsets(%dma_start3A_66 : memref<128xi32, #tpu.memory_space<vmem>>) semaphore(%arg18 : memref<!tpu.dma_semaphore, #tpu.memory_space<semaphore_mem>>)
    %dma_start3A_70 = arith.constant 3 : i32
    %dma_start3A_71 = arith.constant 384 : i32
    %dma_start3A_72 = tpu.memref_slice %arg11[%dma_start3A_71] : memref<512xf32, #tpu.memory_space<vmem>> -> memref<128xf32, #tpu.memory_space<vmem>>
    %dma_start3A_73 = arith.constant 0 : i32
    %dma_start3A_74 = tpu.memref_slice %arg9[%dma_start3A_70, %dma_start3A_73] : memref<4x128xi32, #tpu.memory_space<vmem>> -> memref<1x128xi32, #tpu.memory_space<vmem>>
    %dma_start3A_75 = tpu.memref_squeeze %dma_start3A_74 : memref<1x128xi32, #tpu.memory_space<vmem>> -> memref<128xi32, #tpu.memory_space<vmem>>
    %dma_start3A_76 = arith.constant 0 : i32
    %dma_start3A_77 = tpu.memref_slice %arg7[%dma_start3A_76] : memref<100000xf32, #tpu.memory_space<hbm>> -> memref<100000xf32, #tpu.memory_space<hbm>>
    tpu.enqueue_indirect_dma source(%dma_start3A_77 : memref<100000xf32, #tpu.memory_space<hbm>>) target(%dma_start3A_72 : memref<128xf32, #tpu.memory_space<vmem>>) offsets(%dma_start3A_75 : memref<128xi32, #tpu.memory_space<vmem>>) semaphore(%arg18 : memref<!tpu.dma_semaphore, #tpu.memory_space<semaphore_mem>>)
    tpu.enqueue_dma source(%arg5 : memref<1x80xf32, #tpu.memory_space<hbm>>) target(%arg14 : memref<1x80xf32, #tpu.memory_space<vmem>>) target_semaphore(%arg18 : memref<!tpu.dma_semaphore, #tpu.memory_space<semaphore_mem>>)
    %eq3A = arith.constant 0 : i32
    %eq3A_78 = arith.cmpi eq, %arg1, %eq3A : i32
    %convert_element_type3A = arith.extui %eq3A_78 : i1 to i32
    %cond3A = arith.constant 0 : i32
    %cond3A_79 = arith.cmpi ne, %convert_element_type3A, %cond3A : i32
    scf.if %cond3A_79 {
      %add3A_489 = arith.constant 0 : i32
      %add3A_490 = arith.addi %mul3A_4, %add3A_489 : i32
      %mul3A_491 = arith.constant 64 : i32
      %mul3A_492 = arith.muli %add3A_490, %mul3A_491 : i32
      %dma_start3A_493 = tpu.memref_slice %arg3[%mul3A_492] : memref<1048576xf32, #tpu.memory_space<hbm>> -> memref<131072xf32, #tpu.memory_space<hbm>>
      tpu.enqueue_dma source(%dma_start3A_493 : memref<131072xf32, #tpu.memory_space<hbm>>) target(%arg16 : memref<131072xf32, #tpu.memory_space<vmem_shared>>) target_semaphore(%arg19 : memref<!tpu.dma_semaphore, #tpu.memory_space<semaphore_mem>>)
    } else {
    }
    %eq3A_80 = arith.constant 0 : i32
    %eq3A_81 = arith.cmpi eq, %arg1, %eq3A_80 : i32
    %convert_element_type3A_82 = arith.extui %eq3A_81 : i1 to i32
    %cond3A_83 = arith.constant 0 : i32
    %cond3A_84 = arith.cmpi ne, %convert_element_type3A_82, %cond3A_83 : i32
    scf.if %cond3A_84 {
      %add3A_489 = arith.constant 0 : i32
      %add3A_490 = arith.addi %mul3A_4, %add3A_489 : i32
      %mul3A_491 = arith.constant 64 : i32
      %mul3A_492 = arith.muli %add3A_490, %mul3A_491 : i32
      %dma_wait3A_493 = tpu.memref_slice %arg3[%mul3A_492] : memref<1048576xf32, #tpu.memory_space<hbm>> -> memref<131072xf32, #tpu.memory_space<hbm>>
      tpu.wait_dma2 semaphore(%arg19 : memref<!tpu.dma_semaphore, #tpu.memory_space<semaphore_mem>>) src(%dma_wait3A_493 : memref<131072xf32, #tpu.memory_space<hbm>>) dst(%arg16 : memref<131072xf32, #tpu.memory_space<vmem_shared>>)
    } else {
    }
    %barrier3A = arith.constant 0 : index
    tpu.barrier barrier_id(%barrier3A)
    %eq3A_85 = arith.constant 0 : i32
    %eq3A_86 = arith.cmpi eq, %arg1, %eq3A_85 : i32
    %convert_element_type3A_87 = arith.extui %eq3A_86 : i1 to i32
    %cond3A_88 = arith.constant 0 : i32
    %cond3A_89 = arith.cmpi ne, %convert_element_type3A_87, %cond3A_88 : i32
    scf.if %cond3A_89 {
      %add3A_489 = arith.constant 2048 : i32
      %add3A_490 = arith.addi %mul3A_4, %add3A_489 : i32
      %mul3A_491 = arith.constant 64 : i32
      %mul3A_492 = arith.muli %add3A_490, %mul3A_491 : i32
      %dma_start3A_493 = tpu.memref_slice %arg3[%mul3A_492] : memref<1048576xf32, #tpu.memory_space<hbm>> -> memref<131072xf32, #tpu.memory_space<hbm>>
      tpu.enqueue_dma source(%dma_start3A_493 : memref<131072xf32, #tpu.memory_space<hbm>>) target(%arg17 : memref<131072xf32, #tpu.memory_space<vmem_shared>>) target_semaphore(%arg19 : memref<!tpu.dma_semaphore, #tpu.memory_space<semaphore_mem>>)
    } else {
    }
    %jit3A = arith.constant 4 : i32
    %div3A = arith.divsi %arg1, %jit3A : i32
    %sign3A = arith.constant 0 : i32
    %sign3A_90 = arith.cmpi sgt, %arg1, %sign3A : i32
    %sign3A_91 = arith.extui %sign3A_90 : i1 to i32
    %sign3A_92 = arith.constant 0 : i32
    %sign3A_93 = arith.cmpi slt, %arg1, %sign3A_92 : i32
    %sign3A_94 = arith.extui %sign3A_93 : i1 to i32
    %sign3A_95 = arith.subi %sign3A_91, %sign3A_94 : i32
    %sign3A_96 = arith.constant 0 : i32
    %sign3A_97 = arith.cmpi sgt, %jit3A, %sign3A_96 : i32
    %sign3A_98 = arith.extui %sign3A_97 : i1 to i32
    %sign3A_99 = arith.constant 0 : i32
    %sign3A_100 = arith.cmpi slt, %jit3A, %sign3A_99 : i32
    %sign3A_101 = arith.extui %sign3A_100 : i1 to i32
    %sign3A_102 = arith.subi %sign3A_98, %sign3A_101 : i32
    %ne3A = arith.cmpi ne, %sign3A_95, %sign3A_102 : i32
    %rem3A = arith.remsi %arg1, %jit3A : i32
    %ne3A_103 = arith.constant 0 : i32
    %ne3A_104 = arith.cmpi ne, %rem3A, %ne3A_103 : i32
    %and3A = arith.andi %ne3A, %ne3A_104 : i1
    %sub3A = arith.constant 1 : i32
    %sub3A_105 = arith.subi %div3A, %sub3A : i32
    %select_n3A = arith.select %and3A, %sub3A_105, %div3A : i32
    %eq3A_106 = arith.constant 0 : i32
    %eq3A_107 = arith.cmpi eq, %select_n3A, %eq3A_106 : i32
    %convert_element_type3A_108 = arith.extui %eq3A_107 : i1 to i32
    %cond3A_109 = arith.constant 0 : i32
    %cond3A_110 = arith.cmpi ne, %convert_element_type3A_108, %cond3A_109 : i32
    scf.if %cond3A_110 {
      %jit3A_489 = arith.constant 4 : i32
      %eq3A_490 = arith.constant 0 : i32
      %eq3A_491 = arith.cmpi eq, %jit3A_489, %eq3A_490 : i32
      %jit3A_492 = arith.constant 1 : i32
      %select_n3A_493 = arith.select %eq3A_491, %jit3A_492, %jit3A_489 : i32
      %rem3A_494 = arith.remsi %arg1, %select_n3A_493 : i32
      %ne3A_495 = arith.constant 0 : i32
      %ne3A_496 = arith.cmpi ne, %rem3A_494, %ne3A_495 : i32
      %lt3A = arith.constant 0 : i32
      %lt3A_497 = arith.cmpi slt, %rem3A_494, %lt3A : i32
      %lt3A_498 = arith.constant 0 : i32
      %lt3A_499 = arith.cmpi slt, %select_n3A_493, %lt3A_498 : i32
      %ne3A_500 = arith.xori %lt3A_497, %lt3A_499 : i1
      %and3A_501 = arith.andi %ne3A_500, %ne3A_496 : i1
      %add3A_502 = arith.addi %rem3A_494, %select_n3A_493 : i32
      %select_n3A_503 = arith.select %and3A_501, %add3A_502, %rem3A_494 : i32
      %mul3A_504 = arith.constant 512 : i32
      %mul3A_505 = arith.muli %select_n3A_503, %mul3A_504 : i32
      %mul3A_506 = arith.constant 64 : i32
      %mul3A_507 = arith.muli %mul3A_505, %mul3A_506 : i32
      "tpu.region"() ({
        %run_scoped3A = tpu.sem_alloc : memref<!tpu.dma_semaphore, #tpu.memory_space<semaphore_mem>>
        %dma_start3A_508 = tpu.memref_slice %arg16[%mul3A_507] : memref<131072xf32, #tpu.memory_space<vmem_shared>> -> memref<32768xf32, #tpu.memory_space<vmem_shared>>
        %dma_start3A_509 = tpu.memref_slice %arg16[%mul3A_507] : memref<131072xf32, #tpu.memory_space<vmem_shared>> -> memref<32768xf32, #tpu.memory_space<vmem_shared>>
        tpu.enqueue_dma source(%dma_start3A_509 : memref<32768xf32, #tpu.memory_space<vmem_shared>>) target(%arg13 : memref<32768xf32, #tpu.memory_space<vmem>>) target_semaphore(%run_scoped3A : memref<!tpu.dma_semaphore, #tpu.memory_space<semaphore_mem>>)
        %dma_wait3A_510 = tpu.memref_slice %arg16[%mul3A_507] : memref<131072xf32, #tpu.memory_space<vmem_shared>> -> memref<32768xf32, #tpu.memory_space<vmem_shared>>
        %dma_wait3A_511 = tpu.memref_slice %arg16[%mul3A_507] : memref<131072xf32, #tpu.memory_space<vmem_shared>> -> memref<32768xf32, #tpu.memory_space<vmem_shared>>
        tpu.wait_dma2 semaphore(%run_scoped3A : memref<!tpu.dma_semaphore, #tpu.memory_space<semaphore_mem>>) src(%dma_wait3A_511 : memref<32768xf32, #tpu.memory_space<vmem_shared>>) dst(%arg13 : memref<32768xf32, #tpu.memory_space<vmem>>)
        tpu.yield
      }) : () -> ()
    } else {
    }
    %barrier3A_111 = arith.constant 0 : index
    tpu.barrier barrier_id(%barrier3A_111)
    %eq3A_112 = arith.constant 0 : i32
    %eq3A_113 = arith.cmpi eq, %arg1, %eq3A_112 : i32
    %convert_element_type3A_114 = arith.extui %eq3A_113 : i1 to i32
    %cond3A_115 = arith.constant 0 : i32
    %cond3A_116 = arith.cmpi ne, %convert_element_type3A_114, %cond3A_115 : i32
    scf.if %cond3A_116 {
      %add3A_489 = arith.constant 2048 : i32
      %add3A_490 = arith.addi %mul3A_4, %add3A_489 : i32
      %mul3A_491 = arith.constant 64 : i32
      %mul3A_492 = arith.muli %add3A_490, %mul3A_491 : i32
      %dma_wait3A_493 = tpu.memref_slice %arg3[%mul3A_492] : memref<1048576xf32, #tpu.memory_space<hbm>> -> memref<131072xf32, #tpu.memory_space<hbm>>
      tpu.wait_dma2 semaphore(%arg19 : memref<!tpu.dma_semaphore, #tpu.memory_space<semaphore_mem>>) src(%dma_wait3A_493 : memref<131072xf32, #tpu.memory_space<hbm>>) dst(%arg17 : memref<131072xf32, #tpu.memory_space<vmem_shared>>)
    } else {
    }
    %barrier3A_117 = arith.constant 0 : index
    tpu.barrier barrier_id(%barrier3A_117)
    %eq3A_118 = arith.constant 0 : i32
    %eq3A_119 = arith.cmpi eq, %arg1, %eq3A_118 : i32
    %convert_element_type3A_120 = arith.extui %eq3A_119 : i1 to i32
    %cond3A_121 = arith.constant 0 : i32
    %cond3A_122 = arith.cmpi ne, %convert_element_type3A_120, %cond3A_121 : i32
    scf.if %cond3A_122 {
      %add3A_489 = arith.constant 4096 : i32
      %add3A_490 = arith.addi %mul3A_4, %add3A_489 : i32
      %mul3A_491 = arith.constant 64 : i32
      %mul3A_492 = arith.muli %add3A_490, %mul3A_491 : i32
      %dma_start3A_493 = tpu.memref_slice %arg3[%mul3A_492] : memref<1048576xf32, #tpu.memory_space<hbm>> -> memref<131072xf32, #tpu.memory_space<hbm>>
      tpu.enqueue_dma source(%dma_start3A_493 : memref<131072xf32, #tpu.memory_space<hbm>>) target(%arg16 : memref<131072xf32, #tpu.memory_space<vmem_shared>>) target_semaphore(%arg19 : memref<!tpu.dma_semaphore, #tpu.memory_space<semaphore_mem>>)
    } else {
    }
    %jit3A_123 = arith.constant 4 : i32
    %div3A_124 = arith.divsi %arg1, %jit3A_123 : i32
    %sign3A_125 = arith.constant 0 : i32
    %sign3A_126 = arith.cmpi sgt, %arg1, %sign3A_125 : i32
    %sign3A_127 = arith.extui %sign3A_126 : i1 to i32
    %sign3A_128 = arith.constant 0 : i32
    %sign3A_129 = arith.cmpi slt, %arg1, %sign3A_128 : i32
    %sign3A_130 = arith.extui %sign3A_129 : i1 to i32
    %sign3A_131 = arith.subi %sign3A_127, %sign3A_130 : i32
    %sign3A_132 = arith.constant 0 : i32
    %sign3A_133 = arith.cmpi sgt, %jit3A_123, %sign3A_132 : i32
    %sign3A_134 = arith.extui %sign3A_133 : i1 to i32
    %sign3A_135 = arith.constant 0 : i32
    %sign3A_136 = arith.cmpi slt, %jit3A_123, %sign3A_135 : i32
    %sign3A_137 = arith.extui %sign3A_136 : i1 to i32
    %sign3A_138 = arith.subi %sign3A_134, %sign3A_137 : i32
    %ne3A_139 = arith.cmpi ne, %sign3A_131, %sign3A_138 : i32
    %rem3A_140 = arith.remsi %arg1, %jit3A_123 : i32
    %ne3A_141 = arith.constant 0 : i32
    %ne3A_142 = arith.cmpi ne, %rem3A_140, %ne3A_141 : i32
    %and3A_143 = arith.andi %ne3A_139, %ne3A_142 : i1
    %sub3A_144 = arith.constant 1 : i32
    %sub3A_145 = arith.subi %div3A_124, %sub3A_144 : i32
    %select_n3A_146 = arith.select %and3A_143, %sub3A_145, %div3A_124 : i32
    %eq3A_147 = arith.constant 1 : i32
    %eq3A_148 = arith.cmpi eq, %select_n3A_146, %eq3A_147 : i32
    %convert_element_type3A_149 = arith.extui %eq3A_148 : i1 to i32
    %cond3A_150 = arith.constant 0 : i32
    %cond3A_151 = arith.cmpi ne, %convert_element_type3A_149, %cond3A_150 : i32
    scf.if %cond3A_151 {
      %jit3A_489 = arith.constant 4 : i32
      %eq3A_490 = arith.constant 0 : i32
      %eq3A_491 = arith.cmpi eq, %jit3A_489, %eq3A_490 : i32
      %jit3A_492 = arith.constant 1 : i32
      %select_n3A_493 = arith.select %eq3A_491, %jit3A_492, %jit3A_489 : i32
      %rem3A_494 = arith.remsi %arg1, %select_n3A_493 : i32
      %ne3A_495 = arith.constant 0 : i32
      %ne3A_496 = arith.cmpi ne, %rem3A_494, %ne3A_495 : i32
      %lt3A = arith.constant 0 : i32
      %lt3A_497 = arith.cmpi slt, %rem3A_494, %lt3A : i32
      %lt3A_498 = arith.constant 0 : i32
      %lt3A_499 = arith.cmpi slt, %select_n3A_493, %lt3A_498 : i32
      %ne3A_500 = arith.xori %lt3A_497, %lt3A_499 : i1
      %and3A_501 = arith.andi %ne3A_500, %ne3A_496 : i1
      %add3A_502 = arith.addi %rem3A_494, %select_n3A_493 : i32
      %select_n3A_503 = arith.select %and3A_501, %add3A_502, %rem3A_494 : i32
      %mul3A_504 = arith.constant 512 : i32
      %mul3A_505 = arith.muli %select_n3A_503, %mul3A_504 : i32
      %mul3A_506 = arith.constant 64 : i32
      %mul3A_507 = arith.muli %mul3A_505, %mul3A_506 : i32
      "tpu.region"() ({
        %run_scoped3A = tpu.sem_alloc : memref<!tpu.dma_semaphore, #tpu.memory_space<semaphore_mem>>
        %dma_start3A_508 = tpu.memref_slice %arg17[%mul3A_507] : memref<131072xf32, #tpu.memory_space<vmem_shared>> -> memref<32768xf32, #tpu.memory_space<vmem_shared>>
        %dma_start3A_509 = tpu.memref_slice %arg17[%mul3A_507] : memref<131072xf32, #tpu.memory_space<vmem_shared>> -> memref<32768xf32, #tpu.memory_space<vmem_shared>>
        tpu.enqueue_dma source(%dma_start3A_509 : memref<32768xf32, #tpu.memory_space<vmem_shared>>) target(%arg13 : memref<32768xf32, #tpu.memory_space<vmem>>) target_semaphore(%run_scoped3A : memref<!tpu.dma_semaphore, #tpu.memory_space<semaphore_mem>>)
        %dma_wait3A_510 = tpu.memref_slice %arg17[%mul3A_507] : memref<131072xf32, #tpu.memory_space<vmem_shared>> -> memref<32768xf32, #tpu.memory_space<vmem_shared>>
        %dma_wait3A_511 = tpu.memref_slice %arg17[%mul3A_507] : memref<131072xf32, #tpu.memory_space<vmem_shared>> -> memref<32768xf32, #tpu.memory_space<vmem_shared>>
        tpu.wait_dma2 semaphore(%run_scoped3A : memref<!tpu.dma_semaphore, #tpu.memory_space<semaphore_mem>>) src(%dma_wait3A_511 : memref<32768xf32, #tpu.memory_space<vmem_shared>>) dst(%arg13 : memref<32768xf32, #tpu.memory_space<vmem>>)
        tpu.yield
      }) : () -> ()
    } else {
    }
    %barrier3A_152 = arith.constant 0 : index
    tpu.barrier barrier_id(%barrier3A_152)
    %eq3A_153 = arith.constant 0 : i32
    %eq3A_154 = arith.cmpi eq, %arg1, %eq3A_153 : i32
    %convert_element_type3A_155 = arith.extui %eq3A_154 : i1 to i32
    %cond3A_156 = arith.constant 0 : i32
    %cond3A_157 = arith.cmpi ne, %convert_element_type3A_155, %cond3A_156 : i32
    scf.if %cond3A_157 {
      %add3A_489 = arith.constant 4096 : i32
      %add3A_490 = arith.addi %mul3A_4, %add3A_489 : i32
      %mul3A_491 = arith.constant 64 : i32
      %mul3A_492 = arith.muli %add3A_490, %mul3A_491 : i32
      %dma_wait3A_493 = tpu.memref_slice %arg3[%mul3A_492] : memref<1048576xf32, #tpu.memory_space<hbm>> -> memref<131072xf32, #tpu.memory_space<hbm>>
      tpu.wait_dma2 semaphore(%arg19 : memref<!tpu.dma_semaphore, #tpu.memory_space<semaphore_mem>>) src(%dma_wait3A_493 : memref<131072xf32, #tpu.memory_space<hbm>>) dst(%arg16 : memref<131072xf32, #tpu.memory_space<vmem_shared>>)
    } else {
    }
    %barrier3A_158 = arith.constant 0 : index
    tpu.barrier barrier_id(%barrier3A_158)
    %eq3A_159 = arith.constant 0 : i32
    %eq3A_160 = arith.cmpi eq, %arg1, %eq3A_159 : i32
    %convert_element_type3A_161 = arith.extui %eq3A_160 : i1 to i32
    %cond3A_162 = arith.constant 0 : i32
    %cond3A_163 = arith.cmpi ne, %convert_element_type3A_161, %cond3A_162 : i32
    scf.if %cond3A_163 {
      %add3A_489 = arith.constant 6144 : i32
      %add3A_490 = arith.addi %mul3A_4, %add3A_489 : i32
      %mul3A_491 = arith.constant 64 : i32
      %mul3A_492 = arith.muli %add3A_490, %mul3A_491 : i32
      %dma_start3A_493 = tpu.memref_slice %arg3[%mul3A_492] : memref<1048576xf32, #tpu.memory_space<hbm>> -> memref<131072xf32, #tpu.memory_space<hbm>>
      tpu.enqueue_dma source(%dma_start3A_493 : memref<131072xf32, #tpu.memory_space<hbm>>) target(%arg17 : memref<131072xf32, #tpu.memory_space<vmem_shared>>) target_semaphore(%arg19 : memref<!tpu.dma_semaphore, #tpu.memory_space<semaphore_mem>>)
    } else {
    }
    %jit3A_164 = arith.constant 4 : i32
    %div3A_165 = arith.divsi %arg1, %jit3A_164 : i32
    %sign3A_166 = arith.constant 0 : i32
    %sign3A_167 = arith.cmpi sgt, %arg1, %sign3A_166 : i32
    %sign3A_168 = arith.extui %sign3A_167 : i1 to i32
    %sign3A_169 = arith.constant 0 : i32
    %sign3A_170 = arith.cmpi slt, %arg1, %sign3A_169 : i32
    %sign3A_171 = arith.extui %sign3A_170 : i1 to i32
    %sign3A_172 = arith.subi %sign3A_168, %sign3A_171 : i32
    %sign3A_173 = arith.constant 0 : i32
    %sign3A_174 = arith.cmpi sgt, %jit3A_164, %sign3A_173 : i32
    %sign3A_175 = arith.extui %sign3A_174 : i1 to i32
    %sign3A_176 = arith.constant 0 : i32
    %sign3A_177 = arith.cmpi slt, %jit3A_164, %sign3A_176 : i32
    %sign3A_178 = arith.extui %sign3A_177 : i1 to i32
    %sign3A_179 = arith.subi %sign3A_175, %sign3A_178 : i32
    %ne3A_180 = arith.cmpi ne, %sign3A_172, %sign3A_179 : i32
    %rem3A_181 = arith.remsi %arg1, %jit3A_164 : i32
    %ne3A_182 = arith.constant 0 : i32
    %ne3A_183 = arith.cmpi ne, %rem3A_181, %ne3A_182 : i32
    %and3A_184 = arith.andi %ne3A_180, %ne3A_183 : i1
    %sub3A_185 = arith.constant 1 : i32
    %sub3A_186 = arith.subi %div3A_165, %sub3A_185 : i32
    %select_n3A_187 = arith.select %and3A_184, %sub3A_186, %div3A_165 : i32
    %eq3A_188 = arith.constant 2 : i32
    %eq3A_189 = arith.cmpi eq, %select_n3A_187, %eq3A_188 : i32
    %convert_element_type3A_190 = arith.extui %eq3A_189 : i1 to i32
    %cond3A_191 = arith.constant 0 : i32
    %cond3A_192 = arith.cmpi ne, %convert_element_type3A_190, %cond3A_191 : i32
    scf.if %cond3A_192 {
      %jit3A_489 = arith.constant 4 : i32
      %eq3A_490 = arith.constant 0 : i32
      %eq3A_491 = arith.cmpi eq, %jit3A_489, %eq3A_490 : i32
      %jit3A_492 = arith.constant 1 : i32
      %select_n3A_493 = arith.select %eq3A_491, %jit3A_492, %jit3A_489 : i32
      %rem3A_494 = arith.remsi %arg1, %select_n3A_493 : i32
      %ne3A_495 = arith.constant 0 : i32
      %ne3A_496 = arith.cmpi ne, %rem3A_494, %ne3A_495 : i32
      %lt3A = arith.constant 0 : i32
      %lt3A_497 = arith.cmpi slt, %rem3A_494, %lt3A : i32
      %lt3A_498 = arith.constant 0 : i32
      %lt3A_499 = arith.cmpi slt, %select_n3A_493, %lt3A_498 : i32
      %ne3A_500 = arith.xori %lt3A_497, %lt3A_499 : i1
      %and3A_501 = arith.andi %ne3A_500, %ne3A_496 : i1
      %add3A_502 = arith.addi %rem3A_494, %select_n3A_493 : i32
      %select_n3A_503 = arith.select %and3A_501, %add3A_502, %rem3A_494 : i32
      %mul3A_504 = arith.constant 512 : i32
      %mul3A_505 = arith.muli %select_n3A_503, %mul3A_504 : i32
      %mul3A_506 = arith.constant 64 : i32
      %mul3A_507 = arith.muli %mul3A_505, %mul3A_506 : i32
      "tpu.region"() ({
        %run_scoped3A = tpu.sem_alloc : memref<!tpu.dma_semaphore, #tpu.memory_space<semaphore_mem>>
        %dma_start3A_508 = tpu.memref_slice %arg16[%mul3A_507] : memref<131072xf32, #tpu.memory_space<vmem_shared>> -> memref<32768xf32, #tpu.memory_space<vmem_shared>>
        %dma_start3A_509 = tpu.memref_slice %arg16[%mul3A_507] : memref<131072xf32, #tpu.memory_space<vmem_shared>> -> memref<32768xf32, #tpu.memory_space<vmem_shared>>
        tpu.enqueue_dma source(%dma_start3A_509 : memref<32768xf32, #tpu.memory_space<vmem_shared>>) target(%arg13 : memref<32768xf32, #tpu.memory_space<vmem>>) target_semaphore(%run_scoped3A : memref<!tpu.dma_semaphore, #tpu.memory_space<semaphore_mem>>)
        %dma_wait3A_510 = tpu.memref_slice %arg16[%mul3A_507] : memref<131072xf32, #tpu.memory_space<vmem_shared>> -> memref<32768xf32, #tpu.memory_space<vmem_shared>>
        %dma_wait3A_511 = tpu.memref_slice %arg16[%mul3A_507] : memref<131072xf32, #tpu.memory_space<vmem_shared>> -> memref<32768xf32, #tpu.memory_space<vmem_shared>>
        tpu.wait_dma2 semaphore(%run_scoped3A : memref<!tpu.dma_semaphore, #tpu.memory_space<semaphore_mem>>) src(%dma_wait3A_511 : memref<32768xf32, #tpu.memory_space<vmem_shared>>) dst(%arg13 : memref<32768xf32, #tpu.memory_space<vmem>>)
        tpu.yield
      }) : () -> ()
    } else {
    }
    %barrier3A_193 = arith.constant 0 : index
    tpu.barrier barrier_id(%barrier3A_193)
    %eq3A_194 = arith.constant 0 : i32
    %eq3A_195 = arith.cmpi eq, %arg1, %eq3A_194 : i32
    %convert_element_type3A_196 = arith.extui %eq3A_195 : i1 to i32
    %cond3A_197 = arith.constant 0 : i32
    %cond3A_198 = arith.cmpi ne, %convert_element_type3A_196, %cond3A_197 : i32
    scf.if %cond3A_198 {
      %add3A_489 = arith.constant 6144 : i32
      %add3A_490 = arith.addi %mul3A_4, %add3A_489 : i32
      %mul3A_491 = arith.constant 64 : i32
      %mul3A_492 = arith.muli %add3A_490, %mul3A_491 : i32
      %dma_wait3A_493 = tpu.memref_slice %arg3[%mul3A_492] : memref<1048576xf32, #tpu.memory_space<hbm>> -> memref<131072xf32, #tpu.memory_space<hbm>>
      tpu.wait_dma2 semaphore(%arg19 : memref<!tpu.dma_semaphore, #tpu.memory_space<semaphore_mem>>) src(%dma_wait3A_493 : memref<131072xf32, #tpu.memory_space<hbm>>) dst(%arg17 : memref<131072xf32, #tpu.memory_space<vmem_shared>>)
    } else {
    }
    %barrier3A_199 = arith.constant 0 : index
    tpu.barrier barrier_id(%barrier3A_199)
    %eq3A_200 = arith.constant 0 : i32
    %eq3A_201 = arith.cmpi eq, %arg1, %eq3A_200 : i32
    %convert_element_type3A_202 = arith.extui %eq3A_201 : i1 to i32
    %cond3A_203 = arith.constant 0 : i32
    %cond3A_204 = arith.cmpi ne, %convert_element_type3A_202, %cond3A_203 : i32
    scf.if %cond3A_204 {
      %add3A_489 = arith.constant 0 : i32
      %add3A_490 = arith.addi %mul3A_4, %add3A_489 : i32
      %mul3A_491 = arith.constant 64 : i32
      %mul3A_492 = arith.muli %add3A_490, %mul3A_491 : i32
      %dma_start3A_493 = tpu.memref_slice %arg2[%mul3A_492] : memref<1048576xf32, #tpu.memory_space<hbm>> -> memref<131072xf32, #tpu.memory_space<hbm>>
      tpu.enqueue_dma source(%dma_start3A_493 : memref<131072xf32, #tpu.memory_space<hbm>>) target(%arg16 : memref<131072xf32, #tpu.memory_space<vmem_shared>>) target_semaphore(%arg19 : memref<!tpu.dma_semaphore, #tpu.memory_space<semaphore_mem>>)
    } else {
    }
    %jit3A_205 = arith.constant 4 : i32
    %div3A_206 = arith.divsi %arg1, %jit3A_205 : i32
    %sign3A_207 = arith.constant 0 : i32
    %sign3A_208 = arith.cmpi sgt, %arg1, %sign3A_207 : i32
    %sign3A_209 = arith.extui %sign3A_208 : i1 to i32
    %sign3A_210 = arith.constant 0 : i32
    %sign3A_211 = arith.cmpi slt, %arg1, %sign3A_210 : i32
    %sign3A_212 = arith.extui %sign3A_211 : i1 to i32
    %sign3A_213 = arith.subi %sign3A_209, %sign3A_212 : i32
    %sign3A_214 = arith.constant 0 : i32
    %sign3A_215 = arith.cmpi sgt, %jit3A_205, %sign3A_214 : i32
    %sign3A_216 = arith.extui %sign3A_215 : i1 to i32
    %sign3A_217 = arith.constant 0 : i32
    %sign3A_218 = arith.cmpi slt, %jit3A_205, %sign3A_217 : i32
    %sign3A_219 = arith.extui %sign3A_218 : i1 to i32
    %sign3A_220 = arith.subi %sign3A_216, %sign3A_219 : i32
    %ne3A_221 = arith.cmpi ne, %sign3A_213, %sign3A_220 : i32
    %rem3A_222 = arith.remsi %arg1, %jit3A_205 : i32
    %ne3A_223 = arith.constant 0 : i32
    %ne3A_224 = arith.cmpi ne, %rem3A_222, %ne3A_223 : i32
    %and3A_225 = arith.andi %ne3A_221, %ne3A_224 : i1
    %sub3A_226 = arith.constant 1 : i32
    %sub3A_227 = arith.subi %div3A_206, %sub3A_226 : i32
    %select_n3A_228 = arith.select %and3A_225, %sub3A_227, %div3A_206 : i32
    %eq3A_229 = arith.constant 3 : i32
    %eq3A_230 = arith.cmpi eq, %select_n3A_228, %eq3A_229 : i32
    %convert_element_type3A_231 = arith.extui %eq3A_230 : i1 to i32
    %cond3A_232 = arith.constant 0 : i32
    %cond3A_233 = arith.cmpi ne, %convert_element_type3A_231, %cond3A_232 : i32
    scf.if %cond3A_233 {
      %jit3A_489 = arith.constant 4 : i32
      %eq3A_490 = arith.constant 0 : i32
      %eq3A_491 = arith.cmpi eq, %jit3A_489, %eq3A_490 : i32
      %jit3A_492 = arith.constant 1 : i32
      %select_n3A_493 = arith.select %eq3A_491, %jit3A_492, %jit3A_489 : i32
      %rem3A_494 = arith.remsi %arg1, %select_n3A_493 : i32
      %ne3A_495 = arith.constant 0 : i32
      %ne3A_496 = arith.cmpi ne, %rem3A_494, %ne3A_495 : i32
      %lt3A = arith.constant 0 : i32
      %lt3A_497 = arith.cmpi slt, %rem3A_494, %lt3A : i32
      %lt3A_498 = arith.constant 0 : i32
      %lt3A_499 = arith.cmpi slt, %select_n3A_493, %lt3A_498 : i32
      %ne3A_500 = arith.xori %lt3A_497, %lt3A_499 : i1
      %and3A_501 = arith.andi %ne3A_500, %ne3A_496 : i1
      %add3A_502 = arith.addi %rem3A_494, %select_n3A_493 : i32
      %select_n3A_503 = arith.select %and3A_501, %add3A_502, %rem3A_494 : i32
      %mul3A_504 = arith.constant 512 : i32
      %mul3A_505 = arith.muli %select_n3A_503, %mul3A_504 : i32
      %mul3A_506 = arith.constant 64 : i32
      %mul3A_507 = arith.muli %mul3A_505, %mul3A_506 : i32
      "tpu.region"() ({
        %run_scoped3A = tpu.sem_alloc : memref<!tpu.dma_semaphore, #tpu.memory_space<semaphore_mem>>
        %dma_start3A_508 = tpu.memref_slice %arg17[%mul3A_507] : memref<131072xf32, #tpu.memory_space<vmem_shared>> -> memref<32768xf32, #tpu.memory_space<vmem_shared>>
        %dma_start3A_509 = tpu.memref_slice %arg17[%mul3A_507] : memref<131072xf32, #tpu.memory_space<vmem_shared>> -> memref<32768xf32, #tpu.memory_space<vmem_shared>>
        tpu.enqueue_dma source(%dma_start3A_509 : memref<32768xf32, #tpu.memory_space<vmem_shared>>) target(%arg13 : memref<32768xf32, #tpu.memory_space<vmem>>) target_semaphore(%run_scoped3A : memref<!tpu.dma_semaphore, #tpu.memory_space<semaphore_mem>>)
        %dma_wait3A_510 = tpu.memref_slice %arg17[%mul3A_507] : memref<131072xf32, #tpu.memory_space<vmem_shared>> -> memref<32768xf32, #tpu.memory_space<vmem_shared>>
        %dma_wait3A_511 = tpu.memref_slice %arg17[%mul3A_507] : memref<131072xf32, #tpu.memory_space<vmem_shared>> -> memref<32768xf32, #tpu.memory_space<vmem_shared>>
        tpu.wait_dma2 semaphore(%run_scoped3A : memref<!tpu.dma_semaphore, #tpu.memory_space<semaphore_mem>>) src(%dma_wait3A_511 : memref<32768xf32, #tpu.memory_space<vmem_shared>>) dst(%arg13 : memref<32768xf32, #tpu.memory_space<vmem>>)
        tpu.yield
      }) : () -> ()
    } else {
    }
    %barrier3A_234 = arith.constant 0 : index
    tpu.barrier barrier_id(%barrier3A_234)
    %eq3A_235 = arith.constant 0 : i32
    %eq3A_236 = arith.cmpi eq, %arg1, %eq3A_235 : i32
    %convert_element_type3A_237 = arith.extui %eq3A_236 : i1 to i32
    %cond3A_238 = arith.constant 0 : i32
    %cond3A_239 = arith.cmpi ne, %convert_element_type3A_237, %cond3A_238 : i32
    scf.if %cond3A_239 {
      %add3A_489 = arith.constant 0 : i32
      %add3A_490 = arith.addi %mul3A_4, %add3A_489 : i32
      %mul3A_491 = arith.constant 64 : i32
      %mul3A_492 = arith.muli %add3A_490, %mul3A_491 : i32
      %dma_wait3A_493 = tpu.memref_slice %arg2[%mul3A_492] : memref<1048576xf32, #tpu.memory_space<hbm>> -> memref<131072xf32, #tpu.memory_space<hbm>>
      tpu.wait_dma2 semaphore(%arg19 : memref<!tpu.dma_semaphore, #tpu.memory_space<semaphore_mem>>) src(%dma_wait3A_493 : memref<131072xf32, #tpu.memory_space<hbm>>) dst(%arg16 : memref<131072xf32, #tpu.memory_space<vmem_shared>>)
    } else {
    }
    %barrier3A_240 = arith.constant 0 : index
    tpu.barrier barrier_id(%barrier3A_240)
    %eq3A_241 = arith.constant 0 : i32
    %eq3A_242 = arith.cmpi eq, %arg1, %eq3A_241 : i32
    %convert_element_type3A_243 = arith.extui %eq3A_242 : i1 to i32
    %cond3A_244 = arith.constant 0 : i32
    %cond3A_245 = arith.cmpi ne, %convert_element_type3A_243, %cond3A_244 : i32
    scf.if %cond3A_245 {
      %add3A_489 = arith.constant 2048 : i32
      %add3A_490 = arith.addi %mul3A_4, %add3A_489 : i32
      %mul3A_491 = arith.constant 64 : i32
      %mul3A_492 = arith.muli %add3A_490, %mul3A_491 : i32
      %dma_start3A_493 = tpu.memref_slice %arg2[%mul3A_492] : memref<1048576xf32, #tpu.memory_space<hbm>> -> memref<131072xf32, #tpu.memory_space<hbm>>
      tpu.enqueue_dma source(%dma_start3A_493 : memref<131072xf32, #tpu.memory_space<hbm>>) target(%arg17 : memref<131072xf32, #tpu.memory_space<vmem_shared>>) target_semaphore(%arg19 : memref<!tpu.dma_semaphore, #tpu.memory_space<semaphore_mem>>)
    } else {
    }
    %jit3A_246 = arith.constant 4 : i32
    %div3A_247 = arith.divsi %arg1, %jit3A_246 : i32
    %sign3A_248 = arith.constant 0 : i32
    %sign3A_249 = arith.cmpi sgt, %arg1, %sign3A_248 : i32
    %sign3A_250 = arith.extui %sign3A_249 : i1 to i32
    %sign3A_251 = arith.constant 0 : i32
    %sign3A_252 = arith.cmpi slt, %arg1, %sign3A_251 : i32
    %sign3A_253 = arith.extui %sign3A_252 : i1 to i32
    %sign3A_254 = arith.subi %sign3A_250, %sign3A_253 : i32
    %sign3A_255 = arith.constant 0 : i32
    %sign3A_256 = arith.cmpi sgt, %jit3A_246, %sign3A_255 : i32
    %sign3A_257 = arith.extui %sign3A_256 : i1 to i32
    %sign3A_258 = arith.constant 0 : i32
    %sign3A_259 = arith.cmpi slt, %jit3A_246, %sign3A_258 : i32
    %sign3A_260 = arith.extui %sign3A_259 : i1 to i32
    %sign3A_261 = arith.subi %sign3A_257, %sign3A_260 : i32
    %ne3A_262 = arith.cmpi ne, %sign3A_254, %sign3A_261 : i32
    %rem3A_263 = arith.remsi %arg1, %jit3A_246 : i32
    %ne3A_264 = arith.constant 0 : i32
    %ne3A_265 = arith.cmpi ne, %rem3A_263, %ne3A_264 : i32
    %and3A_266 = arith.andi %ne3A_262, %ne3A_265 : i1
    %sub3A_267 = arith.constant 1 : i32
    %sub3A_268 = arith.subi %div3A_247, %sub3A_267 : i32
    %select_n3A_269 = arith.select %and3A_266, %sub3A_268, %div3A_247 : i32
    %eq3A_270 = arith.constant 0 : i32
    %eq3A_271 = arith.cmpi eq, %select_n3A_269, %eq3A_270 : i32
    %convert_element_type3A_272 = arith.extui %eq3A_271 : i1 to i32
    %cond3A_273 = arith.constant 0 : i32
    %cond3A_274 = arith.cmpi ne, %convert_element_type3A_272, %cond3A_273 : i32
    scf.if %cond3A_274 {
      %jit3A_489 = arith.constant 4 : i32
      %eq3A_490 = arith.constant 0 : i32
      %eq3A_491 = arith.cmpi eq, %jit3A_489, %eq3A_490 : i32
      %jit3A_492 = arith.constant 1 : i32
      %select_n3A_493 = arith.select %eq3A_491, %jit3A_492, %jit3A_489 : i32
      %rem3A_494 = arith.remsi %arg1, %select_n3A_493 : i32
      %ne3A_495 = arith.constant 0 : i32
      %ne3A_496 = arith.cmpi ne, %rem3A_494, %ne3A_495 : i32
      %lt3A = arith.constant 0 : i32
      %lt3A_497 = arith.cmpi slt, %rem3A_494, %lt3A : i32
      %lt3A_498 = arith.constant 0 : i32
      %lt3A_499 = arith.cmpi slt, %select_n3A_493, %lt3A_498 : i32
      %ne3A_500 = arith.xori %lt3A_497, %lt3A_499 : i1
      %and3A_501 = arith.andi %ne3A_500, %ne3A_496 : i1
      %add3A_502 = arith.addi %rem3A_494, %select_n3A_493 : i32
      %select_n3A_503 = arith.select %and3A_501, %add3A_502, %rem3A_494 : i32
      %mul3A_504 = arith.constant 512 : i32
      %mul3A_505 = arith.muli %select_n3A_503, %mul3A_504 : i32
      %mul3A_506 = arith.constant 64 : i32
      %mul3A_507 = arith.muli %mul3A_505, %mul3A_506 : i32
      "tpu.region"() ({
        %run_scoped3A = tpu.sem_alloc : memref<!tpu.dma_semaphore, #tpu.memory_space<semaphore_mem>>
        %dma_start3A_508 = tpu.memref_slice %arg16[%mul3A_507] : memref<131072xf32, #tpu.memory_space<vmem_shared>> -> memref<32768xf32, #tpu.memory_space<vmem_shared>>
        %dma_start3A_509 = tpu.memref_slice %arg16[%mul3A_507] : memref<131072xf32, #tpu.memory_space<vmem_shared>> -> memref<32768xf32, #tpu.memory_space<vmem_shared>>
        tpu.enqueue_dma source(%dma_start3A_509 : memref<32768xf32, #tpu.memory_space<vmem_shared>>) target(%arg12 : memref<32768xf32, #tpu.memory_space<vmem>>) target_semaphore(%run_scoped3A : memref<!tpu.dma_semaphore, #tpu.memory_space<semaphore_mem>>)
        %dma_wait3A_510 = tpu.memref_slice %arg16[%mul3A_507] : memref<131072xf32, #tpu.memory_space<vmem_shared>> -> memref<32768xf32, #tpu.memory_space<vmem_shared>>
        %dma_wait3A_511 = tpu.memref_slice %arg16[%mul3A_507] : memref<131072xf32, #tpu.memory_space<vmem_shared>> -> memref<32768xf32, #tpu.memory_space<vmem_shared>>
        tpu.wait_dma2 semaphore(%run_scoped3A : memref<!tpu.dma_semaphore, #tpu.memory_space<semaphore_mem>>) src(%dma_wait3A_511 : memref<32768xf32, #tpu.memory_space<vmem_shared>>) dst(%arg12 : memref<32768xf32, #tpu.memory_space<vmem>>)
        tpu.yield
      }) : () -> ()
    } else {
    }
    %barrier3A_275 = arith.constant 0 : index
    tpu.barrier barrier_id(%barrier3A_275)
    %eq3A_276 = arith.constant 0 : i32
    %eq3A_277 = arith.cmpi eq, %arg1, %eq3A_276 : i32
    %convert_element_type3A_278 = arith.extui %eq3A_277 : i1 to i32
    %cond3A_279 = arith.constant 0 : i32
    %cond3A_280 = arith.cmpi ne, %convert_element_type3A_278, %cond3A_279 : i32
    scf.if %cond3A_280 {
      %add3A_489 = arith.constant 2048 : i32
      %add3A_490 = arith.addi %mul3A_4, %add3A_489 : i32
      %mul3A_491 = arith.constant 64 : i32
      %mul3A_492 = arith.muli %add3A_490, %mul3A_491 : i32
      %dma_wait3A_493 = tpu.memref_slice %arg2[%mul3A_492] : memref<1048576xf32, #tpu.memory_space<hbm>> -> memref<131072xf32, #tpu.memory_space<hbm>>
      tpu.wait_dma2 semaphore(%arg19 : memref<!tpu.dma_semaphore, #tpu.memory_space<semaphore_mem>>) src(%dma_wait3A_493 : memref<131072xf32, #tpu.memory_space<hbm>>) dst(%arg17 : memref<131072xf32, #tpu.memory_space<vmem_shared>>)
    } else {
    }
    %barrier3A_281 = arith.constant 0 : index
    tpu.barrier barrier_id(%barrier3A_281)
    %eq3A_282 = arith.constant 0 : i32
    %eq3A_283 = arith.cmpi eq, %arg1, %eq3A_282 : i32
    %convert_element_type3A_284 = arith.extui %eq3A_283 : i1 to i32
    %cond3A_285 = arith.constant 0 : i32
    %cond3A_286 = arith.cmpi ne, %convert_element_type3A_284, %cond3A_285 : i32
    scf.if %cond3A_286 {
      %add3A_489 = arith.constant 4096 : i32
      %add3A_490 = arith.addi %mul3A_4, %add3A_489 : i32
      %mul3A_491 = arith.constant 64 : i32
      %mul3A_492 = arith.muli %add3A_490, %mul3A_491 : i32
      %dma_start3A_493 = tpu.memref_slice %arg2[%mul3A_492] : memref<1048576xf32, #tpu.memory_space<hbm>> -> memref<131072xf32, #tpu.memory_space<hbm>>
      tpu.enqueue_dma source(%dma_start3A_493 : memref<131072xf32, #tpu.memory_space<hbm>>) target(%arg16 : memref<131072xf32, #tpu.memory_space<vmem_shared>>) target_semaphore(%arg19 : memref<!tpu.dma_semaphore, #tpu.memory_space<semaphore_mem>>)
    } else {
    }
    %jit3A_287 = arith.constant 4 : i32
    %div3A_288 = arith.divsi %arg1, %jit3A_287 : i32
    %sign3A_289 = arith.constant 0 : i32
    %sign3A_290 = arith.cmpi sgt, %arg1, %sign3A_289 : i32
    %sign3A_291 = arith.extui %sign3A_290 : i1 to i32
    %sign3A_292 = arith.constant 0 : i32
    %sign3A_293 = arith.cmpi slt, %arg1, %sign3A_292 : i32
    %sign3A_294 = arith.extui %sign3A_293 : i1 to i32
    %sign3A_295 = arith.subi %sign3A_291, %sign3A_294 : i32
    %sign3A_296 = arith.constant 0 : i32
    %sign3A_297 = arith.cmpi sgt, %jit3A_287, %sign3A_296 : i32
    %sign3A_298 = arith.extui %sign3A_297 : i1 to i32
    %sign3A_299 = arith.constant 0 : i32
    %sign3A_300 = arith.cmpi slt, %jit3A_287, %sign3A_299 : i32
    %sign3A_301 = arith.extui %sign3A_300 : i1 to i32
    %sign3A_302 = arith.subi %sign3A_298, %sign3A_301 : i32
    %ne3A_303 = arith.cmpi ne, %sign3A_295, %sign3A_302 : i32
    %rem3A_304 = arith.remsi %arg1, %jit3A_287 : i32
    %ne3A_305 = arith.constant 0 : i32
    %ne3A_306 = arith.cmpi ne, %rem3A_304, %ne3A_305 : i32
    %and3A_307 = arith.andi %ne3A_303, %ne3A_306 : i1
    %sub3A_308 = arith.constant 1 : i32
    %sub3A_309 = arith.subi %div3A_288, %sub3A_308 : i32
    %select_n3A_310 = arith.select %and3A_307, %sub3A_309, %div3A_288 : i32
    %eq3A_311 = arith.constant 1 : i32
    %eq3A_312 = arith.cmpi eq, %select_n3A_310, %eq3A_311 : i32
    %convert_element_type3A_313 = arith.extui %eq3A_312 : i1 to i32
    %cond3A_314 = arith.constant 0 : i32
    %cond3A_315 = arith.cmpi ne, %convert_element_type3A_313, %cond3A_314 : i32
    scf.if %cond3A_315 {
      %jit3A_489 = arith.constant 4 : i32
      %eq3A_490 = arith.constant 0 : i32
      %eq3A_491 = arith.cmpi eq, %jit3A_489, %eq3A_490 : i32
      %jit3A_492 = arith.constant 1 : i32
      %select_n3A_493 = arith.select %eq3A_491, %jit3A_492, %jit3A_489 : i32
      %rem3A_494 = arith.remsi %arg1, %select_n3A_493 : i32
      %ne3A_495 = arith.constant 0 : i32
      %ne3A_496 = arith.cmpi ne, %rem3A_494, %ne3A_495 : i32
      %lt3A = arith.constant 0 : i32
      %lt3A_497 = arith.cmpi slt, %rem3A_494, %lt3A : i32
      %lt3A_498 = arith.constant 0 : i32
      %lt3A_499 = arith.cmpi slt, %select_n3A_493, %lt3A_498 : i32
      %ne3A_500 = arith.xori %lt3A_497, %lt3A_499 : i1
      %and3A_501 = arith.andi %ne3A_500, %ne3A_496 : i1
      %add3A_502 = arith.addi %rem3A_494, %select_n3A_493 : i32
      %select_n3A_503 = arith.select %and3A_501, %add3A_502, %rem3A_494 : i32
      %mul3A_504 = arith.constant 512 : i32
      %mul3A_505 = arith.muli %select_n3A_503, %mul3A_504 : i32
      %mul3A_506 = arith.constant 64 : i32
      %mul3A_507 = arith.muli %mul3A_505, %mul3A_506 : i32
      "tpu.region"() ({
        %run_scoped3A = tpu.sem_alloc : memref<!tpu.dma_semaphore, #tpu.memory_space<semaphore_mem>>
        %dma_start3A_508 = tpu.memref_slice %arg17[%mul3A_507] : memref<131072xf32, #tpu.memory_space<vmem_shared>> -> memref<32768xf32, #tpu.memory_space<vmem_shared>>
        %dma_start3A_509 = tpu.memref_slice %arg17[%mul3A_507] : memref<131072xf32, #tpu.memory_space<vmem_shared>> -> memref<32768xf32, #tpu.memory_space<vmem_shared>>
        tpu.enqueue_dma source(%dma_start3A_509 : memref<32768xf32, #tpu.memory_space<vmem_shared>>) target(%arg12 : memref<32768xf32, #tpu.memory_space<vmem>>) target_semaphore(%run_scoped3A : memref<!tpu.dma_semaphore, #tpu.memory_space<semaphore_mem>>)
        %dma_wait3A_510 = tpu.memref_slice %arg17[%mul3A_507] : memref<131072xf32, #tpu.memory_space<vmem_shared>> -> memref<32768xf32, #tpu.memory_space<vmem_shared>>
        %dma_wait3A_511 = tpu.memref_slice %arg17[%mul3A_507] : memref<131072xf32, #tpu.memory_space<vmem_shared>> -> memref<32768xf32, #tpu.memory_space<vmem_shared>>
        tpu.wait_dma2 semaphore(%run_scoped3A : memref<!tpu.dma_semaphore, #tpu.memory_space<semaphore_mem>>) src(%dma_wait3A_511 : memref<32768xf32, #tpu.memory_space<vmem_shared>>) dst(%arg12 : memref<32768xf32, #tpu.memory_space<vmem>>)
        tpu.yield
      }) : () -> ()
    } else {
    }
    %barrier3A_316 = arith.constant 0 : index
    tpu.barrier barrier_id(%barrier3A_316)
    %eq3A_317 = arith.constant 0 : i32
    %eq3A_318 = arith.cmpi eq, %arg1, %eq3A_317 : i32
    %convert_element_type3A_319 = arith.extui %eq3A_318 : i1 to i32
    %cond3A_320 = arith.constant 0 : i32
    %cond3A_321 = arith.cmpi ne, %convert_element_type3A_319, %cond3A_320 : i32
    scf.if %cond3A_321 {
      %add3A_489 = arith.constant 4096 : i32
      %add3A_490 = arith.addi %mul3A_4, %add3A_489 : i32
      %mul3A_491 = arith.constant 64 : i32
      %mul3A_492 = arith.muli %add3A_490, %mul3A_491 : i32
      %dma_wait3A_493 = tpu.memref_slice %arg2[%mul3A_492] : memref<1048576xf32, #tpu.memory_space<hbm>> -> memref<131072xf32, #tpu.memory_space<hbm>>
      tpu.wait_dma2 semaphore(%arg19 : memref<!tpu.dma_semaphore, #tpu.memory_space<semaphore_mem>>) src(%dma_wait3A_493 : memref<131072xf32, #tpu.memory_space<hbm>>) dst(%arg16 : memref<131072xf32, #tpu.memory_space<vmem_shared>>)
    } else {
    }
    %barrier3A_322 = arith.constant 0 : index
    tpu.barrier barrier_id(%barrier3A_322)
    %eq3A_323 = arith.constant 0 : i32
    %eq3A_324 = arith.cmpi eq, %arg1, %eq3A_323 : i32
    %convert_element_type3A_325 = arith.extui %eq3A_324 : i1 to i32
    %cond3A_326 = arith.constant 0 : i32
    %cond3A_327 = arith.cmpi ne, %convert_element_type3A_325, %cond3A_326 : i32
    scf.if %cond3A_327 {
      %add3A_489 = arith.constant 6144 : i32
      %add3A_490 = arith.addi %mul3A_4, %add3A_489 : i32
      %mul3A_491 = arith.constant 64 : i32
      %mul3A_492 = arith.muli %add3A_490, %mul3A_491 : i32
      %dma_start3A_493 = tpu.memref_slice %arg2[%mul3A_492] : memref<1048576xf32, #tpu.memory_space<hbm>> -> memref<131072xf32, #tpu.memory_space<hbm>>
      tpu.enqueue_dma source(%dma_start3A_493 : memref<131072xf32, #tpu.memory_space<hbm>>) target(%arg17 : memref<131072xf32, #tpu.memory_space<vmem_shared>>) target_semaphore(%arg19 : memref<!tpu.dma_semaphore, #tpu.memory_space<semaphore_mem>>)
    } else {
    }
    %jit3A_328 = arith.constant 4 : i32
    %div3A_329 = arith.divsi %arg1, %jit3A_328 : i32
    %sign3A_330 = arith.constant 0 : i32
    %sign3A_331 = arith.cmpi sgt, %arg1, %sign3A_330 : i32
    %sign3A_332 = arith.extui %sign3A_331 : i1 to i32
    %sign3A_333 = arith.constant 0 : i32
    %sign3A_334 = arith.cmpi slt, %arg1, %sign3A_333 : i32
    %sign3A_335 = arith.extui %sign3A_334 : i1 to i32
    %sign3A_336 = arith.subi %sign3A_332, %sign3A_335 : i32
    %sign3A_337 = arith.constant 0 : i32
    %sign3A_338 = arith.cmpi sgt, %jit3A_328, %sign3A_337 : i32
    %sign3A_339 = arith.extui %sign3A_338 : i1 to i32
    %sign3A_340 = arith.constant 0 : i32
    %sign3A_341 = arith.cmpi slt, %jit3A_328, %sign3A_340 : i32
    %sign3A_342 = arith.extui %sign3A_341 : i1 to i32
    %sign3A_343 = arith.subi %sign3A_339, %sign3A_342 : i32
    %ne3A_344 = arith.cmpi ne, %sign3A_336, %sign3A_343 : i32
    %rem3A_345 = arith.remsi %arg1, %jit3A_328 : i32
    %ne3A_346 = arith.constant 0 : i32
    %ne3A_347 = arith.cmpi ne, %rem3A_345, %ne3A_346 : i32
    %and3A_348 = arith.andi %ne3A_344, %ne3A_347 : i1
    %sub3A_349 = arith.constant 1 : i32
    %sub3A_350 = arith.subi %div3A_329, %sub3A_349 : i32
    %select_n3A_351 = arith.select %and3A_348, %sub3A_350, %div3A_329 : i32
    %eq3A_352 = arith.constant 2 : i32
    %eq3A_353 = arith.cmpi eq, %select_n3A_351, %eq3A_352 : i32
    %convert_element_type3A_354 = arith.extui %eq3A_353 : i1 to i32
    %cond3A_355 = arith.constant 0 : i32
    %cond3A_356 = arith.cmpi ne, %convert_element_type3A_354, %cond3A_355 : i32
    scf.if %cond3A_356 {
      %jit3A_489 = arith.constant 4 : i32
      %eq3A_490 = arith.constant 0 : i32
      %eq3A_491 = arith.cmpi eq, %jit3A_489, %eq3A_490 : i32
      %jit3A_492 = arith.constant 1 : i32
      %select_n3A_493 = arith.select %eq3A_491, %jit3A_492, %jit3A_489 : i32
      %rem3A_494 = arith.remsi %arg1, %select_n3A_493 : i32
      %ne3A_495 = arith.constant 0 : i32
      %ne3A_496 = arith.cmpi ne, %rem3A_494, %ne3A_495 : i32
      %lt3A = arith.constant 0 : i32
      %lt3A_497 = arith.cmpi slt, %rem3A_494, %lt3A : i32
      %lt3A_498 = arith.constant 0 : i32
      %lt3A_499 = arith.cmpi slt, %select_n3A_493, %lt3A_498 : i32
      %ne3A_500 = arith.xori %lt3A_497, %lt3A_499 : i1
      %and3A_501 = arith.andi %ne3A_500, %ne3A_496 : i1
      %add3A_502 = arith.addi %rem3A_494, %select_n3A_493 : i32
      %select_n3A_503 = arith.select %and3A_501, %add3A_502, %rem3A_494 : i32
      %mul3A_504 = arith.constant 512 : i32
      %mul3A_505 = arith.muli %select_n3A_503, %mul3A_504 : i32
      %mul3A_506 = arith.constant 64 : i32
      %mul3A_507 = arith.muli %mul3A_505, %mul3A_506 : i32
      "tpu.region"() ({
        %run_scoped3A = tpu.sem_alloc : memref<!tpu.dma_semaphore, #tpu.memory_space<semaphore_mem>>
        %dma_start3A_508 = tpu.memref_slice %arg16[%mul3A_507] : memref<131072xf32, #tpu.memory_space<vmem_shared>> -> memref<32768xf32, #tpu.memory_space<vmem_shared>>
        %dma_start3A_509 = tpu.memref_slice %arg16[%mul3A_507] : memref<131072xf32, #tpu.memory_space<vmem_shared>> -> memref<32768xf32, #tpu.memory_space<vmem_shared>>
        tpu.enqueue_dma source(%dma_start3A_509 : memref<32768xf32, #tpu.memory_space<vmem_shared>>) target(%arg12 : memref<32768xf32, #tpu.memory_space<vmem>>) target_semaphore(%run_scoped3A : memref<!tpu.dma_semaphore, #tpu.memory_space<semaphore_mem>>)
        %dma_wait3A_510 = tpu.memref_slice %arg16[%mul3A_507] : memref<131072xf32, #tpu.memory_space<vmem_shared>> -> memref<32768xf32, #tpu.memory_space<vmem_shared>>
        %dma_wait3A_511 = tpu.memref_slice %arg16[%mul3A_507] : memref<131072xf32, #tpu.memory_space<vmem_shared>> -> memref<32768xf32, #tpu.memory_space<vmem_shared>>
        tpu.wait_dma2 semaphore(%run_scoped3A : memref<!tpu.dma_semaphore, #tpu.memory_space<semaphore_mem>>) src(%dma_wait3A_511 : memref<32768xf32, #tpu.memory_space<vmem_shared>>) dst(%arg12 : memref<32768xf32, #tpu.memory_space<vmem>>)
        tpu.yield
      }) : () -> ()
    } else {
    }
    %barrier3A_357 = arith.constant 0 : index
    tpu.barrier barrier_id(%barrier3A_357)
    %eq3A_358 = arith.constant 0 : i32
    %eq3A_359 = arith.cmpi eq, %arg1, %eq3A_358 : i32
    %convert_element_type3A_360 = arith.extui %eq3A_359 : i1 to i32
    %cond3A_361 = arith.constant 0 : i32
    %cond3A_362 = arith.cmpi ne, %convert_element_type3A_360, %cond3A_361 : i32
    scf.if %cond3A_362 {
      %add3A_489 = arith.constant 6144 : i32
      %add3A_490 = arith.addi %mul3A_4, %add3A_489 : i32
      %mul3A_491 = arith.constant 64 : i32
      %mul3A_492 = arith.muli %add3A_490, %mul3A_491 : i32
      %dma_wait3A_493 = tpu.memref_slice %arg2[%mul3A_492] : memref<1048576xf32, #tpu.memory_space<hbm>> -> memref<131072xf32, #tpu.memory_space<hbm>>
      tpu.wait_dma2 semaphore(%arg19 : memref<!tpu.dma_semaphore, #tpu.memory_space<semaphore_mem>>) src(%dma_wait3A_493 : memref<131072xf32, #tpu.memory_space<hbm>>) dst(%arg17 : memref<131072xf32, #tpu.memory_space<vmem_shared>>)
    } else {
    }
    %barrier3A_363 = arith.constant 0 : index
    tpu.barrier barrier_id(%barrier3A_363)
    %jit3A_364 = arith.constant 4 : i32
    %div3A_365 = arith.divsi %arg1, %jit3A_364 : i32
    %sign3A_366 = arith.constant 0 : i32
    %sign3A_367 = arith.cmpi sgt, %arg1, %sign3A_366 : i32
    %sign3A_368 = arith.extui %sign3A_367 : i1 to i32
    %sign3A_369 = arith.constant 0 : i32
    %sign3A_370 = arith.cmpi slt, %arg1, %sign3A_369 : i32
    %sign3A_371 = arith.extui %sign3A_370 : i1 to i32
    %sign3A_372 = arith.subi %sign3A_368, %sign3A_371 : i32
    %sign3A_373 = arith.constant 0 : i32
    %sign3A_374 = arith.cmpi sgt, %jit3A_364, %sign3A_373 : i32
    %sign3A_375 = arith.extui %sign3A_374 : i1 to i32
    %sign3A_376 = arith.constant 0 : i32
    %sign3A_377 = arith.cmpi slt, %jit3A_364, %sign3A_376 : i32
    %sign3A_378 = arith.extui %sign3A_377 : i1 to i32
    %sign3A_379 = arith.subi %sign3A_375, %sign3A_378 : i32
    %ne3A_380 = arith.cmpi ne, %sign3A_372, %sign3A_379 : i32
    %rem3A_381 = arith.remsi %arg1, %jit3A_364 : i32
    %ne3A_382 = arith.constant 0 : i32
    %ne3A_383 = arith.cmpi ne, %rem3A_381, %ne3A_382 : i32
    %and3A_384 = arith.andi %ne3A_380, %ne3A_383 : i1
    %sub3A_385 = arith.constant 1 : i32
    %sub3A_386 = arith.subi %div3A_365, %sub3A_385 : i32
    %select_n3A_387 = arith.select %and3A_384, %sub3A_386, %div3A_365 : i32
    %eq3A_388 = arith.constant 3 : i32
    %eq3A_389 = arith.cmpi eq, %select_n3A_387, %eq3A_388 : i32
    %convert_element_type3A_390 = arith.extui %eq3A_389 : i1 to i32
    %cond3A_391 = arith.constant 0 : i32
    %cond3A_392 = arith.cmpi ne, %convert_element_type3A_390, %cond3A_391 : i32
    scf.if %cond3A_392 {
      %jit3A_489 = arith.constant 4 : i32
      %eq3A_490 = arith.constant 0 : i32
      %eq3A_491 = arith.cmpi eq, %jit3A_489, %eq3A_490 : i32
      %jit3A_492 = arith.constant 1 : i32
      %select_n3A_493 = arith.select %eq3A_491, %jit3A_492, %jit3A_489 : i32
      %rem3A_494 = arith.remsi %arg1, %select_n3A_493 : i32
      %ne3A_495 = arith.constant 0 : i32
      %ne3A_496 = arith.cmpi ne, %rem3A_494, %ne3A_495 : i32
      %lt3A = arith.constant 0 : i32
      %lt3A_497 = arith.cmpi slt, %rem3A_494, %lt3A : i32
      %lt3A_498 = arith.constant 0 : i32
      %lt3A_499 = arith.cmpi slt, %select_n3A_493, %lt3A_498 : i32
      %ne3A_500 = arith.xori %lt3A_497, %lt3A_499 : i1
      %and3A_501 = arith.andi %ne3A_500, %ne3A_496 : i1
      %add3A_502 = arith.addi %rem3A_494, %select_n3A_493 : i32
      %select_n3A_503 = arith.select %and3A_501, %add3A_502, %rem3A_494 : i32
      %mul3A_504 = arith.constant 512 : i32
      %mul3A_505 = arith.muli %select_n3A_503, %mul3A_504 : i32
      %mul3A_506 = arith.constant 64 : i32
      %mul3A_507 = arith.muli %mul3A_505, %mul3A_506 : i32
      "tpu.region"() ({
        %run_scoped3A = tpu.sem_alloc : memref<!tpu.dma_semaphore, #tpu.memory_space<semaphore_mem>>
        %dma_start3A_508 = tpu.memref_slice %arg17[%mul3A_507] : memref<131072xf32, #tpu.memory_space<vmem_shared>> -> memref<32768xf32, #tpu.memory_space<vmem_shared>>
        %dma_start3A_509 = tpu.memref_slice %arg17[%mul3A_507] : memref<131072xf32, #tpu.memory_space<vmem_shared>> -> memref<32768xf32, #tpu.memory_space<vmem_shared>>
        tpu.enqueue_dma source(%dma_start3A_509 : memref<32768xf32, #tpu.memory_space<vmem_shared>>) target(%arg12 : memref<32768xf32, #tpu.memory_space<vmem>>) target_semaphore(%run_scoped3A : memref<!tpu.dma_semaphore, #tpu.memory_space<semaphore_mem>>)
        %dma_wait3A_510 = tpu.memref_slice %arg17[%mul3A_507] : memref<131072xf32, #tpu.memory_space<vmem_shared>> -> memref<32768xf32, #tpu.memory_space<vmem_shared>>
        %dma_wait3A_511 = tpu.memref_slice %arg17[%mul3A_507] : memref<131072xf32, #tpu.memory_space<vmem_shared>> -> memref<32768xf32, #tpu.memory_space<vmem_shared>>
        tpu.wait_dma2 semaphore(%run_scoped3A : memref<!tpu.dma_semaphore, #tpu.memory_space<semaphore_mem>>) src(%dma_wait3A_511 : memref<32768xf32, #tpu.memory_space<vmem_shared>>) dst(%arg12 : memref<32768xf32, #tpu.memory_space<vmem>>)
        tpu.yield
      }) : () -> ()
    } else {
    }
    %barrier3A_393 = arith.constant 0 : index
    tpu.barrier barrier_id(%barrier3A_393)
    %dma_wait3A = arith.constant 0 : i32
    %dma_wait3A_394 = arith.constant 0 : i32
    %dma_wait3A_395 = arith.constant 0 : i32
    %dma_wait3A_396 = tpu.memref_slice %arg10[%dma_wait3A_394, %dma_wait3A_395] : memref<512x64xf32, #tpu.memory_space<vmem>> -> memref<128x64xf32, #tpu.memory_space<vmem>>
    %dma_wait3A_397 = arith.constant 0 : i32
    %dma_wait3A_398 = tpu.memref_slice %arg9[%dma_wait3A, %dma_wait3A_397] : memref<4x128xi32, #tpu.memory_space<vmem>> -> memref<1x128xi32, #tpu.memory_space<vmem>>
    %dma_wait3A_399 = tpu.memref_squeeze %dma_wait3A_398 : memref<1x128xi32, #tpu.memory_space<vmem>> -> memref<128xi32, #tpu.memory_space<vmem>>
    %dma_wait3A_400 = arith.constant 0 : i32
    %dma_wait3A_401 = arith.constant 0 : i32
    %dma_wait3A_402 = tpu.memref_slice %arg6[%dma_wait3A_400, %dma_wait3A_401] : memref<100000x64xf32, #tpu.memory_space<hbm>> -> memref<100000x64xf32, #tpu.memory_space<hbm>>
    tpu.wait_indirect_dma semaphore(%arg18 : memref<!tpu.dma_semaphore, #tpu.memory_space<semaphore_mem>>) src(%dma_wait3A_402 : memref<100000x64xf32, #tpu.memory_space<hbm>>) dst(%dma_wait3A_396 : memref<128x64xf32, #tpu.memory_space<vmem>>)
    %dma_wait3A_403 = arith.constant 0 : i32
    %dma_wait3A_404 = arith.constant 0 : i32
    %dma_wait3A_405 = tpu.memref_slice %arg11[%dma_wait3A_404] : memref<512xf32, #tpu.memory_space<vmem>> -> memref<128xf32, #tpu.memory_space<vmem>>
    %dma_wait3A_406 = arith.constant 0 : i32
    %dma_wait3A_407 = tpu.memref_slice %arg9[%dma_wait3A_403, %dma_wait3A_406] : memref<4x128xi32, #tpu.memory_space<vmem>> -> memref<1x128xi32, #tpu.memory_space<vmem>>
    %dma_wait3A_408 = tpu.memref_squeeze %dma_wait3A_407 : memref<1x128xi32, #tpu.memory_space<vmem>> -> memref<128xi32, #tpu.memory_space<vmem>>
    %dma_wait3A_409 = arith.constant 0 : i32
    %dma_wait3A_410 = tpu.memref_slice %arg7[%dma_wait3A_409] : memref<100000xf32, #tpu.memory_space<hbm>> -> memref<100000xf32, #tpu.memory_space<hbm>>
    tpu.wait_indirect_dma semaphore(%arg18 : memref<!tpu.dma_semaphore, #tpu.memory_space<semaphore_mem>>) src(%dma_wait3A_410 : memref<100000xf32, #tpu.memory_space<hbm>>) dst(%dma_wait3A_405 : memref<128xf32, #tpu.memory_space<vmem>>)
    %dma_wait3A_411 = arith.constant 1 : i32
    %dma_wait3A_412 = arith.constant 128 : i32
    %dma_wait3A_413 = arith.constant 0 : i32
    %dma_wait3A_414 = tpu.memref_slice %arg10[%dma_wait3A_412, %dma_wait3A_413] : memref<512x64xf32, #tpu.memory_space<vmem>> -> memref<128x64xf32, #tpu.memory_space<vmem>>
    %dma_wait3A_415 = arith.constant 0 : i32
    %dma_wait3A_416 = tpu.memref_slice %arg9[%dma_wait3A_411, %dma_wait3A_415] : memref<4x128xi32, #tpu.memory_space<vmem>> -> memref<1x128xi32, #tpu.memory_space<vmem>>
    %dma_wait3A_417 = tpu.memref_squeeze %dma_wait3A_416 : memref<1x128xi32, #tpu.memory_space<vmem>> -> memref<128xi32, #tpu.memory_space<vmem>>
    %dma_wait3A_418 = arith.constant 0 : i32
    %dma_wait3A_419 = arith.constant 0 : i32
    %dma_wait3A_420 = tpu.memref_slice %arg6[%dma_wait3A_418, %dma_wait3A_419] : memref<100000x64xf32, #tpu.memory_space<hbm>> -> memref<100000x64xf32, #tpu.memory_space<hbm>>
    tpu.wait_indirect_dma semaphore(%arg18 : memref<!tpu.dma_semaphore, #tpu.memory_space<semaphore_mem>>) src(%dma_wait3A_420 : memref<100000x64xf32, #tpu.memory_space<hbm>>) dst(%dma_wait3A_414 : memref<128x64xf32, #tpu.memory_space<vmem>>)
    %dma_wait3A_421 = arith.constant 1 : i32
    %dma_wait3A_422 = arith.constant 128 : i32
    %dma_wait3A_423 = tpu.memref_slice %arg11[%dma_wait3A_422] : memref<512xf32, #tpu.memory_space<vmem>> -> memref<128xf32, #tpu.memory_space<vmem>>
    %dma_wait3A_424 = arith.constant 0 : i32
    %dma_wait3A_425 = tpu.memref_slice %arg9[%dma_wait3A_421, %dma_wait3A_424] : memref<4x128xi32, #tpu.memory_space<vmem>> -> memref<1x128xi32, #tpu.memory_space<vmem>>
    %dma_wait3A_426 = tpu.memref_squeeze %dma_wait3A_425 : memref<1x128xi32, #tpu.memory_space<vmem>> -> memref<128xi32, #tpu.memory_space<vmem>>
    %dma_wait3A_427 = arith.constant 0 : i32
    %dma_wait3A_428 = tpu.memref_slice %arg7[%dma_wait3A_427] : memref<100000xf32, #tpu.memory_space<hbm>> -> memref<100000xf32, #tpu.memory_space<hbm>>
    tpu.wait_indirect_dma semaphore(%arg18 : memref<!tpu.dma_semaphore, #tpu.memory_space<semaphore_mem>>) src(%dma_wait3A_428 : memref<100000xf32, #tpu.memory_space<hbm>>) dst(%dma_wait3A_423 : memref<128xf32, #tpu.memory_space<vmem>>)
    %dma_wait3A_429 = arith.constant 2 : i32
    %dma_wait3A_430 = arith.constant 256 : i32
    %dma_wait3A_431 = arith.constant 0 : i32
    %dma_wait3A_432 = tpu.memref_slice %arg10[%dma_wait3A_430, %dma_wait3A_431] : memref<512x64xf32, #tpu.memory_space<vmem>> -> memref<128x64xf32, #tpu.memory_space<vmem>>
    %dma_wait3A_433 = arith.constant 0 : i32
    %dma_wait3A_434 = tpu.memref_slice %arg9[%dma_wait3A_429, %dma_wait3A_433] : memref<4x128xi32, #tpu.memory_space<vmem>> -> memref<1x128xi32, #tpu.memory_space<vmem>>
    %dma_wait3A_435 = tpu.memref_squeeze %dma_wait3A_434 : memref<1x128xi32, #tpu.memory_space<vmem>> -> memref<128xi32, #tpu.memory_space<vmem>>
    %dma_wait3A_436 = arith.constant 0 : i32
    %dma_wait3A_437 = arith.constant 0 : i32
    %dma_wait3A_438 = tpu.memref_slice %arg6[%dma_wait3A_436, %dma_wait3A_437] : memref<100000x64xf32, #tpu.memory_space<hbm>> -> memref<100000x64xf32, #tpu.memory_space<hbm>>
    tpu.wait_indirect_dma semaphore(%arg18 : memref<!tpu.dma_semaphore, #tpu.memory_space<semaphore_mem>>) src(%dma_wait3A_438 : memref<100000x64xf32, #tpu.memory_space<hbm>>) dst(%dma_wait3A_432 : memref<128x64xf32, #tpu.memory_space<vmem>>)
    %dma_wait3A_439 = arith.constant 2 : i32
    %dma_wait3A_440 = arith.constant 256 : i32
    %dma_wait3A_441 = tpu.memref_slice %arg11[%dma_wait3A_440] : memref<512xf32, #tpu.memory_space<vmem>> -> memref<128xf32, #tpu.memory_space<vmem>>
    %dma_wait3A_442 = arith.constant 0 : i32
    %dma_wait3A_443 = tpu.memref_slice %arg9[%dma_wait3A_439, %dma_wait3A_442] : memref<4x128xi32, #tpu.memory_space<vmem>> -> memref<1x128xi32, #tpu.memory_space<vmem>>
    %dma_wait3A_444 = tpu.memref_squeeze %dma_wait3A_443 : memref<1x128xi32, #tpu.memory_space<vmem>> -> memref<128xi32, #tpu.memory_space<vmem>>
    %dma_wait3A_445 = arith.constant 0 : i32
    %dma_wait3A_446 = tpu.memref_slice %arg7[%dma_wait3A_445] : memref<100000xf32, #tpu.memory_space<hbm>> -> memref<100000xf32, #tpu.memory_space<hbm>>
    tpu.wait_indirect_dma semaphore(%arg18 : memref<!tpu.dma_semaphore, #tpu.memory_space<semaphore_mem>>) src(%dma_wait3A_446 : memref<100000xf32, #tpu.memory_space<hbm>>) dst(%dma_wait3A_441 : memref<128xf32, #tpu.memory_space<vmem>>)
    %dma_wait3A_447 = arith.constant 3 : i32
    %dma_wait3A_448 = arith.constant 384 : i32
    %dma_wait3A_449 = arith.constant 0 : i32
    %dma_wait3A_450 = tpu.memref_slice %arg10[%dma_wait3A_448, %dma_wait3A_449] : memref<512x64xf32, #tpu.memory_space<vmem>> -> memref<128x64xf32, #tpu.memory_space<vmem>>
    %dma_wait3A_451 = arith.constant 0 : i32
    %dma_wait3A_452 = tpu.memref_slice %arg9[%dma_wait3A_447, %dma_wait3A_451] : memref<4x128xi32, #tpu.memory_space<vmem>> -> memref<1x128xi32, #tpu.memory_space<vmem>>
    %dma_wait3A_453 = tpu.memref_squeeze %dma_wait3A_452 : memref<1x128xi32, #tpu.memory_space<vmem>> -> memref<128xi32, #tpu.memory_space<vmem>>
    %dma_wait3A_454 = arith.constant 0 : i32
    %dma_wait3A_455 = arith.constant 0 : i32
    %dma_wait3A_456 = tpu.memref_slice %arg6[%dma_wait3A_454, %dma_wait3A_455] : memref<100000x64xf32, #tpu.memory_space<hbm>> -> memref<100000x64xf32, #tpu.memory_space<hbm>>
    tpu.wait_indirect_dma semaphore(%arg18 : memref<!tpu.dma_semaphore, #tpu.memory_space<semaphore_mem>>) src(%dma_wait3A_456 : memref<100000x64xf32, #tpu.memory_space<hbm>>) dst(%dma_wait3A_450 : memref<128x64xf32, #tpu.memory_space<vmem>>)
    %dma_wait3A_457 = arith.constant 3 : i32
    %dma_wait3A_458 = arith.constant 384 : i32
    %dma_wait3A_459 = tpu.memref_slice %arg11[%dma_wait3A_458] : memref<512xf32, #tpu.memory_space<vmem>> -> memref<128xf32, #tpu.memory_space<vmem>>
    %dma_wait3A_460 = arith.constant 0 : i32
    %dma_wait3A_461 = tpu.memref_slice %arg9[%dma_wait3A_457, %dma_wait3A_460] : memref<4x128xi32, #tpu.memory_space<vmem>> -> memref<1x128xi32, #tpu.memory_space<vmem>>
    %dma_wait3A_462 = tpu.memref_squeeze %dma_wait3A_461 : memref<1x128xi32, #tpu.memory_space<vmem>> -> memref<128xi32, #tpu.memory_space<vmem>>
    %dma_wait3A_463 = arith.constant 0 : i32
    %dma_wait3A_464 = tpu.memref_slice %arg7[%dma_wait3A_463] : memref<100000xf32, #tpu.memory_space<hbm>> -> memref<100000xf32, #tpu.memory_space<hbm>>
    tpu.wait_indirect_dma semaphore(%arg18 : memref<!tpu.dma_semaphore, #tpu.memory_space<semaphore_mem>>) src(%dma_wait3A_464 : memref<100000xf32, #tpu.memory_space<hbm>>) dst(%dma_wait3A_459 : memref<128xf32, #tpu.memory_space<vmem>>)
    tpu.wait_dma2 semaphore(%arg18 : memref<!tpu.dma_semaphore, #tpu.memory_space<semaphore_mem>>) src(%arg5 : memref<1x80xf32, #tpu.memory_space<hbm>>) dst(%arg14 : memref<1x80xf32, #tpu.memory_space<vmem>>)
    %get3A = arith.constant 0 : i32
    %get3A_465 = arith.index_cast %get3A : i32 to index
    %get3A_466 = arith.constant 0 : index
    %get3A_467 = tpu.vector_load %arg14[%get3A_465, %get3A_466] {strides = array<i32>} : memref<1x80xf32, #tpu.memory_space<vmem>>, vector<16xf32>,
    %get3A_468 = arith.constant 0 : i32
    %get3A_469 = arith.index_cast %get3A_468 : i32 to index
    %get3A_470 = arith.constant 16 : index
    %get3A_471 = tpu.vector_load %arg14[%get3A_469, %get3A_470] {strides = array<i32>} : memref<1x80xf32, #tpu.memory_space<vmem>>, vector<16xf32>,
    %get3A_472 = arith.constant 0 : i32
    %get3A_473 = arith.index_cast %get3A_472 : i32 to index
    %get3A_474 = arith.constant 32 : index
    %get3A_475 = tpu.vector_load %arg14[%get3A_473, %get3A_474] {strides = array<i32>} : memref<1x80xf32, #tpu.memory_space<vmem>>, vector<16xf32>,
    %get3A_476 = arith.constant 0 : i32
    %get3A_477 = arith.index_cast %get3A_476 : i32 to index
    %get3A_478 = arith.constant 48 : index
    %get3A_479 = tpu.vector_load %arg14[%get3A_477, %get3A_478] {strides = array<i32>} : memref<1x80xf32, #tpu.memory_space<vmem>>, vector<16xf32>,
    %get3A_480 = arith.constant 0 : i32
    %get3A_481 = arith.index_cast %get3A_480 : i32 to index
    %get3A_482 = arith.constant 64 : index
    %get3A_483 = tpu.vector_load %arg14[%get3A_481, %get3A_482] {strides = array<i32>} : memref<1x80xf32, #tpu.memory_space<vmem>>, vector<16xf32>,
    %iota3A = tpu.iota {dimensions = array<i32: 0>} : vector<16xi32>
    %scan3A = arith.constant 0 : i32
    %scan3A_484 = arith.constant 0 : i32
    %scan3A_485 = arith.constant 32 : i32
    %scan3A_486 = arith.addi %scan3A_484, %scan3A_485 : i32
    %scan3A_487 = arith.constant 1 : i32
    scf.for %scan3A_489 = %scan3A_484 to %scan3A_486 step %scan3A_487  : i32 {
      %broadcast_in_dim3A = arith.constant 0.000000e+00 : f32
      %broadcast_in_dim3A_490 = vector.broadcast %broadcast_in_dim3A : f32 to vector<16xf32>
      %mul3A_491 = arith.constant 16 : i32
      %mul3A_492 = arith.muli %scan3A_489, %mul3A_491 : i32
      %add3A_493 = arith.constant 0 : i32
      %add3A_494 = arith.addi %mul3A_492, %add3A_493 : i32
      %mul3A_495 = arith.constant 64 : i32
      %mul3A_496 = arith.muli %add3A_494, %mul3A_495 : i32
      %get3A_497 = arith.index_cast %mul3A_496 : i32 to index
      %get3A_498 = tpu.vector_load %arg13[%get3A_497] {strides = array<i32>} : memref<32768xf32, #tpu.memory_space<vmem>>, vector<16xf32>,
      %get3A_499 = arith.index_cast %add3A_494 : i32 to index
      %get3A_500 = arith.constant 0 : index
      %get3A_501 = tpu.vector_load %arg10[%get3A_499, %get3A_500] {strides = array<i32>} : memref<512x64xf32, #tpu.memory_space<vmem>>, vector<16xf32>,
      %mul3A_502 = arith.mulf %get3A_498, %get3A_501 : vector<16xf32>
      %mul3A_503 = arith.constant 64 : i32
      %mul3A_504 = arith.muli %add3A_494, %mul3A_503 : i32
      %add3A_505 = arith.constant 16 : i32
      %add3A_506 = arith.addi %mul3A_504, %add3A_505 : i32
      %get3A_507 = arith.index_cast %add3A_506 : i32 to index
      %get3A_508 = tpu.vector_load %arg13[%get3A_507] {strides = array<i32>} : memref<32768xf32, #tpu.memory_space<vmem>>, vector<16xf32>,
      %get3A_509 = arith.index_cast %add3A_494 : i32 to index
      %get3A_510 = arith.constant 16 : index
      %get3A_511 = tpu.vector_load %arg10[%get3A_509, %get3A_510] {strides = array<i32>} : memref<512x64xf32, #tpu.memory_space<vmem>>, vector<16xf32>,
      %mul3A_512 = arith.mulf %get3A_508, %get3A_511 : vector<16xf32>
      %add3A_513 = arith.addf %mul3A_502, %mul3A_512 : vector<16xf32>
      %mul3A_514 = arith.constant 64 : i32
      %mul3A_515 = arith.muli %add3A_494, %mul3A_514 : i32
      %add3A_516 = arith.constant 32 : i32
      %add3A_517 = arith.addi %mul3A_515, %add3A_516 : i32
      %get3A_518 = arith.index_cast %add3A_517 : i32 to index
      %get3A_519 = tpu.vector_load %arg13[%get3A_518] {strides = array<i32>} : memref<32768xf32, #tpu.memory_space<vmem>>, vector<16xf32>,
      %get3A_520 = arith.index_cast %add3A_494 : i32 to index
      %get3A_521 = arith.constant 32 : index
      %get3A_522 = tpu.vector_load %arg10[%get3A_520, %get3A_521] {strides = array<i32>} : memref<512x64xf32, #tpu.memory_space<vmem>>, vector<16xf32>,
      %mul3A_523 = arith.mulf %get3A_519, %get3A_522 : vector<16xf32>
      %add3A_524 = arith.addf %add3A_513, %mul3A_523 : vector<16xf32>
      %mul3A_525 = arith.constant 64 : i32
      %mul3A_526 = arith.muli %add3A_494, %mul3A_525 : i32
      %add3A_527 = arith.constant 48 : i32
      %add3A_528 = arith.addi %mul3A_526, %add3A_527 : i32
      %get3A_529 = arith.index_cast %add3A_528 : i32 to index
      %get3A_530 = tpu.vector_load %arg13[%get3A_529] {strides = array<i32>} : memref<32768xf32, #tpu.memory_space<vmem>>, vector<16xf32>,
      %get3A_531 = arith.index_cast %add3A_494 : i32 to index
      %get3A_532 = arith.constant 48 : index
      %get3A_533 = tpu.vector_load %arg10[%get3A_531, %get3A_532] {strides = array<i32>} : memref<512x64xf32, #tpu.memory_space<vmem>>, vector<16xf32>,
      %mul3A_534 = arith.mulf %get3A_530, %get3A_533 : vector<16xf32>
      %add3A_535 = arith.addf %add3A_524, %mul3A_534 : vector<16xf32>
      %mul3A_536 = arith.constant 64 : i32
      %mul3A_537 = arith.muli %add3A_494, %mul3A_536 : i32
      %add3A_538 = arith.constant 0 : i32
      %add3A_539 = arith.addi %mul3A_537, %add3A_538 : i32
      %get3A_540 = arith.index_cast %add3A_539 : i32 to index
      %get3A_541 = tpu.vector_load %arg12[%get3A_540] {strides = array<i32>} : memref<32768xf32, #tpu.memory_space<vmem>>, vector<16xf32>,
      %mul3A_542 = arith.mulf %get3A_541, %get3A_467 : vector<16xf32>
      %add3A_543 = arith.addf %add3A_535, %mul3A_542 : vector<16xf32>
      %mul3A_544 = arith.constant 64 : i32
      %mul3A_545 = arith.muli %add3A_494, %mul3A_544 : i32
      %add3A_546 = arith.constant 16 : i32
      %add3A_547 = arith.addi %mul3A_545, %add3A_546 : i32
      %get3A_548 = arith.index_cast %add3A_547 : i32 to index
      %get3A_549 = tpu.vector_load %arg12[%get3A_548] {strides = array<i32>} : memref<32768xf32, #tpu.memory_space<vmem>>, vector<16xf32>,
      %mul3A_550 = arith.mulf %get3A_549, %get3A_471 : vector<16xf32>
      %add3A_551 = arith.addf %add3A_543, %mul3A_550 : vector<16xf32>
      %mul3A_552 = arith.constant 64 : i32
      %mul3A_553 = arith.muli %add3A_494, %mul3A_552 : i32
      %add3A_554 = arith.constant 32 : i32
      %add3A_555 = arith.addi %mul3A_553, %add3A_554 : i32
      %get3A_556 = arith.index_cast %add3A_555 : i32 to index
      %get3A_557 = tpu.vector_load %arg12[%get3A_556] {strides = array<i32>} : memref<32768xf32, #tpu.memory_space<vmem>>, vector<16xf32>,
      %mul3A_558 = arith.mulf %get3A_557, %get3A_475 : vector<16xf32>
      %add3A_559 = arith.addf %add3A_551, %mul3A_558 : vector<16xf32>
      %mul3A_560 = arith.constant 64 : i32
      %mul3A_561 = arith.muli %add3A_494, %mul3A_560 : i32
      %add3A_562 = arith.constant 48 : i32
      %add3A_563 = arith.addi %mul3A_561, %add3A_562 : i32
      %get3A_564 = arith.index_cast %add3A_563 : i32 to index
      %get3A_565 = tpu.vector_load %arg12[%get3A_564] {strides = array<i32>} : memref<32768xf32, #tpu.memory_space<vmem>>, vector<16xf32>,
      %mul3A_566 = arith.mulf %get3A_565, %get3A_479 : vector<16xf32>
      %add3A_567 = arith.addf %add3A_559, %mul3A_566 : vector<16xf32>
      %reduce_sum3A = arith.constant true
      %reduce_sum3A_568 = vector.broadcast %reduce_sum3A : i1 to vector<16xi1>
      %reduce_sum3A_569 = tpu.scan <sum>, %add3A_567 masked %reduce_sum3A_568 : vector<16xf32>, vector<16xi1> -> vector<16xf32>
      %reduce_sum3A_570 = vector.extract %reduce_sum3A_569[15] : f32 from vector<16xf32>
      %eq3A_571 = arith.constant 0 : i32
      %eq3A_572 = vector.broadcast %eq3A_571 : i32 to vector<16xi32>
      %eq3A_573 = arith.cmpi eq, %iota3A, %eq3A_572 : vector<16xi32>
      %broadcast_in_dim3A_574 = vector.broadcast %reduce_sum3A_570 : f32 to vector<16xf32>
      %select_n3A_575 = arith.select %eq3A_573, %broadcast_in_dim3A_574, %broadcast_in_dim3A_490 : vector<16xi1>, vector<16xf32>
      %mul3A_576 = arith.constant 16 : i32
      %mul3A_577 = arith.muli %scan3A_489, %mul3A_576 : i32
      %add3A_578 = arith.constant 1 : i32
      %add3A_579 = arith.addi %mul3A_577, %add3A_578 : i32
      %mul3A_580 = arith.constant 64 : i32
      %mul3A_581 = arith.muli %add3A_579, %mul3A_580 : i32
      %get3A_582 = arith.index_cast %mul3A_581 : i32 to index
      %get3A_583 = tpu.vector_load %arg13[%get3A_582] {strides = array<i32>} : memref<32768xf32, #tpu.memory_space<vmem>>, vector<16xf32>,
      %get3A_584 = arith.index_cast %add3A_579 : i32 to index
      %get3A_585 = arith.constant 0 : index
      %get3A_586 = tpu.vector_load %arg10[%get3A_584, %get3A_585] {strides = array<i32>} : memref<512x64xf32, #tpu.memory_space<vmem>>, vector<16xf32>,
      %mul3A_587 = arith.mulf %get3A_583, %get3A_586 : vector<16xf32>
      %mul3A_588 = arith.constant 64 : i32
      %mul3A_589 = arith.muli %add3A_579, %mul3A_588 : i32
      %add3A_590 = arith.constant 16 : i32
      %add3A_591 = arith.addi %mul3A_589, %add3A_590 : i32
      %get3A_592 = arith.index_cast %add3A_591 : i32 to index
      %get3A_593 = tpu.vector_load %arg13[%get3A_592] {strides = array<i32>} : memref<32768xf32, #tpu.memory_space<vmem>>, vector<16xf32>,
      %get3A_594 = arith.index_cast %add3A_579 : i32 to index
      %get3A_595 = arith.constant 16 : index
      %get3A_596 = tpu.vector_load %arg10[%get3A_594, %get3A_595] {strides = array<i32>} : memref<512x64xf32, #tpu.memory_space<vmem>>, vector<16xf32>,
      %mul3A_597 = arith.mulf %get3A_593, %get3A_596 : vector<16xf32>
      %add3A_598 = arith.addf %mul3A_587, %mul3A_597 : vector<16xf32>
      %mul3A_599 = arith.constant 64 : i32
      %mul3A_600 = arith.muli %add3A_579, %mul3A_599 : i32
      %add3A_601 = arith.constant 32 : i32
      %add3A_602 = arith.addi %mul3A_600, %add3A_601 : i32
      %get3A_603 = arith.index_cast %add3A_602 : i32 to index
      %get3A_604 = tpu.vector_load %arg13[%get3A_603] {strides = array<i32>} : memref<32768xf32, #tpu.memory_space<vmem>>, vector<16xf32>,
      %get3A_605 = arith.index_cast %add3A_579 : i32 to index
      %get3A_606 = arith.constant 32 : index
      %get3A_607 = tpu.vector_load %arg10[%get3A_605, %get3A_606] {strides = array<i32>} : memref<512x64xf32, #tpu.memory_space<vmem>>, vector<16xf32>,
      %mul3A_608 = arith.mulf %get3A_604, %get3A_607 : vector<16xf32>
      %add3A_609 = arith.addf %add3A_598, %mul3A_608 : vector<16xf32>
      %mul3A_610 = arith.constant 64 : i32
      %mul3A_611 = arith.muli %add3A_579, %mul3A_610 : i32
      %add3A_612 = arith.constant 48 : i32
      %add3A_613 = arith.addi %mul3A_611, %add3A_612 : i32
      %get3A_614 = arith.index_cast %add3A_613 : i32 to index
      %get3A_615 = tpu.vector_load %arg13[%get3A_614] {strides = array<i32>} : memref<32768xf32, #tpu.memory_space<vmem>>, vector<16xf32>,
      %get3A_616 = arith.index_cast %add3A_579 : i32 to index
      %get3A_617 = arith.constant 48 : index
      %get3A_618 = tpu.vector_load %arg10[%get3A_616, %get3A_617] {strides = array<i32>} : memref<512x64xf32, #tpu.memory_space<vmem>>, vector<16xf32>,
      %mul3A_619 = arith.mulf %get3A_615, %get3A_618 : vector<16xf32>
      %add3A_620 = arith.addf %add3A_609, %mul3A_619 : vector<16xf32>
      %mul3A_621 = arith.constant 64 : i32
      %mul3A_622 = arith.muli %add3A_579, %mul3A_621 : i32
      %add3A_623 = arith.constant 0 : i32
      %add3A_624 = arith.addi %mul3A_622, %add3A_623 : i32
      %get3A_625 = arith.index_cast %add3A_624 : i32 to index
      %get3A_626 = tpu.vector_load %arg12[%get3A_625] {strides = array<i32>} : memref<32768xf32, #tpu.memory_space<vmem>>, vector<16xf32>,
      %mul3A_627 = arith.mulf %get3A_626, %get3A_467 : vector<16xf32>
      %add3A_628 = arith.addf %add3A_620, %mul3A_627 : vector<16xf32>
      %mul3A_629 = arith.constant 64 : i32
      %mul3A_630 = arith.muli %add3A_579, %mul3A_629 : i32
      %add3A_631 = arith.constant 16 : i32
      %add3A_632 = arith.addi %mul3A_630, %add3A_631 : i32
      %get3A_633 = arith.index_cast %add3A_632 : i32 to index
      %get3A_634 = tpu.vector_load %arg12[%get3A_633] {strides = array<i32>} : memref<32768xf32, #tpu.memory_space<vmem>>, vector<16xf32>,
      %mul3A_635 = arith.mulf %get3A_634, %get3A_471 : vector<16xf32>
      %add3A_636 = arith.addf %add3A_628, %mul3A_635 : vector<16xf32>
      %mul3A_637 = arith.constant 64 : i32
      %mul3A_638 = arith.muli %add3A_579, %mul3A_637 : i32
      %add3A_639 = arith.constant 32 : i32
      %add3A_640 = arith.addi %mul3A_638, %add3A_639 : i32
      %get3A_641 = arith.index_cast %add3A_640 : i32 to index
      %get3A_642 = tpu.vector_load %arg12[%get3A_641] {strides = array<i32>} : memref<32768xf32, #tpu.memory_space<vmem>>, vector<16xf32>,
      %mul3A_643 = arith.mulf %get3A_642, %get3A_475 : vector<16xf32>
      %add3A_644 = arith.addf %add3A_636, %mul3A_643 : vector<16xf32>
      %mul3A_645 = arith.constant 64 : i32
      %mul3A_646 = arith.muli %add3A_579, %mul3A_645 : i32
      %add3A_647 = arith.constant 48 : i32
      %add3A_648 = arith.addi %mul3A_646, %add3A_647 : i32
      %get3A_649 = arith.index_cast %add3A_648 : i32 to index
      %get3A_650 = tpu.vector_load %arg12[%get3A_649] {strides = array<i32>} : memref<32768xf32, #tpu.memory_space<vmem>>, vector<16xf32>,
      %mul3A_651 = arith.mulf %get3A_650, %get3A_479 : vector<16xf32>
      %add3A_652 = arith.addf %add3A_644, %mul3A_651 : vector<16xf32>
      %reduce_sum3A_653 = arith.constant true
      %reduce_sum3A_654 = vector.broadcast %reduce_sum3A_653 : i1 to vector<16xi1>
      %reduce_sum3A_655 = tpu.scan <sum>, %add3A_652 masked %reduce_sum3A_654 : vector<16xf32>, vector<16xi1> -> vector<16xf32>
      %reduce_sum3A_656 = vector.extract %reduce_sum3A_655[15] : f32 from vector<16xf32>
      %eq3A_657 = arith.constant 1 : i32
      %eq3A_658 = vector.broadcast %eq3A_657 : i32 to vector<16xi32>
      %eq3A_659 = arith.cmpi eq, %iota3A, %eq3A_658 : vector<16xi32>
      %broadcast_in_dim3A_660 = vector.broadcast %reduce_sum3A_656 : f32 to vector<16xf32>
      %select_n3A_661 = arith.select %eq3A_659, %broadcast_in_dim3A_660, %select_n3A_575 : vector<16xi1>, vector<16xf32>
      %mul3A_662 = arith.constant 16 : i32
      %mul3A_663 = arith.muli %scan3A_489, %mul3A_662 : i32
      %add3A_664 = arith.constant 2 : i32
      %add3A_665 = arith.addi %mul3A_663, %add3A_664 : i32
      %mul3A_666 = arith.constant 64 : i32
      %mul3A_667 = arith.muli %add3A_665, %mul3A_666 : i32
      %get3A_668 = arith.index_cast %mul3A_667 : i32 to index
      %get3A_669 = tpu.vector_load %arg13[%get3A_668] {strides = array<i32>} : memref<32768xf32, #tpu.memory_space<vmem>>, vector<16xf32>,
      %get3A_670 = arith.index_cast %add3A_665 : i32 to index
      %get3A_671 = arith.constant 0 : index
      %get3A_672 = tpu.vector_load %arg10[%get3A_670, %get3A_671] {strides = array<i32>} : memref<512x64xf32, #tpu.memory_space<vmem>>, vector<16xf32>,
      %mul3A_673 = arith.mulf %get3A_669, %get3A_672 : vector<16xf32>
      %mul3A_674 = arith.constant 64 : i32
      %mul3A_675 = arith.muli %add3A_665, %mul3A_674 : i32
      %add3A_676 = arith.constant 16 : i32
      %add3A_677 = arith.addi %mul3A_675, %add3A_676 : i32
      %get3A_678 = arith.index_cast %add3A_677 : i32 to index
      %get3A_679 = tpu.vector_load %arg13[%get3A_678] {strides = array<i32>} : memref<32768xf32, #tpu.memory_space<vmem>>, vector<16xf32>,
      %get3A_680 = arith.index_cast %add3A_665 : i32 to index
      %get3A_681 = arith.constant 16 : index
      %get3A_682 = tpu.vector_load %arg10[%get3A_680, %get3A_681] {strides = array<i32>} : memref<512x64xf32, #tpu.memory_space<vmem>>, vector<16xf32>,
      %mul3A_683 = arith.mulf %get3A_679, %get3A_682 : vector<16xf32>
      %add3A_684 = arith.addf %mul3A_673, %mul3A_683 : vector<16xf32>
      %mul3A_685 = arith.constant 64 : i32
      %mul3A_686 = arith.muli %add3A_665, %mul3A_685 : i32
      %add3A_687 = arith.constant 32 : i32
      %add3A_688 = arith.addi %mul3A_686, %add3A_687 : i32
      %get3A_689 = arith.index_cast %add3A_688 : i32 to index
      %get3A_690 = tpu.vector_load %arg13[%get3A_689] {strides = array<i32>} : memref<32768xf32, #tpu.memory_space<vmem>>, vector<16xf32>,
      %get3A_691 = arith.index_cast %add3A_665 : i32 to index
      %get3A_692 = arith.constant 32 : index
      %get3A_693 = tpu.vector_load %arg10[%get3A_691, %get3A_692] {strides = array<i32>} : memref<512x64xf32, #tpu.memory_space<vmem>>, vector<16xf32>,
      %mul3A_694 = arith.mulf %get3A_690, %get3A_693 : vector<16xf32>
      %add3A_695 = arith.addf %add3A_684, %mul3A_694 : vector<16xf32>
      %mul3A_696 = arith.constant 64 : i32
      %mul3A_697 = arith.muli %add3A_665, %mul3A_696 : i32
      %add3A_698 = arith.constant 48 : i32
      %add3A_699 = arith.addi %mul3A_697, %add3A_698 : i32
      %get3A_700 = arith.index_cast %add3A_699 : i32 to index
      %get3A_701 = tpu.vector_load %arg13[%get3A_700] {strides = array<i32>} : memref<32768xf32, #tpu.memory_space<vmem>>, vector<16xf32>,
      %get3A_702 = arith.index_cast %add3A_665 : i32 to index
      %get3A_703 = arith.constant 48 : index
      %get3A_704 = tpu.vector_load %arg10[%get3A_702, %get3A_703] {strides = array<i32>} : memref<512x64xf32, #tpu.memory_space<vmem>>, vector<16xf32>,
      %mul3A_705 = arith.mulf %get3A_701, %get3A_704 : vector<16xf32>
      %add3A_706 = arith.addf %add3A_695, %mul3A_705 : vector<16xf32>
      %mul3A_707 = arith.constant 64 : i32
      %mul3A_708 = arith.muli %add3A_665, %mul3A_707 : i32
      %add3A_709 = arith.constant 0 : i32
      %add3A_710 = arith.addi %mul3A_708, %add3A_709 : i32
      %get3A_711 = arith.index_cast %add3A_710 : i32 to index
      %get3A_712 = tpu.vector_load %arg12[%get3A_711] {strides = array<i32>} : memref<32768xf32, #tpu.memory_space<vmem>>, vector<16xf32>,
      %mul3A_713 = arith.mulf %get3A_712, %get3A_467 : vector<16xf32>
      %add3A_714 = arith.addf %add3A_706, %mul3A_713 : vector<16xf32>
      %mul3A_715 = arith.constant 64 : i32
      %mul3A_716 = arith.muli %add3A_665, %mul3A_715 : i32
      %add3A_717 = arith.constant 16 : i32
      %add3A_718 = arith.addi %mul3A_716, %add3A_717 : i32
      %get3A_719 = arith.index_cast %add3A_718 : i32 to index
      %get3A_720 = tpu.vector_load %arg12[%get3A_719] {strides = array<i32>} : memref<32768xf32, #tpu.memory_space<vmem>>, vector<16xf32>,
      %mul3A_721 = arith.mulf %get3A_720, %get3A_471 : vector<16xf32>
      %add3A_722 = arith.addf %add3A_714, %mul3A_721 : vector<16xf32>
      %mul3A_723 = arith.constant 64 : i32
      %mul3A_724 = arith.muli %add3A_665, %mul3A_723 : i32
      %add3A_725 = arith.constant 32 : i32
      %add3A_726 = arith.addi %mul3A_724, %add3A_725 : i32
      %get3A_727 = arith.index_cast %add3A_726 : i32 to index
      %get3A_728 = tpu.vector_load %arg12[%get3A_727] {strides = array<i32>} : memref<32768xf32, #tpu.memory_space<vmem>>, vector<16xf32>,
      %mul3A_729 = arith.mulf %get3A_728, %get3A_475 : vector<16xf32>
      %add3A_730 = arith.addf %add3A_722, %mul3A_729 : vector<16xf32>
      %mul3A_731 = arith.constant 64 : i32
      %mul3A_732 = arith.muli %add3A_665, %mul3A_731 : i32
      %add3A_733 = arith.constant 48 : i32
      %add3A_734 = arith.addi %mul3A_732, %add3A_733 : i32
      %get3A_735 = arith.index_cast %add3A_734 : i32 to index
      %get3A_736 = tpu.vector_load %arg12[%get3A_735] {strides = array<i32>} : memref<32768xf32, #tpu.memory_space<vmem>>, vector<16xf32>,
      %mul3A_737 = arith.mulf %get3A_736, %get3A_479 : vector<16xf32>
      %add3A_738 = arith.addf %add3A_730, %mul3A_737 : vector<16xf32>
      %reduce_sum3A_739 = arith.constant true
      %reduce_sum3A_740 = vector.broadcast %reduce_sum3A_739 : i1 to vector<16xi1>
      %reduce_sum3A_741 = tpu.scan <sum>, %add3A_738 masked %reduce_sum3A_740 : vector<16xf32>, vector<16xi1> -> vector<16xf32>
      %reduce_sum3A_742 = vector.extract %reduce_sum3A_741[15] : f32 from vector<16xf32>
      %eq3A_743 = arith.constant 2 : i32
      %eq3A_744 = vector.broadcast %eq3A_743 : i32 to vector<16xi32>
      %eq3A_745 = arith.cmpi eq, %iota3A, %eq3A_744 : vector<16xi32>
      %broadcast_in_dim3A_746 = vector.broadcast %reduce_sum3A_742 : f32 to vector<16xf32>
      %select_n3A_747 = arith.select %eq3A_745, %broadcast_in_dim3A_746, %select_n3A_661 : vector<16xi1>, vector<16xf32>
      %mul3A_748 = arith.constant 16 : i32
      %mul3A_749 = arith.muli %scan3A_489, %mul3A_748 : i32
      %add3A_750 = arith.constant 3 : i32
      %add3A_751 = arith.addi %mul3A_749, %add3A_750 : i32
      %mul3A_752 = arith.constant 64 : i32
      %mul3A_753 = arith.muli %add3A_751, %mul3A_752 : i32
      %get3A_754 = arith.index_cast %mul3A_753 : i32 to index
      %get3A_755 = tpu.vector_load %arg13[%get3A_754] {strides = array<i32>} : memref<32768xf32, #tpu.memory_space<vmem>>, vector<16xf32>,
      %get3A_756 = arith.index_cast %add3A_751 : i32 to index
      %get3A_757 = arith.constant 0 : index
      %get3A_758 = tpu.vector_load %arg10[%get3A_756, %get3A_757] {strides = array<i32>} : memref<512x64xf32, #tpu.memory_space<vmem>>, vector<16xf32>,
      %mul3A_759 = arith.mulf %get3A_755, %get3A_758 : vector<16xf32>
      %mul3A_760 = arith.constant 64 : i32
      %mul3A_761 = arith.muli %add3A_751, %mul3A_760 : i32
      %add3A_762 = arith.constant 16 : i32
      %add3A_763 = arith.addi %mul3A_761, %add3A_762 : i32
      %get3A_764 = arith.index_cast %add3A_763 : i32 to index
      %get3A_765 = tpu.vector_load %arg13[%get3A_764] {strides = array<i32>} : memref<32768xf32, #tpu.memory_space<vmem>>, vector<16xf32>,
      %get3A_766 = arith.index_cast %add3A_751 : i32 to index
      %get3A_767 = arith.constant 16 : index
      %get3A_768 = tpu.vector_load %arg10[%get3A_766, %get3A_767] {strides = array<i32>} : memref<512x64xf32, #tpu.memory_space<vmem>>, vector<16xf32>,
      %mul3A_769 = arith.mulf %get3A_765, %get3A_768 : vector<16xf32>
      %add3A_770 = arith.addf %mul3A_759, %mul3A_769 : vector<16xf32>
      %mul3A_771 = arith.constant 64 : i32
      %mul3A_772 = arith.muli %add3A_751, %mul3A_771 : i32
      %add3A_773 = arith.constant 32 : i32
      %add3A_774 = arith.addi %mul3A_772, %add3A_773 : i32
      %get3A_775 = arith.index_cast %add3A_774 : i32 to index
      %get3A_776 = tpu.vector_load %arg13[%get3A_775] {strides = array<i32>} : memref<32768xf32, #tpu.memory_space<vmem>>, vector<16xf32>,
      %get3A_777 = arith.index_cast %add3A_751 : i32 to index
      %get3A_778 = arith.constant 32 : index
      %get3A_779 = tpu.vector_load %arg10[%get3A_777, %get3A_778] {strides = array<i32>} : memref<512x64xf32, #tpu.memory_space<vmem>>, vector<16xf32>,
      %mul3A_780 = arith.mulf %get3A_776, %get3A_779 : vector<16xf32>
      %add3A_781 = arith.addf %add3A_770, %mul3A_780 : vector<16xf32>
      %mul3A_782 = arith.constant 64 : i32
      %mul3A_783 = arith.muli %add3A_751, %mul3A_782 : i32
      %add3A_784 = arith.constant 48 : i32
      %add3A_785 = arith.addi %mul3A_783, %add3A_784 : i32
      %get3A_786 = arith.index_cast %add3A_785 : i32 to index
      %get3A_787 = tpu.vector_load %arg13[%get3A_786] {strides = array<i32>} : memref<32768xf32, #tpu.memory_space<vmem>>, vector<16xf32>,
      %get3A_788 = arith.index_cast %add3A_751 : i32 to index
      %get3A_789 = arith.constant 48 : index
      %get3A_790 = tpu.vector_load %arg10[%get3A_788, %get3A_789] {strides = array<i32>} : memref<512x64xf32, #tpu.memory_space<vmem>>, vector<16xf32>,
      %mul3A_791 = arith.mulf %get3A_787, %get3A_790 : vector<16xf32>
      %add3A_792 = arith.addf %add3A_781, %mul3A_791 : vector<16xf32>
      %mul3A_793 = arith.constant 64 : i32
      %mul3A_794 = arith.muli %add3A_751, %mul3A_793 : i32
      %add3A_795 = arith.constant 0 : i32
      %add3A_796 = arith.addi %mul3A_794, %add3A_795 : i32
      %get3A_797 = arith.index_cast %add3A_796 : i32 to index
      %get3A_798 = tpu.vector_load %arg12[%get3A_797] {strides = array<i32>} : memref<32768xf32, #tpu.memory_space<vmem>>, vector<16xf32>,
      %mul3A_799 = arith.mulf %get3A_798, %get3A_467 : vector<16xf32>
      %add3A_800 = arith.addf %add3A_792, %mul3A_799 : vector<16xf32>
      %mul3A_801 = arith.constant 64 : i32
      %mul3A_802 = arith.muli %add3A_751, %mul3A_801 : i32
      %add3A_803 = arith.constant 16 : i32
      %add3A_804 = arith.addi %mul3A_802, %add3A_803 : i32
      %get3A_805 = arith.index_cast %add3A_804 : i32 to index
      %get3A_806 = tpu.vector_load %arg12[%get3A_805] {strides = array<i32>} : memref<32768xf32, #tpu.memory_space<vmem>>, vector<16xf32>,
      %mul3A_807 = arith.mulf %get3A_806, %get3A_471 : vector<16xf32>
      %add3A_808 = arith.addf %add3A_800, %mul3A_807 : vector<16xf32>
      %mul3A_809 = arith.constant 64 : i32
      %mul3A_810 = arith.muli %add3A_751, %mul3A_809 : i32
      %add3A_811 = arith.constant 32 : i32
      %add3A_812 = arith.addi %mul3A_810, %add3A_811 : i32
      %get3A_813 = arith.index_cast %add3A_812 : i32 to index
      %get3A_814 = tpu.vector_load %arg12[%get3A_813] {strides = array<i32>} : memref<32768xf32, #tpu.memory_space<vmem>>, vector<16xf32>,
      %mul3A_815 = arith.mulf %get3A_814, %get3A_475 : vector<16xf32>
      %add3A_816 = arith.addf %add3A_808, %mul3A_815 : vector<16xf32>
      %mul3A_817 = arith.constant 64 : i32
      %mul3A_818 = arith.muli %add3A_751, %mul3A_817 : i32
      %add3A_819 = arith.constant 48 : i32
      %add3A_820 = arith.addi %mul3A_818, %add3A_819 : i32
      %get3A_821 = arith.index_cast %add3A_820 : i32 to index
      %get3A_822 = tpu.vector_load %arg12[%get3A_821] {strides = array<i32>} : memref<32768xf32, #tpu.memory_space<vmem>>, vector<16xf32>,
      %mul3A_823 = arith.mulf %get3A_822, %get3A_479 : vector<16xf32>
      %add3A_824 = arith.addf %add3A_816, %mul3A_823 : vector<16xf32>
      %reduce_sum3A_825 = arith.constant true
      %reduce_sum3A_826 = vector.broadcast %reduce_sum3A_825 : i1 to vector<16xi1>
      %reduce_sum3A_827 = tpu.scan <sum>, %add3A_824 masked %reduce_sum3A_826 : vector<16xf32>, vector<16xi1> -> vector<16xf32>
      %reduce_sum3A_828 = vector.extract %reduce_sum3A_827[15] : f32 from vector<16xf32>
      %eq3A_829 = arith.constant 3 : i32
      %eq3A_830 = vector.broadcast %eq3A_829 : i32 to vector<16xi32>
      %eq3A_831 = arith.cmpi eq, %iota3A, %eq3A_830 : vector<16xi32>
      %broadcast_in_dim3A_832 = vector.broadcast %reduce_sum3A_828 : f32 to vector<16xf32>
      %select_n3A_833 = arith.select %eq3A_831, %broadcast_in_dim3A_832, %select_n3A_747 : vector<16xi1>, vector<16xf32>
      %mul3A_834 = arith.constant 16 : i32
      %mul3A_835 = arith.muli %scan3A_489, %mul3A_834 : i32
      %add3A_836 = arith.constant 4 : i32
      %add3A_837 = arith.addi %mul3A_835, %add3A_836 : i32
      %mul3A_838 = arith.constant 64 : i32
      %mul3A_839 = arith.muli %add3A_837, %mul3A_838 : i32
      %get3A_840 = arith.index_cast %mul3A_839 : i32 to index
      %get3A_841 = tpu.vector_load %arg13[%get3A_840] {strides = array<i32>} : memref<32768xf32, #tpu.memory_space<vmem>>, vector<16xf32>,
      %get3A_842 = arith.index_cast %add3A_837 : i32 to index
      %get3A_843 = arith.constant 0 : index
      %get3A_844 = tpu.vector_load %arg10[%get3A_842, %get3A_843] {strides = array<i32>} : memref<512x64xf32, #tpu.memory_space<vmem>>, vector<16xf32>,
      %mul3A_845 = arith.mulf %get3A_841, %get3A_844 : vector<16xf32>
      %mul3A_846 = arith.constant 64 : i32
      %mul3A_847 = arith.muli %add3A_837, %mul3A_846 : i32
      %add3A_848 = arith.constant 16 : i32
      %add3A_849 = arith.addi %mul3A_847, %add3A_848 : i32
      %get3A_850 = arith.index_cast %add3A_849 : i32 to index
      %get3A_851 = tpu.vector_load %arg13[%get3A_850] {strides = array<i32>} : memref<32768xf32, #tpu.memory_space<vmem>>, vector<16xf32>,
      %get3A_852 = arith.index_cast %add3A_837 : i32 to index
      %get3A_853 = arith.constant 16 : index
      %get3A_854 = tpu.vector_load %arg10[%get3A_852, %get3A_853] {strides = array<i32>} : memref<512x64xf32, #tpu.memory_space<vmem>>, vector<16xf32>,
      %mul3A_855 = arith.mulf %get3A_851, %get3A_854 : vector<16xf32>
      %add3A_856 = arith.addf %mul3A_845, %mul3A_855 : vector<16xf32>
      %mul3A_857 = arith.constant 64 : i32
      %mul3A_858 = arith.muli %add3A_837, %mul3A_857 : i32
      %add3A_859 = arith.constant 32 : i32
      %add3A_860 = arith.addi %mul3A_858, %add3A_859 : i32
      %get3A_861 = arith.index_cast %add3A_860 : i32 to index
      %get3A_862 = tpu.vector_load %arg13[%get3A_861] {strides = array<i32>} : memref<32768xf32, #tpu.memory_space<vmem>>, vector<16xf32>,
      %get3A_863 = arith.index_cast %add3A_837 : i32 to index
      %get3A_864 = arith.constant 32 : index
      %get3A_865 = tpu.vector_load %arg10[%get3A_863, %get3A_864] {strides = array<i32>} : memref<512x64xf32, #tpu.memory_space<vmem>>, vector<16xf32>,
      %mul3A_866 = arith.mulf %get3A_862, %get3A_865 : vector<16xf32>
      %add3A_867 = arith.addf %add3A_856, %mul3A_866 : vector<16xf32>
      %mul3A_868 = arith.constant 64 : i32
      %mul3A_869 = arith.muli %add3A_837, %mul3A_868 : i32
      %add3A_870 = arith.constant 48 : i32
      %add3A_871 = arith.addi %mul3A_869, %add3A_870 : i32
      %get3A_872 = arith.index_cast %add3A_871 : i32 to index
      %get3A_873 = tpu.vector_load %arg13[%get3A_872] {strides = array<i32>} : memref<32768xf32, #tpu.memory_space<vmem>>, vector<16xf32>,
      %get3A_874 = arith.index_cast %add3A_837 : i32 to index
      %get3A_875 = arith.constant 48 : index
      %get3A_876 = tpu.vector_load %arg10[%get3A_874, %get3A_875] {strides = array<i32>} : memref<512x64xf32, #tpu.memory_space<vmem>>, vector<16xf32>,
      %mul3A_877 = arith.mulf %get3A_873, %get3A_876 : vector<16xf32>
      %add3A_878 = arith.addf %add3A_867, %mul3A_877 : vector<16xf32>
      %mul3A_879 = arith.constant 64 : i32
      %mul3A_880 = arith.muli %add3A_837, %mul3A_879 : i32
      %add3A_881 = arith.constant 0 : i32
      %add3A_882 = arith.addi %mul3A_880, %add3A_881 : i32
      %get3A_883 = arith.index_cast %add3A_882 : i32 to index
      %get3A_884 = tpu.vector_load %arg12[%get3A_883] {strides = array<i32>} : memref<32768xf32, #tpu.memory_space<vmem>>, vector<16xf32>,
      %mul3A_885 = arith.mulf %get3A_884, %get3A_467 : vector<16xf32>
      %add3A_886 = arith.addf %add3A_878, %mul3A_885 : vector<16xf32>
      %mul3A_887 = arith.constant 64 : i32
      %mul3A_888 = arith.muli %add3A_837, %mul3A_887 : i32
      %add3A_889 = arith.constant 16 : i32
      %add3A_890 = arith.addi %mul3A_888, %add3A_889 : i32
      %get3A_891 = arith.index_cast %add3A_890 : i32 to index
      %get3A_892 = tpu.vector_load %arg12[%get3A_891] {strides = array<i32>} : memref<32768xf32, #tpu.memory_space<vmem>>, vector<16xf32>,
      %mul3A_893 = arith.mulf %get3A_892, %get3A_471 : vector<16xf32>
      %add3A_894 = arith.addf %add3A_886, %mul3A_893 : vector<16xf32>
      %mul3A_895 = arith.constant 64 : i32
      %mul3A_896 = arith.muli %add3A_837, %mul3A_895 : i32
      %add3A_897 = arith.constant 32 : i32
      %add3A_898 = arith.addi %mul3A_896, %add3A_897 : i32
      %get3A_899 = arith.index_cast %add3A_898 : i32 to index
      %get3A_900 = tpu.vector_load %arg12[%get3A_899] {strides = array<i32>} : memref<32768xf32, #tpu.memory_space<vmem>>, vector<16xf32>,
      %mul3A_901 = arith.mulf %get3A_900, %get3A_475 : vector<16xf32>
      %add3A_902 = arith.addf %add3A_894, %mul3A_901 : vector<16xf32>
      %mul3A_903 = arith.constant 64 : i32
      %mul3A_904 = arith.muli %add3A_837, %mul3A_903 : i32
      %add3A_905 = arith.constant 48 : i32
      %add3A_906 = arith.addi %mul3A_904, %add3A_905 : i32
      %get3A_907 = arith.index_cast %add3A_906 : i32 to index
      %get3A_908 = tpu.vector_load %arg12[%get3A_907] {strides = array<i32>} : memref<32768xf32, #tpu.memory_space<vmem>>, vector<16xf32>,
      %mul3A_909 = arith.mulf %get3A_908, %get3A_479 : vector<16xf32>
      %add3A_910 = arith.addf %add3A_902, %mul3A_909 : vector<16xf32>
      %reduce_sum3A_911 = arith.constant true
      %reduce_sum3A_912 = vector.broadcast %reduce_sum3A_911 : i1 to vector<16xi1>
      %reduce_sum3A_913 = tpu.scan <sum>, %add3A_910 masked %reduce_sum3A_912 : vector<16xf32>, vector<16xi1> -> vector<16xf32>
      %reduce_sum3A_914 = vector.extract %reduce_sum3A_913[15] : f32 from vector<16xf32>
      %eq3A_915 = arith.constant 4 : i32
      %eq3A_916 = vector.broadcast %eq3A_915 : i32 to vector<16xi32>
      %eq3A_917 = arith.cmpi eq, %iota3A, %eq3A_916 : vector<16xi32>
      %broadcast_in_dim3A_918 = vector.broadcast %reduce_sum3A_914 : f32 to vector<16xf32>
      %select_n3A_919 = arith.select %eq3A_917, %broadcast_in_dim3A_918, %select_n3A_833 : vector<16xi1>, vector<16xf32>
      %mul3A_920 = arith.constant 16 : i32
      %mul3A_921 = arith.muli %scan3A_489, %mul3A_920 : i32
      %add3A_922 = arith.constant 5 : i32
      %add3A_923 = arith.addi %mul3A_921, %add3A_922 : i32
      %mul3A_924 = arith.constant 64 : i32
      %mul3A_925 = arith.muli %add3A_923, %mul3A_924 : i32
      %get3A_926 = arith.index_cast %mul3A_925 : i32 to index
      %get3A_927 = tpu.vector_load %arg13[%get3A_926] {strides = array<i32>} : memref<32768xf32, #tpu.memory_space<vmem>>, vector<16xf32>,
      %get3A_928 = arith.index_cast %add3A_923 : i32 to index
      %get3A_929 = arith.constant 0 : index
      %get3A_930 = tpu.vector_load %arg10[%get3A_928, %get3A_929] {strides = array<i32>} : memref<512x64xf32, #tpu.memory_space<vmem>>, vector<16xf32>,
      %mul3A_931 = arith.mulf %get3A_927, %get3A_930 : vector<16xf32>
      %mul3A_932 = arith.constant 64 : i32
      %mul3A_933 = arith.muli %add3A_923, %mul3A_932 : i32
      %add3A_934 = arith.constant 16 : i32
      %add3A_935 = arith.addi %mul3A_933, %add3A_934 : i32
      %get3A_936 = arith.index_cast %add3A_935 : i32 to index
      %get3A_937 = tpu.vector_load %arg13[%get3A_936] {strides = array<i32>} : memref<32768xf32, #tpu.memory_space<vmem>>, vector<16xf32>,
      %get3A_938 = arith.index_cast %add3A_923 : i32 to index
      %get3A_939 = arith.constant 16 : index
      %get3A_940 = tpu.vector_load %arg10[%get3A_938, %get3A_939] {strides = array<i32>} : memref<512x64xf32, #tpu.memory_space<vmem>>, vector<16xf32>,
      %mul3A_941 = arith.mulf %get3A_937, %get3A_940 : vector<16xf32>
      %add3A_942 = arith.addf %mul3A_931, %mul3A_941 : vector<16xf32>
      %mul3A_943 = arith.constant 64 : i32
      %mul3A_944 = arith.muli %add3A_923, %mul3A_943 : i32
      %add3A_945 = arith.constant 32 : i32
      %add3A_946 = arith.addi %mul3A_944, %add3A_945 : i32
      %get3A_947 = arith.index_cast %add3A_946 : i32 to index
      %get3A_948 = tpu.vector_load %arg13[%get3A_947] {strides = array<i32>} : memref<32768xf32, #tpu.memory_space<vmem>>, vector<16xf32>,
      %get3A_949 = arith.index_cast %add3A_923 : i32 to index
      %get3A_950 = arith.constant 32 : index
      %get3A_951 = tpu.vector_load %arg10[%get3A_949, %get3A_950] {strides = array<i32>} : memref<512x64xf32, #tpu.memory_space<vmem>>, vector<16xf32>,
      %mul3A_952 = arith.mulf %get3A_948, %get3A_951 : vector<16xf32>
      %add3A_953 = arith.addf %add3A_942, %mul3A_952 : vector<16xf32>
      %mul3A_954 = arith.constant 64 : i32
      %mul3A_955 = arith.muli %add3A_923, %mul3A_954 : i32
      %add3A_956 = arith.constant 48 : i32
      %add3A_957 = arith.addi %mul3A_955, %add3A_956 : i32
      %get3A_958 = arith.index_cast %add3A_957 : i32 to index
      %get3A_959 = tpu.vector_load %arg13[%get3A_958] {strides = array<i32>} : memref<32768xf32, #tpu.memory_space<vmem>>, vector<16xf32>,
      %get3A_960 = arith.index_cast %add3A_923 : i32 to index
      %get3A_961 = arith.constant 48 : index
      %get3A_962 = tpu.vector_load %arg10[%get3A_960, %get3A_961] {strides = array<i32>} : memref<512x64xf32, #tpu.memory_space<vmem>>, vector<16xf32>,
      %mul3A_963 = arith.mulf %get3A_959, %get3A_962 : vector<16xf32>
      %add3A_964 = arith.addf %add3A_953, %mul3A_963 : vector<16xf32>
      %mul3A_965 = arith.constant 64 : i32
      %mul3A_966 = arith.muli %add3A_923, %mul3A_965 : i32
      %add3A_967 = arith.constant 0 : i32
      %add3A_968 = arith.addi %mul3A_966, %add3A_967 : i32
      %get3A_969 = arith.index_cast %add3A_968 : i32 to index
      %get3A_970 = tpu.vector_load %arg12[%get3A_969] {strides = array<i32>} : memref<32768xf32, #tpu.memory_space<vmem>>, vector<16xf32>,
      %mul3A_971 = arith.mulf %get3A_970, %get3A_467 : vector<16xf32>
      %add3A_972 = arith.addf %add3A_964, %mul3A_971 : vector<16xf32>
      %mul3A_973 = arith.constant 64 : i32
      %mul3A_974 = arith.muli %add3A_923, %mul3A_973 : i32
      %add3A_975 = arith.constant 16 : i32
      %add3A_976 = arith.addi %mul3A_974, %add3A_975 : i32
      %get3A_977 = arith.index_cast %add3A_976 : i32 to index
      %get3A_978 = tpu.vector_load %arg12[%get3A_977] {strides = array<i32>} : memref<32768xf32, #tpu.memory_space<vmem>>, vector<16xf32>,
      %mul3A_979 = arith.mulf %get3A_978, %get3A_471 : vector<16xf32>
      %add3A_980 = arith.addf %add3A_972, %mul3A_979 : vector<16xf32>
      %mul3A_981 = arith.constant 64 : i32
      %mul3A_982 = arith.muli %add3A_923, %mul3A_981 : i32
      %add3A_983 = arith.constant 32 : i32
      %add3A_984 = arith.addi %mul3A_982, %add3A_983 : i32
      %get3A_985 = arith.index_cast %add3A_984 : i32 to index
      %get3A_986 = tpu.vector_load %arg12[%get3A_985] {strides = array<i32>} : memref<32768xf32, #tpu.memory_space<vmem>>, vector<16xf32>,
      %mul3A_987 = arith.mulf %get3A_986, %get3A_475 : vector<16xf32>
      %add3A_988 = arith.addf %add3A_980, %mul3A_987 : vector<16xf32>
      %mul3A_989 = arith.constant 64 : i32
      %mul3A_990 = arith.muli %add3A_923, %mul3A_989 : i32
      %add3A_991 = arith.constant 48 : i32
      %add3A_992 = arith.addi %mul3A_990, %add3A_991 : i32
      %get3A_993 = arith.index_cast %add3A_992 : i32 to index
      %get3A_994 = tpu.vector_load %arg12[%get3A_993] {strides = array<i32>} : memref<32768xf32, #tpu.memory_space<vmem>>, vector<16xf32>,
      %mul3A_995 = arith.mulf %get3A_994, %get3A_479 : vector<16xf32>
      %add3A_996 = arith.addf %add3A_988, %mul3A_995 : vector<16xf32>
      %reduce_sum3A_997 = arith.constant true
      %reduce_sum3A_998 = vector.broadcast %reduce_sum3A_997 : i1 to vector<16xi1>
      %reduce_sum3A_999 = tpu.scan <sum>, %add3A_996 masked %reduce_sum3A_998 : vector<16xf32>, vector<16xi1> -> vector<16xf32>
      %reduce_sum3A_1000 = vector.extract %reduce_sum3A_999[15] : f32 from vector<16xf32>
      %eq3A_1001 = arith.constant 5 : i32
      %eq3A_1002 = vector.broadcast %eq3A_1001 : i32 to vector<16xi32>
      %eq3A_1003 = arith.cmpi eq, %iota3A, %eq3A_1002 : vector<16xi32>
      %broadcast_in_dim3A_1004 = vector.broadcast %reduce_sum3A_1000 : f32 to vector<16xf32>
      %select_n3A_1005 = arith.select %eq3A_1003, %broadcast_in_dim3A_1004, %select_n3A_919 : vector<16xi1>, vector<16xf32>
      %mul3A_1006 = arith.constant 16 : i32
      %mul3A_1007 = arith.muli %scan3A_489, %mul3A_1006 : i32
      %add3A_1008 = arith.constant 6 : i32
      %add3A_1009 = arith.addi %mul3A_1007, %add3A_1008 : i32
      %mul3A_1010 = arith.constant 64 : i32
      %mul3A_1011 = arith.muli %add3A_1009, %mul3A_1010 : i32
      %get3A_1012 = arith.index_cast %mul3A_1011 : i32 to index
      %get3A_1013 = tpu.vector_load %arg13[%get3A_1012] {strides = array<i32>} : memref<32768xf32, #tpu.memory_space<vmem>>, vector<16xf32>,
      %get3A_1014 = arith.index_cast %add3A_1009 : i32 to index
      %get3A_1015 = arith.constant 0 : index
      %get3A_1016 = tpu.vector_load %arg10[%get3A_1014, %get3A_1015] {strides = array<i32>} : memref<512x64xf32, #tpu.memory_space<vmem>>, vector<16xf32>,
      %mul3A_1017 = arith.mulf %get3A_1013, %get3A_1016 : vector<16xf32>
      %mul3A_1018 = arith.constant 64 : i32
      %mul3A_1019 = arith.muli %add3A_1009, %mul3A_1018 : i32
      %add3A_1020 = arith.constant 16 : i32
      %add3A_1021 = arith.addi %mul3A_1019, %add3A_1020 : i32
      %get3A_1022 = arith.index_cast %add3A_1021 : i32 to index
      %get3A_1023 = tpu.vector_load %arg13[%get3A_1022] {strides = array<i32>} : memref<32768xf32, #tpu.memory_space<vmem>>, vector<16xf32>,
      %get3A_1024 = arith.index_cast %add3A_1009 : i32 to index
      %get3A_1025 = arith.constant 16 : index
      %get3A_1026 = tpu.vector_load %arg10[%get3A_1024, %get3A_1025] {strides = array<i32>} : memref<512x64xf32, #tpu.memory_space<vmem>>, vector<16xf32>,
      %mul3A_1027 = arith.mulf %get3A_1023, %get3A_1026 : vector<16xf32>
      %add3A_1028 = arith.addf %mul3A_1017, %mul3A_1027 : vector<16xf32>
      %mul3A_1029 = arith.constant 64 : i32
      %mul3A_1030 = arith.muli %add3A_1009, %mul3A_1029 : i32
      %add3A_1031 = arith.constant 32 : i32
      %add3A_1032 = arith.addi %mul3A_1030, %add3A_1031 : i32
      %get3A_1033 = arith.index_cast %add3A_1032 : i32 to index
      %get3A_1034 = tpu.vector_load %arg13[%get3A_1033] {strides = array<i32>} : memref<32768xf32, #tpu.memory_space<vmem>>, vector<16xf32>,
      %get3A_1035 = arith.index_cast %add3A_1009 : i32 to index
      %get3A_1036 = arith.constant 32 : index
      %get3A_1037 = tpu.vector_load %arg10[%get3A_1035, %get3A_1036] {strides = array<i32>} : memref<512x64xf32, #tpu.memory_space<vmem>>, vector<16xf32>,
      %mul3A_1038 = arith.mulf %get3A_1034, %get3A_1037 : vector<16xf32>
      %add3A_1039 = arith.addf %add3A_1028, %mul3A_1038 : vector<16xf32>
      %mul3A_1040 = arith.constant 64 : i32
      %mul3A_1041 = arith.muli %add3A_1009, %mul3A_1040 : i32
      %add3A_1042 = arith.constant 48 : i32
      %add3A_1043 = arith.addi %mul3A_1041, %add3A_1042 : i32
      %get3A_1044 = arith.index_cast %add3A_1043 : i32 to index
      %get3A_1045 = tpu.vector_load %arg13[%get3A_1044] {strides = array<i32>} : memref<32768xf32, #tpu.memory_space<vmem>>, vector<16xf32>,
      %get3A_1046 = arith.index_cast %add3A_1009 : i32 to index
      %get3A_1047 = arith.constant 48 : index
      %get3A_1048 = tpu.vector_load %arg10[%get3A_1046, %get3A_1047] {strides = array<i32>} : memref<512x64xf32, #tpu.memory_space<vmem>>, vector<16xf32>,
      %mul3A_1049 = arith.mulf %get3A_1045, %get3A_1048 : vector<16xf32>
      %add3A_1050 = arith.addf %add3A_1039, %mul3A_1049 : vector<16xf32>
      %mul3A_1051 = arith.constant 64 : i32
      %mul3A_1052 = arith.muli %add3A_1009, %mul3A_1051 : i32
      %add3A_1053 = arith.constant 0 : i32
      %add3A_1054 = arith.addi %mul3A_1052, %add3A_1053 : i32
      %get3A_1055 = arith.index_cast %add3A_1054 : i32 to index
      %get3A_1056 = tpu.vector_load %arg12[%get3A_1055] {strides = array<i32>} : memref<32768xf32, #tpu.memory_space<vmem>>, vector<16xf32>,
      %mul3A_1057 = arith.mulf %get3A_1056, %get3A_467 : vector<16xf32>
      %add3A_1058 = arith.addf %add3A_1050, %mul3A_1057 : vector<16xf32>
      %mul3A_1059 = arith.constant 64 : i32
      %mul3A_1060 = arith.muli %add3A_1009, %mul3A_1059 : i32
      %add3A_1061 = arith.constant 16 : i32
      %add3A_1062 = arith.addi %mul3A_1060, %add3A_1061 : i32
      %get3A_1063 = arith.index_cast %add3A_1062 : i32 to index
      %get3A_1064 = tpu.vector_load %arg12[%get3A_1063] {strides = array<i32>} : memref<32768xf32, #tpu.memory_space<vmem>>, vector<16xf32>,
      %mul3A_1065 = arith.mulf %get3A_1064, %get3A_471 : vector<16xf32>
      %add3A_1066 = arith.addf %add3A_1058, %mul3A_1065 : vector<16xf32>
      %mul3A_1067 = arith.constant 64 : i32
      %mul3A_1068 = arith.muli %add3A_1009, %mul3A_1067 : i32
      %add3A_1069 = arith.constant 32 : i32
      %add3A_1070 = arith.addi %mul3A_1068, %add3A_1069 : i32
      %get3A_1071 = arith.index_cast %add3A_1070 : i32 to index
      %get3A_1072 = tpu.vector_load %arg12[%get3A_1071] {strides = array<i32>} : memref<32768xf32, #tpu.memory_space<vmem>>, vector<16xf32>,
      %mul3A_1073 = arith.mulf %get3A_1072, %get3A_475 : vector<16xf32>
      %add3A_1074 = arith.addf %add3A_1066, %mul3A_1073 : vector<16xf32>
      %mul3A_1075 = arith.constant 64 : i32
      %mul3A_1076 = arith.muli %add3A_1009, %mul3A_1075 : i32
      %add3A_1077 = arith.constant 48 : i32
      %add3A_1078 = arith.addi %mul3A_1076, %add3A_1077 : i32
      %get3A_1079 = arith.index_cast %add3A_1078 : i32 to index
      %get3A_1080 = tpu.vector_load %arg12[%get3A_1079] {strides = array<i32>} : memref<32768xf32, #tpu.memory_space<vmem>>, vector<16xf32>,
      %mul3A_1081 = arith.mulf %get3A_1080, %get3A_479 : vector<16xf32>
      %add3A_1082 = arith.addf %add3A_1074, %mul3A_1081 : vector<16xf32>
      %reduce_sum3A_1083 = arith.constant true
      %reduce_sum3A_1084 = vector.broadcast %reduce_sum3A_1083 : i1 to vector<16xi1>
      %reduce_sum3A_1085 = tpu.scan <sum>, %add3A_1082 masked %reduce_sum3A_1084 : vector<16xf32>, vector<16xi1> -> vector<16xf32>
      %reduce_sum3A_1086 = vector.extract %reduce_sum3A_1085[15] : f32 from vector<16xf32>
      %eq3A_1087 = arith.constant 6 : i32
      %eq3A_1088 = vector.broadcast %eq3A_1087 : i32 to vector<16xi32>
      %eq3A_1089 = arith.cmpi eq, %iota3A, %eq3A_1088 : vector<16xi32>
      %broadcast_in_dim3A_1090 = vector.broadcast %reduce_sum3A_1086 : f32 to vector<16xf32>
      %select_n3A_1091 = arith.select %eq3A_1089, %broadcast_in_dim3A_1090, %select_n3A_1005 : vector<16xi1>, vector<16xf32>
      %mul3A_1092 = arith.constant 16 : i32
      %mul3A_1093 = arith.muli %scan3A_489, %mul3A_1092 : i32
      %add3A_1094 = arith.constant 7 : i32
      %add3A_1095 = arith.addi %mul3A_1093, %add3A_1094 : i32
      %mul3A_1096 = arith.constant 64 : i32
      %mul3A_1097 = arith.muli %add3A_1095, %mul3A_1096 : i32
      %get3A_1098 = arith.index_cast %mul3A_1097 : i32 to index
      %get3A_1099 = tpu.vector_load %arg13[%get3A_1098] {strides = array<i32>} : memref<32768xf32, #tpu.memory_space<vmem>>, vector<16xf32>,
      %get3A_1100 = arith.index_cast %add3A_1095 : i32 to index
      %get3A_1101 = arith.constant 0 : index
      %get3A_1102 = tpu.vector_load %arg10[%get3A_1100, %get3A_1101] {strides = array<i32>} : memref<512x64xf32, #tpu.memory_space<vmem>>, vector<16xf32>,
      %mul3A_1103 = arith.mulf %get3A_1099, %get3A_1102 : vector<16xf32>
      %mul3A_1104 = arith.constant 64 : i32
      %mul3A_1105 = arith.muli %add3A_1095, %mul3A_1104 : i32
      %add3A_1106 = arith.constant 16 : i32
      %add3A_1107 = arith.addi %mul3A_1105, %add3A_1106 : i32
      %get3A_1108 = arith.index_cast %add3A_1107 : i32 to index
      %get3A_1109 = tpu.vector_load %arg13[%get3A_1108] {strides = array<i32>} : memref<32768xf32, #tpu.memory_space<vmem>>, vector<16xf32>,
      %get3A_1110 = arith.index_cast %add3A_1095 : i32 to index
      %get3A_1111 = arith.constant 16 : index
      %get3A_1112 = tpu.vector_load %arg10[%get3A_1110, %get3A_1111] {strides = array<i32>} : memref<512x64xf32, #tpu.memory_space<vmem>>, vector<16xf32>,
      %mul3A_1113 = arith.mulf %get3A_1109, %get3A_1112 : vector<16xf32>
      %add3A_1114 = arith.addf %mul3A_1103, %mul3A_1113 : vector<16xf32>
      %mul3A_1115 = arith.constant 64 : i32
      %mul3A_1116 = arith.muli %add3A_1095, %mul3A_1115 : i32
      %add3A_1117 = arith.constant 32 : i32
      %add3A_1118 = arith.addi %mul3A_1116, %add3A_1117 : i32
      %get3A_1119 = arith.index_cast %add3A_1118 : i32 to index
      %get3A_1120 = tpu.vector_load %arg13[%get3A_1119] {strides = array<i32>} : memref<32768xf32, #tpu.memory_space<vmem>>, vector<16xf32>,
      %get3A_1121 = arith.index_cast %add3A_1095 : i32 to index
      %get3A_1122 = arith.constant 32 : index
      %get3A_1123 = tpu.vector_load %arg10[%get3A_1121, %get3A_1122] {strides = array<i32>} : memref<512x64xf32, #tpu.memory_space<vmem>>, vector<16xf32>,
      %mul3A_1124 = arith.mulf %get3A_1120, %get3A_1123 : vector<16xf32>
      %add3A_1125 = arith.addf %add3A_1114, %mul3A_1124 : vector<16xf32>
      %mul3A_1126 = arith.constant 64 : i32
      %mul3A_1127 = arith.muli %add3A_1095, %mul3A_1126 : i32
      %add3A_1128 = arith.constant 48 : i32
      %add3A_1129 = arith.addi %mul3A_1127, %add3A_1128 : i32
      %get3A_1130 = arith.index_cast %add3A_1129 : i32 to index
      %get3A_1131 = tpu.vector_load %arg13[%get3A_1130] {strides = array<i32>} : memref<32768xf32, #tpu.memory_space<vmem>>, vector<16xf32>,
      %get3A_1132 = arith.index_cast %add3A_1095 : i32 to index
      %get3A_1133 = arith.constant 48 : index
      %get3A_1134 = tpu.vector_load %arg10[%get3A_1132, %get3A_1133] {strides = array<i32>} : memref<512x64xf32, #tpu.memory_space<vmem>>, vector<16xf32>,
      %mul3A_1135 = arith.mulf %get3A_1131, %get3A_1134 : vector<16xf32>
      %add3A_1136 = arith.addf %add3A_1125, %mul3A_1135 : vector<16xf32>
      %mul3A_1137 = arith.constant 64 : i32
      %mul3A_1138 = arith.muli %add3A_1095, %mul3A_1137 : i32
      %add3A_1139 = arith.constant 0 : i32
      %add3A_1140 = arith.addi %mul3A_1138, %add3A_1139 : i32
      %get3A_1141 = arith.index_cast %add3A_1140 : i32 to index
      %get3A_1142 = tpu.vector_load %arg12[%get3A_1141] {strides = array<i32>} : memref<32768xf32, #tpu.memory_space<vmem>>, vector<16xf32>,
      %mul3A_1143 = arith.mulf %get3A_1142, %get3A_467 : vector<16xf32>
      %add3A_1144 = arith.addf %add3A_1136, %mul3A_1143 : vector<16xf32>
      %mul3A_1145 = arith.constant 64 : i32
      %mul3A_1146 = arith.muli %add3A_1095, %mul3A_1145 : i32
      %add3A_1147 = arith.constant 16 : i32
      %add3A_1148 = arith.addi %mul3A_1146, %add3A_1147 : i32
      %get3A_1149 = arith.index_cast %add3A_1148 : i32 to index
      %get3A_1150 = tpu.vector_load %arg12[%get3A_1149] {strides = array<i32>} : memref<32768xf32, #tpu.memory_space<vmem>>, vector<16xf32>,
      %mul3A_1151 = arith.mulf %get3A_1150, %get3A_471 : vector<16xf32>
      %add3A_1152 = arith.addf %add3A_1144, %mul3A_1151 : vector<16xf32>
      %mul3A_1153 = arith.constant 64 : i32
      %mul3A_1154 = arith.muli %add3A_1095, %mul3A_1153 : i32
      %add3A_1155 = arith.constant 32 : i32
      %add3A_1156 = arith.addi %mul3A_1154, %add3A_1155 : i32
      %get3A_1157 = arith.index_cast %add3A_1156 : i32 to index
      %get3A_1158 = tpu.vector_load %arg12[%get3A_1157] {strides = array<i32>} : memref<32768xf32, #tpu.memory_space<vmem>>, vector<16xf32>,
      %mul3A_1159 = arith.mulf %get3A_1158, %get3A_475 : vector<16xf32>
      %add3A_1160 = arith.addf %add3A_1152, %mul3A_1159 : vector<16xf32>
      %mul3A_1161 = arith.constant 64 : i32
      %mul3A_1162 = arith.muli %add3A_1095, %mul3A_1161 : i32
      %add3A_1163 = arith.constant 48 : i32
      %add3A_1164 = arith.addi %mul3A_1162, %add3A_1163 : i32
      %get3A_1165 = arith.index_cast %add3A_1164 : i32 to index
      %get3A_1166 = tpu.vector_load %arg12[%get3A_1165] {strides = array<i32>} : memref<32768xf32, #tpu.memory_space<vmem>>, vector<16xf32>,
      %mul3A_1167 = arith.mulf %get3A_1166, %get3A_479 : vector<16xf32>
      %add3A_1168 = arith.addf %add3A_1160, %mul3A_1167 : vector<16xf32>
      %reduce_sum3A_1169 = arith.constant true
      %reduce_sum3A_1170 = vector.broadcast %reduce_sum3A_1169 : i1 to vector<16xi1>
      %reduce_sum3A_1171 = tpu.scan <sum>, %add3A_1168 masked %reduce_sum3A_1170 : vector<16xf32>, vector<16xi1> -> vector<16xf32>
      %reduce_sum3A_1172 = vector.extract %reduce_sum3A_1171[15] : f32 from vector<16xf32>
      %eq3A_1173 = arith.constant 7 : i32
      %eq3A_1174 = vector.broadcast %eq3A_1173 : i32 to vector<16xi32>
      %eq3A_1175 = arith.cmpi eq, %iota3A, %eq3A_1174 : vector<16xi32>
      %broadcast_in_dim3A_1176 = vector.broadcast %reduce_sum3A_1172 : f32 to vector<16xf32>
      %select_n3A_1177 = arith.select %eq3A_1175, %broadcast_in_dim3A_1176, %select_n3A_1091 : vector<16xi1>, vector<16xf32>
      %mul3A_1178 = arith.constant 16 : i32
      %mul3A_1179 = arith.muli %scan3A_489, %mul3A_1178 : i32
      %add3A_1180 = arith.constant 8 : i32
      %add3A_1181 = arith.addi %mul3A_1179, %add3A_1180 : i32
      %mul3A_1182 = arith.constant 64 : i32
      %mul3A_1183 = arith.muli %add3A_1181, %mul3A_1182 : i32
      %get3A_1184 = arith.index_cast %mul3A_1183 : i32 to index
      %get3A_1185 = tpu.vector_load %arg13[%get3A_1184] {strides = array<i32>} : memref<32768xf32, #tpu.memory_space<vmem>>, vector<16xf32>,
      %get3A_1186 = arith.index_cast %add3A_1181 : i32 to index
      %get3A_1187 = arith.constant 0 : index
      %get3A_1188 = tpu.vector_load %arg10[%get3A_1186, %get3A_1187] {strides = array<i32>} : memref<512x64xf32, #tpu.memory_space<vmem>>, vector<16xf32>,
      %mul3A_1189 = arith.mulf %get3A_1185, %get3A_1188 : vector<16xf32>
      %mul3A_1190 = arith.constant 64 : i32
      %mul3A_1191 = arith.muli %add3A_1181, %mul3A_1190 : i32
      %add3A_1192 = arith.constant 16 : i32
      %add3A_1193 = arith.addi %mul3A_1191, %add3A_1192 : i32
      %get3A_1194 = arith.index_cast %add3A_1193 : i32 to index
      %get3A_1195 = tpu.vector_load %arg13[%get3A_1194] {strides = array<i32>} : memref<32768xf32, #tpu.memory_space<vmem>>, vector<16xf32>,
      %get3A_1196 = arith.index_cast %add3A_1181 : i32 to index
      %get3A_1197 = arith.constant 16 : index
      %get3A_1198 = tpu.vector_load %arg10[%get3A_1196, %get3A_1197] {strides = array<i32>} : memref<512x64xf32, #tpu.memory_space<vmem>>, vector<16xf32>,
      %mul3A_1199 = arith.mulf %get3A_1195, %get3A_1198 : vector<16xf32>
      %add3A_1200 = arith.addf %mul3A_1189, %mul3A_1199 : vector<16xf32>
      %mul3A_1201 = arith.constant 64 : i32
      %mul3A_1202 = arith.muli %add3A_1181, %mul3A_1201 : i32
      %add3A_1203 = arith.constant 32 : i32
      %add3A_1204 = arith.addi %mul3A_1202, %add3A_1203 : i32
      %get3A_1205 = arith.index_cast %add3A_1204 : i32 to index
      %get3A_1206 = tpu.vector_load %arg13[%get3A_1205] {strides = array<i32>} : memref<32768xf32, #tpu.memory_space<vmem>>, vector<16xf32>,
      %get3A_1207 = arith.index_cast %add3A_1181 : i32 to index
      %get3A_1208 = arith.constant 32 : index
      %get3A_1209 = tpu.vector_load %arg10[%get3A_1207, %get3A_1208] {strides = array<i32>} : memref<512x64xf32, #tpu.memory_space<vmem>>, vector<16xf32>,
      %mul3A_1210 = arith.mulf %get3A_1206, %get3A_1209 : vector<16xf32>
      %add3A_1211 = arith.addf %add3A_1200, %mul3A_1210 : vector<16xf32>
      %mul3A_1212 = arith.constant 64 : i32
      %mul3A_1213 = arith.muli %add3A_1181, %mul3A_1212 : i32
      %add3A_1214 = arith.constant 48 : i32
      %add3A_1215 = arith.addi %mul3A_1213, %add3A_1214 : i32
      %get3A_1216 = arith.index_cast %add3A_1215 : i32 to index
      %get3A_1217 = tpu.vector_load %arg13[%get3A_1216] {strides = array<i32>} : memref<32768xf32, #tpu.memory_space<vmem>>, vector<16xf32>,
      %get3A_1218 = arith.index_cast %add3A_1181 : i32 to index
      %get3A_1219 = arith.constant 48 : index
      %get3A_1220 = tpu.vector_load %arg10[%get3A_1218, %get3A_1219] {strides = array<i32>} : memref<512x64xf32, #tpu.memory_space<vmem>>, vector<16xf32>,
      %mul3A_1221 = arith.mulf %get3A_1217, %get3A_1220 : vector<16xf32>
      %add3A_1222 = arith.addf %add3A_1211, %mul3A_1221 : vector<16xf32>
      %mul3A_1223 = arith.constant 64 : i32
      %mul3A_1224 = arith.muli %add3A_1181, %mul3A_1223 : i32
      %add3A_1225 = arith.constant 0 : i32
      %add3A_1226 = arith.addi %mul3A_1224, %add3A_1225 : i32
      %get3A_1227 = arith.index_cast %add3A_1226 : i32 to index
      %get3A_1228 = tpu.vector_load %arg12[%get3A_1227] {strides = array<i32>} : memref<32768xf32, #tpu.memory_space<vmem>>, vector<16xf32>,
      %mul3A_1229 = arith.mulf %get3A_1228, %get3A_467 : vector<16xf32>
      %add3A_1230 = arith.addf %add3A_1222, %mul3A_1229 : vector<16xf32>
      %mul3A_1231 = arith.constant 64 : i32
      %mul3A_1232 = arith.muli %add3A_1181, %mul3A_1231 : i32
      %add3A_1233 = arith.constant 16 : i32
      %add3A_1234 = arith.addi %mul3A_1232, %add3A_1233 : i32
      %get3A_1235 = arith.index_cast %add3A_1234 : i32 to index
      %get3A_1236 = tpu.vector_load %arg12[%get3A_1235] {strides = array<i32>} : memref<32768xf32, #tpu.memory_space<vmem>>, vector<16xf32>,
      %mul3A_1237 = arith.mulf %get3A_1236, %get3A_471 : vector<16xf32>
      %add3A_1238 = arith.addf %add3A_1230, %mul3A_1237 : vector<16xf32>
      %mul3A_1239 = arith.constant 64 : i32
      %mul3A_1240 = arith.muli %add3A_1181, %mul3A_1239 : i32
      %add3A_1241 = arith.constant 32 : i32
      %add3A_1242 = arith.addi %mul3A_1240, %add3A_1241 : i32
      %get3A_1243 = arith.index_cast %add3A_1242 : i32 to index
      %get3A_1244 = tpu.vector_load %arg12[%get3A_1243] {strides = array<i32>} : memref<32768xf32, #tpu.memory_space<vmem>>, vector<16xf32>,
      %mul3A_1245 = arith.mulf %get3A_1244, %get3A_475 : vector<16xf32>
      %add3A_1246 = arith.addf %add3A_1238, %mul3A_1245 : vector<16xf32>
      %mul3A_1247 = arith.constant 64 : i32
      %mul3A_1248 = arith.muli %add3A_1181, %mul3A_1247 : i32
      %add3A_1249 = arith.constant 48 : i32
      %add3A_1250 = arith.addi %mul3A_1248, %add3A_1249 : i32
      %get3A_1251 = arith.index_cast %add3A_1250 : i32 to index
      %get3A_1252 = tpu.vector_load %arg12[%get3A_1251] {strides = array<i32>} : memref<32768xf32, #tpu.memory_space<vmem>>, vector<16xf32>,
      %mul3A_1253 = arith.mulf %get3A_1252, %get3A_479 : vector<16xf32>
      %add3A_1254 = arith.addf %add3A_1246, %mul3A_1253 : vector<16xf32>
      %reduce_sum3A_1255 = arith.constant true
      %reduce_sum3A_1256 = vector.broadcast %reduce_sum3A_1255 : i1 to vector<16xi1>
      %reduce_sum3A_1257 = tpu.scan <sum>, %add3A_1254 masked %reduce_sum3A_1256 : vector<16xf32>, vector<16xi1> -> vector<16xf32>
      %reduce_sum3A_1258 = vector.extract %reduce_sum3A_1257[15] : f32 from vector<16xf32>
      %eq3A_1259 = arith.constant 8 : i32
      %eq3A_1260 = vector.broadcast %eq3A_1259 : i32 to vector<16xi32>
      %eq3A_1261 = arith.cmpi eq, %iota3A, %eq3A_1260 : vector<16xi32>
      %broadcast_in_dim3A_1262 = vector.broadcast %reduce_sum3A_1258 : f32 to vector<16xf32>
      %select_n3A_1263 = arith.select %eq3A_1261, %broadcast_in_dim3A_1262, %select_n3A_1177 : vector<16xi1>, vector<16xf32>
      %mul3A_1264 = arith.constant 16 : i32
      %mul3A_1265 = arith.muli %scan3A_489, %mul3A_1264 : i32
      %add3A_1266 = arith.constant 9 : i32
      %add3A_1267 = arith.addi %mul3A_1265, %add3A_1266 : i32
      %mul3A_1268 = arith.constant 64 : i32
      %mul3A_1269 = arith.muli %add3A_1267, %mul3A_1268 : i32
      %get3A_1270 = arith.index_cast %mul3A_1269 : i32 to index
      %get3A_1271 = tpu.vector_load %arg13[%get3A_1270] {strides = array<i32>} : memref<32768xf32, #tpu.memory_space<vmem>>, vector<16xf32>,
      %get3A_1272 = arith.index_cast %add3A_1267 : i32 to index
      %get3A_1273 = arith.constant 0 : index
      %get3A_1274 = tpu.vector_load %arg10[%get3A_1272, %get3A_1273] {strides = array<i32>} : memref<512x64xf32, #tpu.memory_space<vmem>>, vector<16xf32>,
      %mul3A_1275 = arith.mulf %get3A_1271, %get3A_1274 : vector<16xf32>
      %mul3A_1276 = arith.constant 64 : i32
      %mul3A_1277 = arith.muli %add3A_1267, %mul3A_1276 : i32
      %add3A_1278 = arith.constant 16 : i32
      %add3A_1279 = arith.addi %mul3A_1277, %add3A_1278 : i32
      %get3A_1280 = arith.index_cast %add3A_1279 : i32 to index
      %get3A_1281 = tpu.vector_load %arg13[%get3A_1280] {strides = array<i32>} : memref<32768xf32, #tpu.memory_space<vmem>>, vector<16xf32>,
      %get3A_1282 = arith.index_cast %add3A_1267 : i32 to index
      %get3A_1283 = arith.constant 16 : index
      %get3A_1284 = tpu.vector_load %arg10[%get3A_1282, %get3A_1283] {strides = array<i32>} : memref<512x64xf32, #tpu.memory_space<vmem>>, vector<16xf32>,
      %mul3A_1285 = arith.mulf %get3A_1281, %get3A_1284 : vector<16xf32>
      %add3A_1286 = arith.addf %mul3A_1275, %mul3A_1285 : vector<16xf32>
      %mul3A_1287 = arith.constant 64 : i32
      %mul3A_1288 = arith.muli %add3A_1267, %mul3A_1287 : i32
      %add3A_1289 = arith.constant 32 : i32
      %add3A_1290 = arith.addi %mul3A_1288, %add3A_1289 : i32
      %get3A_1291 = arith.index_cast %add3A_1290 : i32 to index
      %get3A_1292 = tpu.vector_load %arg13[%get3A_1291] {strides = array<i32>} : memref<32768xf32, #tpu.memory_space<vmem>>, vector<16xf32>,
      %get3A_1293 = arith.index_cast %add3A_1267 : i32 to index
      %get3A_1294 = arith.constant 32 : index
      %get3A_1295 = tpu.vector_load %arg10[%get3A_1293, %get3A_1294] {strides = array<i32>} : memref<512x64xf32, #tpu.memory_space<vmem>>, vector<16xf32>,
      %mul3A_1296 = arith.mulf %get3A_1292, %get3A_1295 : vector<16xf32>
      %add3A_1297 = arith.addf %add3A_1286, %mul3A_1296 : vector<16xf32>
      %mul3A_1298 = arith.constant 64 : i32
      %mul3A_1299 = arith.muli %add3A_1267, %mul3A_1298 : i32
      %add3A_1300 = arith.constant 48 : i32
      %add3A_1301 = arith.addi %mul3A_1299, %add3A_1300 : i32
      %get3A_1302 = arith.index_cast %add3A_1301 : i32 to index
      %get3A_1303 = tpu.vector_load %arg13[%get3A_1302] {strides = array<i32>} : memref<32768xf32, #tpu.memory_space<vmem>>, vector<16xf32>,
      %get3A_1304 = arith.index_cast %add3A_1267 : i32 to index
      %get3A_1305 = arith.constant 48 : index
      %get3A_1306 = tpu.vector_load %arg10[%get3A_1304, %get3A_1305] {strides = array<i32>} : memref<512x64xf32, #tpu.memory_space<vmem>>, vector<16xf32>,
      %mul3A_1307 = arith.mulf %get3A_1303, %get3A_1306 : vector<16xf32>
      %add3A_1308 = arith.addf %add3A_1297, %mul3A_1307 : vector<16xf32>
      %mul3A_1309 = arith.constant 64 : i32
      %mul3A_1310 = arith.muli %add3A_1267, %mul3A_1309 : i32
      %add3A_1311 = arith.constant 0 : i32
      %add3A_1312 = arith.addi %mul3A_1310, %add3A_1311 : i32
      %get3A_1313 = arith.index_cast %add3A_1312 : i32 to index
      %get3A_1314 = tpu.vector_load %arg12[%get3A_1313] {strides = array<i32>} : memref<32768xf32, #tpu.memory_space<vmem>>, vector<16xf32>,
      %mul3A_1315 = arith.mulf %get3A_1314, %get3A_467 : vector<16xf32>
      %add3A_1316 = arith.addf %add3A_1308, %mul3A_1315 : vector<16xf32>
      %mul3A_1317 = arith.constant 64 : i32
      %mul3A_1318 = arith.muli %add3A_1267, %mul3A_1317 : i32
      %add3A_1319 = arith.constant 16 : i32
      %add3A_1320 = arith.addi %mul3A_1318, %add3A_1319 : i32
      %get3A_1321 = arith.index_cast %add3A_1320 : i32 to index
      %get3A_1322 = tpu.vector_load %arg12[%get3A_1321] {strides = array<i32>} : memref<32768xf32, #tpu.memory_space<vmem>>, vector<16xf32>,
      %mul3A_1323 = arith.mulf %get3A_1322, %get3A_471 : vector<16xf32>
      %add3A_1324 = arith.addf %add3A_1316, %mul3A_1323 : vector<16xf32>
      %mul3A_1325 = arith.constant 64 : i32
      %mul3A_1326 = arith.muli %add3A_1267, %mul3A_1325 : i32
      %add3A_1327 = arith.constant 32 : i32
      %add3A_1328 = arith.addi %mul3A_1326, %add3A_1327 : i32
      %get3A_1329 = arith.index_cast %add3A_1328 : i32 to index
      %get3A_1330 = tpu.vector_load %arg12[%get3A_1329] {strides = array<i32>} : memref<32768xf32, #tpu.memory_space<vmem>>, vector<16xf32>,
      %mul3A_1331 = arith.mulf %get3A_1330, %get3A_475 : vector<16xf32>
      %add3A_1332 = arith.addf %add3A_1324, %mul3A_1331 : vector<16xf32>
      %mul3A_1333 = arith.constant 64 : i32
      %mul3A_1334 = arith.muli %add3A_1267, %mul3A_1333 : i32
      %add3A_1335 = arith.constant 48 : i32
      %add3A_1336 = arith.addi %mul3A_1334, %add3A_1335 : i32
      %get3A_1337 = arith.index_cast %add3A_1336 : i32 to index
      %get3A_1338 = tpu.vector_load %arg12[%get3A_1337] {strides = array<i32>} : memref<32768xf32, #tpu.memory_space<vmem>>, vector<16xf32>,
      %mul3A_1339 = arith.mulf %get3A_1338, %get3A_479 : vector<16xf32>
      %add3A_1340 = arith.addf %add3A_1332, %mul3A_1339 : vector<16xf32>
      %reduce_sum3A_1341 = arith.constant true
      %reduce_sum3A_1342 = vector.broadcast %reduce_sum3A_1341 : i1 to vector<16xi1>
      %reduce_sum3A_1343 = tpu.scan <sum>, %add3A_1340 masked %reduce_sum3A_1342 : vector<16xf32>, vector<16xi1> -> vector<16xf32>
      %reduce_sum3A_1344 = vector.extract %reduce_sum3A_1343[15] : f32 from vector<16xf32>
      %eq3A_1345 = arith.constant 9 : i32
      %eq3A_1346 = vector.broadcast %eq3A_1345 : i32 to vector<16xi32>
      %eq3A_1347 = arith.cmpi eq, %iota3A, %eq3A_1346 : vector<16xi32>
      %broadcast_in_dim3A_1348 = vector.broadcast %reduce_sum3A_1344 : f32 to vector<16xf32>
      %select_n3A_1349 = arith.select %eq3A_1347, %broadcast_in_dim3A_1348, %select_n3A_1263 : vector<16xi1>, vector<16xf32>
      %mul3A_1350 = arith.constant 16 : i32
      %mul3A_1351 = arith.muli %scan3A_489, %mul3A_1350 : i32
      %add3A_1352 = arith.constant 10 : i32
      %add3A_1353 = arith.addi %mul3A_1351, %add3A_1352 : i32
      %mul3A_1354 = arith.constant 64 : i32
      %mul3A_1355 = arith.muli %add3A_1353, %mul3A_1354 : i32
      %get3A_1356 = arith.index_cast %mul3A_1355 : i32 to index
      %get3A_1357 = tpu.vector_load %arg13[%get3A_1356] {strides = array<i32>} : memref<32768xf32, #tpu.memory_space<vmem>>, vector<16xf32>,
      %get3A_1358 = arith.index_cast %add3A_1353 : i32 to index
      %get3A_1359 = arith.constant 0 : index
      %get3A_1360 = tpu.vector_load %arg10[%get3A_1358, %get3A_1359] {strides = array<i32>} : memref<512x64xf32, #tpu.memory_space<vmem>>, vector<16xf32>,
      %mul3A_1361 = arith.mulf %get3A_1357, %get3A_1360 : vector<16xf32>
      %mul3A_1362 = arith.constant 64 : i32
      %mul3A_1363 = arith.muli %add3A_1353, %mul3A_1362 : i32
      %add3A_1364 = arith.constant 16 : i32
      %add3A_1365 = arith.addi %mul3A_1363, %add3A_1364 : i32
      %get3A_1366 = arith.index_cast %add3A_1365 : i32 to index
      %get3A_1367 = tpu.vector_load %arg13[%get3A_1366] {strides = array<i32>} : memref<32768xf32, #tpu.memory_space<vmem>>, vector<16xf32>,
      %get3A_1368 = arith.index_cast %add3A_1353 : i32 to index
      %get3A_1369 = arith.constant 16 : index
      %get3A_1370 = tpu.vector_load %arg10[%get3A_1368, %get3A_1369] {strides = array<i32>} : memref<512x64xf32, #tpu.memory_space<vmem>>, vector<16xf32>,
      %mul3A_1371 = arith.mulf %get3A_1367, %get3A_1370 : vector<16xf32>
      %add3A_1372 = arith.addf %mul3A_1361, %mul3A_1371 : vector<16xf32>
      %mul3A_1373 = arith.constant 64 : i32
      %mul3A_1374 = arith.muli %add3A_1353, %mul3A_1373 : i32
      %add3A_1375 = arith.constant 32 : i32
      %add3A_1376 = arith.addi %mul3A_1374, %add3A_1375 : i32
      %get3A_1377 = arith.index_cast %add3A_1376 : i32 to index
      %get3A_1378 = tpu.vector_load %arg13[%get3A_1377] {strides = array<i32>} : memref<32768xf32, #tpu.memory_space<vmem>>, vector<16xf32>,
      %get3A_1379 = arith.index_cast %add3A_1353 : i32 to index
      %get3A_1380 = arith.constant 32 : index
      %get3A_1381 = tpu.vector_load %arg10[%get3A_1379, %get3A_1380] {strides = array<i32>} : memref<512x64xf32, #tpu.memory_space<vmem>>, vector<16xf32>,
      %mul3A_1382 = arith.mulf %get3A_1378, %get3A_1381 : vector<16xf32>
      %add3A_1383 = arith.addf %add3A_1372, %mul3A_1382 : vector<16xf32>
      %mul3A_1384 = arith.constant 64 : i32
      %mul3A_1385 = arith.muli %add3A_1353, %mul3A_1384 : i32
      %add3A_1386 = arith.constant 48 : i32
      %add3A_1387 = arith.addi %mul3A_1385, %add3A_1386 : i32
      %get3A_1388 = arith.index_cast %add3A_1387 : i32 to index
      %get3A_1389 = tpu.vector_load %arg13[%get3A_1388] {strides = array<i32>} : memref<32768xf32, #tpu.memory_space<vmem>>, vector<16xf32>,
      %get3A_1390 = arith.index_cast %add3A_1353 : i32 to index
      %get3A_1391 = arith.constant 48 : index
      %get3A_1392 = tpu.vector_load %arg10[%get3A_1390, %get3A_1391] {strides = array<i32>} : memref<512x64xf32, #tpu.memory_space<vmem>>, vector<16xf32>,
      %mul3A_1393 = arith.mulf %get3A_1389, %get3A_1392 : vector<16xf32>
      %add3A_1394 = arith.addf %add3A_1383, %mul3A_1393 : vector<16xf32>
      %mul3A_1395 = arith.constant 64 : i32
      %mul3A_1396 = arith.muli %add3A_1353, %mul3A_1395 : i32
      %add3A_1397 = arith.constant 0 : i32
      %add3A_1398 = arith.addi %mul3A_1396, %add3A_1397 : i32
      %get3A_1399 = arith.index_cast %add3A_1398 : i32 to index
      %get3A_1400 = tpu.vector_load %arg12[%get3A_1399] {strides = array<i32>} : memref<32768xf32, #tpu.memory_space<vmem>>, vector<16xf32>,
      %mul3A_1401 = arith.mulf %get3A_1400, %get3A_467 : vector<16xf32>
      %add3A_1402 = arith.addf %add3A_1394, %mul3A_1401 : vector<16xf32>
      %mul3A_1403 = arith.constant 64 : i32
      %mul3A_1404 = arith.muli %add3A_1353, %mul3A_1403 : i32
      %add3A_1405 = arith.constant 16 : i32
      %add3A_1406 = arith.addi %mul3A_1404, %add3A_1405 : i32
      %get3A_1407 = arith.index_cast %add3A_1406 : i32 to index
      %get3A_1408 = tpu.vector_load %arg12[%get3A_1407] {strides = array<i32>} : memref<32768xf32, #tpu.memory_space<vmem>>, vector<16xf32>,
      %mul3A_1409 = arith.mulf %get3A_1408, %get3A_471 : vector<16xf32>
      %add3A_1410 = arith.addf %add3A_1402, %mul3A_1409 : vector<16xf32>
      %mul3A_1411 = arith.constant 64 : i32
      %mul3A_1412 = arith.muli %add3A_1353, %mul3A_1411 : i32
      %add3A_1413 = arith.constant 32 : i32
      %add3A_1414 = arith.addi %mul3A_1412, %add3A_1413 : i32
      %get3A_1415 = arith.index_cast %add3A_1414 : i32 to index
      %get3A_1416 = tpu.vector_load %arg12[%get3A_1415] {strides = array<i32>} : memref<32768xf32, #tpu.memory_space<vmem>>, vector<16xf32>,
      %mul3A_1417 = arith.mulf %get3A_1416, %get3A_475 : vector<16xf32>
      %add3A_1418 = arith.addf %add3A_1410, %mul3A_1417 : vector<16xf32>
      %mul3A_1419 = arith.constant 64 : i32
      %mul3A_1420 = arith.muli %add3A_1353, %mul3A_1419 : i32
      %add3A_1421 = arith.constant 48 : i32
      %add3A_1422 = arith.addi %mul3A_1420, %add3A_1421 : i32
      %get3A_1423 = arith.index_cast %add3A_1422 : i32 to index
      %get3A_1424 = tpu.vector_load %arg12[%get3A_1423] {strides = array<i32>} : memref<32768xf32, #tpu.memory_space<vmem>>, vector<16xf32>,
      %mul3A_1425 = arith.mulf %get3A_1424, %get3A_479 : vector<16xf32>
      %add3A_1426 = arith.addf %add3A_1418, %mul3A_1425 : vector<16xf32>
      %reduce_sum3A_1427 = arith.constant true
      %reduce_sum3A_1428 = vector.broadcast %reduce_sum3A_1427 : i1 to vector<16xi1>
      %reduce_sum3A_1429 = tpu.scan <sum>, %add3A_1426 masked %reduce_sum3A_1428 : vector<16xf32>, vector<16xi1> -> vector<16xf32>
      %reduce_sum3A_1430 = vector.extract %reduce_sum3A_1429[15] : f32 from vector<16xf32>
      %eq3A_1431 = arith.constant 10 : i32
      %eq3A_1432 = vector.broadcast %eq3A_1431 : i32 to vector<16xi32>
      %eq3A_1433 = arith.cmpi eq, %iota3A, %eq3A_1432 : vector<16xi32>
      %broadcast_in_dim3A_1434 = vector.broadcast %reduce_sum3A_1430 : f32 to vector<16xf32>
      %select_n3A_1435 = arith.select %eq3A_1433, %broadcast_in_dim3A_1434, %select_n3A_1349 : vector<16xi1>, vector<16xf32>
      %mul3A_1436 = arith.constant 16 : i32
      %mul3A_1437 = arith.muli %scan3A_489, %mul3A_1436 : i32
      %add3A_1438 = arith.constant 11 : i32
      %add3A_1439 = arith.addi %mul3A_1437, %add3A_1438 : i32
      %mul3A_1440 = arith.constant 64 : i32
      %mul3A_1441 = arith.muli %add3A_1439, %mul3A_1440 : i32
      %get3A_1442 = arith.index_cast %mul3A_1441 : i32 to index
      %get3A_1443 = tpu.vector_load %arg13[%get3A_1442] {strides = array<i32>} : memref<32768xf32, #tpu.memory_space<vmem>>, vector<16xf32>,
      %get3A_1444 = arith.index_cast %add3A_1439 : i32 to index
      %get3A_1445 = arith.constant 0 : index
      %get3A_1446 = tpu.vector_load %arg10[%get3A_1444, %get3A_1445] {strides = array<i32>} : memref<512x64xf32, #tpu.memory_space<vmem>>, vector<16xf32>,
      %mul3A_1447 = arith.mulf %get3A_1443, %get3A_1446 : vector<16xf32>
      %mul3A_1448 = arith.constant 64 : i32
      %mul3A_1449 = arith.muli %add3A_1439, %mul3A_1448 : i32
      %add3A_1450 = arith.constant 16 : i32
      %add3A_1451 = arith.addi %mul3A_1449, %add3A_1450 : i32
      %get3A_1452 = arith.index_cast %add3A_1451 : i32 to index
      %get3A_1453 = tpu.vector_load %arg13[%get3A_1452] {strides = array<i32>} : memref<32768xf32, #tpu.memory_space<vmem>>, vector<16xf32>,
      %get3A_1454 = arith.index_cast %add3A_1439 : i32 to index
      %get3A_1455 = arith.constant 16 : index
      %get3A_1456 = tpu.vector_load %arg10[%get3A_1454, %get3A_1455] {strides = array<i32>} : memref<512x64xf32, #tpu.memory_space<vmem>>, vector<16xf32>,
      %mul3A_1457 = arith.mulf %get3A_1453, %get3A_1456 : vector<16xf32>
      %add3A_1458 = arith.addf %mul3A_1447, %mul3A_1457 : vector<16xf32>
      %mul3A_1459 = arith.constant 64 : i32
      %mul3A_1460 = arith.muli %add3A_1439, %mul3A_1459 : i32
      %add3A_1461 = arith.constant 32 : i32
      %add3A_1462 = arith.addi %mul3A_1460, %add3A_1461 : i32
      %get3A_1463 = arith.index_cast %add3A_1462 : i32 to index
      %get3A_1464 = tpu.vector_load %arg13[%get3A_1463] {strides = array<i32>} : memref<32768xf32, #tpu.memory_space<vmem>>, vector<16xf32>,
      %get3A_1465 = arith.index_cast %add3A_1439 : i32 to index
      %get3A_1466 = arith.constant 32 : index
      %get3A_1467 = tpu.vector_load %arg10[%get3A_1465, %get3A_1466] {strides = array<i32>} : memref<512x64xf32, #tpu.memory_space<vmem>>, vector<16xf32>,
      %mul3A_1468 = arith.mulf %get3A_1464, %get3A_1467 : vector<16xf32>
      %add3A_1469 = arith.addf %add3A_1458, %mul3A_1468 : vector<16xf32>
      %mul3A_1470 = arith.constant 64 : i32
      %mul3A_1471 = arith.muli %add3A_1439, %mul3A_1470 : i32
      %add3A_1472 = arith.constant 48 : i32
      %add3A_1473 = arith.addi %mul3A_1471, %add3A_1472 : i32
      %get3A_1474 = arith.index_cast %add3A_1473 : i32 to index
      %get3A_1475 = tpu.vector_load %arg13[%get3A_1474] {strides = array<i32>} : memref<32768xf32, #tpu.memory_space<vmem>>, vector<16xf32>,
      %get3A_1476 = arith.index_cast %add3A_1439 : i32 to index
      %get3A_1477 = arith.constant 48 : index
      %get3A_1478 = tpu.vector_load %arg10[%get3A_1476, %get3A_1477] {strides = array<i32>} : memref<512x64xf32, #tpu.memory_space<vmem>>, vector<16xf32>,
      %mul3A_1479 = arith.mulf %get3A_1475, %get3A_1478 : vector<16xf32>
      %add3A_1480 = arith.addf %add3A_1469, %mul3A_1479 : vector<16xf32>
      %mul3A_1481 = arith.constant 64 : i32
      %mul3A_1482 = arith.muli %add3A_1439, %mul3A_1481 : i32
      %add3A_1483 = arith.constant 0 : i32
      %add3A_1484 = arith.addi %mul3A_1482, %add3A_1483 : i32
      %get3A_1485 = arith.index_cast %add3A_1484 : i32 to index
      %get3A_1486 = tpu.vector_load %arg12[%get3A_1485] {strides = array<i32>} : memref<32768xf32, #tpu.memory_space<vmem>>, vector<16xf32>,
      %mul3A_1487 = arith.mulf %get3A_1486, %get3A_467 : vector<16xf32>
      %add3A_1488 = arith.addf %add3A_1480, %mul3A_1487 : vector<16xf32>
      %mul3A_1489 = arith.constant 64 : i32
      %mul3A_1490 = arith.muli %add3A_1439, %mul3A_1489 : i32
      %add3A_1491 = arith.constant 16 : i32
      %add3A_1492 = arith.addi %mul3A_1490, %add3A_1491 : i32
      %get3A_1493 = arith.index_cast %add3A_1492 : i32 to index
      %get3A_1494 = tpu.vector_load %arg12[%get3A_1493] {strides = array<i32>} : memref<32768xf32, #tpu.memory_space<vmem>>, vector<16xf32>,
      %mul3A_1495 = arith.mulf %get3A_1494, %get3A_471 : vector<16xf32>
      %add3A_1496 = arith.addf %add3A_1488, %mul3A_1495 : vector<16xf32>
      %mul3A_1497 = arith.constant 64 : i32
      %mul3A_1498 = arith.muli %add3A_1439, %mul3A_1497 : i32
      %add3A_1499 = arith.constant 32 : i32
      %add3A_1500 = arith.addi %mul3A_1498, %add3A_1499 : i32
      %get3A_1501 = arith.index_cast %add3A_1500 : i32 to index
      %get3A_1502 = tpu.vector_load %arg12[%get3A_1501] {strides = array<i32>} : memref<32768xf32, #tpu.memory_space<vmem>>, vector<16xf32>,
      %mul3A_1503 = arith.mulf %get3A_1502, %get3A_475 : vector<16xf32>
      %add3A_1504 = arith.addf %add3A_1496, %mul3A_1503 : vector<16xf32>
      %mul3A_1505 = arith.constant 64 : i32
      %mul3A_1506 = arith.muli %add3A_1439, %mul3A_1505 : i32
      %add3A_1507 = arith.constant 48 : i32
      %add3A_1508 = arith.addi %mul3A_1506, %add3A_1507 : i32
      %get3A_1509 = arith.index_cast %add3A_1508 : i32 to index
      %get3A_1510 = tpu.vector_load %arg12[%get3A_1509] {strides = array<i32>} : memref<32768xf32, #tpu.memory_space<vmem>>, vector<16xf32>,
      %mul3A_1511 = arith.mulf %get3A_1510, %get3A_479 : vector<16xf32>
      %add3A_1512 = arith.addf %add3A_1504, %mul3A_1511 : vector<16xf32>
      %reduce_sum3A_1513 = arith.constant true
      %reduce_sum3A_1514 = vector.broadcast %reduce_sum3A_1513 : i1 to vector<16xi1>
      %reduce_sum3A_1515 = tpu.scan <sum>, %add3A_1512 masked %reduce_sum3A_1514 : vector<16xf32>, vector<16xi1> -> vector<16xf32>
      %reduce_sum3A_1516 = vector.extract %reduce_sum3A_1515[15] : f32 from vector<16xf32>
      %eq3A_1517 = arith.constant 11 : i32
      %eq3A_1518 = vector.broadcast %eq3A_1517 : i32 to vector<16xi32>
      %eq3A_1519 = arith.cmpi eq, %iota3A, %eq3A_1518 : vector<16xi32>
      %broadcast_in_dim3A_1520 = vector.broadcast %reduce_sum3A_1516 : f32 to vector<16xf32>
      %select_n3A_1521 = arith.select %eq3A_1519, %broadcast_in_dim3A_1520, %select_n3A_1435 : vector<16xi1>, vector<16xf32>
      %mul3A_1522 = arith.constant 16 : i32
      %mul3A_1523 = arith.muli %scan3A_489, %mul3A_1522 : i32
      %add3A_1524 = arith.constant 12 : i32
      %add3A_1525 = arith.addi %mul3A_1523, %add3A_1524 : i32
      %mul3A_1526 = arith.constant 64 : i32
      %mul3A_1527 = arith.muli %add3A_1525, %mul3A_1526 : i32
      %get3A_1528 = arith.index_cast %mul3A_1527 : i32 to index
      %get3A_1529 = tpu.vector_load %arg13[%get3A_1528] {strides = array<i32>} : memref<32768xf32, #tpu.memory_space<vmem>>, vector<16xf32>,
      %get3A_1530 = arith.index_cast %add3A_1525 : i32 to index
      %get3A_1531 = arith.constant 0 : index
      %get3A_1532 = tpu.vector_load %arg10[%get3A_1530, %get3A_1531] {strides = array<i32>} : memref<512x64xf32, #tpu.memory_space<vmem>>, vector<16xf32>,
      %mul3A_1533 = arith.mulf %get3A_1529, %get3A_1532 : vector<16xf32>
      %mul3A_1534 = arith.constant 64 : i32
      %mul3A_1535 = arith.muli %add3A_1525, %mul3A_1534 : i32
      %add3A_1536 = arith.constant 16 : i32
      %add3A_1537 = arith.addi %mul3A_1535, %add3A_1536 : i32
      %get3A_1538 = arith.index_cast %add3A_1537 : i32 to index
      %get3A_1539 = tpu.vector_load %arg13[%get3A_1538] {strides = array<i32>} : memref<32768xf32, #tpu.memory_space<vmem>>, vector<16xf32>,
      %get3A_1540 = arith.index_cast %add3A_1525 : i32 to index
      %get3A_1541 = arith.constant 16 : index
      %get3A_1542 = tpu.vector_load %arg10[%get3A_1540, %get3A_1541] {strides = array<i32>} : memref<512x64xf32, #tpu.memory_space<vmem>>, vector<16xf32>,
      %mul3A_1543 = arith.mulf %get3A_1539, %get3A_1542 : vector<16xf32>
      %add3A_1544 = arith.addf %mul3A_1533, %mul3A_1543 : vector<16xf32>
      %mul3A_1545 = arith.constant 64 : i32
      %mul3A_1546 = arith.muli %add3A_1525, %mul3A_1545 : i32
      %add3A_1547 = arith.constant 32 : i32
      %add3A_1548 = arith.addi %mul3A_1546, %add3A_1547 : i32
      %get3A_1549 = arith.index_cast %add3A_1548 : i32 to index
      %get3A_1550 = tpu.vector_load %arg13[%get3A_1549] {strides = array<i32>} : memref<32768xf32, #tpu.memory_space<vmem>>, vector<16xf32>,
      %get3A_1551 = arith.index_cast %add3A_1525 : i32 to index
      %get3A_1552 = arith.constant 32 : index
      %get3A_1553 = tpu.vector_load %arg10[%get3A_1551, %get3A_1552] {strides = array<i32>} : memref<512x64xf32, #tpu.memory_space<vmem>>, vector<16xf32>,
      %mul3A_1554 = arith.mulf %get3A_1550, %get3A_1553 : vector<16xf32>
      %add3A_1555 = arith.addf %add3A_1544, %mul3A_1554 : vector<16xf32>
      %mul3A_1556 = arith.constant 64 : i32
      %mul3A_1557 = arith.muli %add3A_1525, %mul3A_1556 : i32
      %add3A_1558 = arith.constant 48 : i32
      %add3A_1559 = arith.addi %mul3A_1557, %add3A_1558 : i32
      %get3A_1560 = arith.index_cast %add3A_1559 : i32 to index
      %get3A_1561 = tpu.vector_load %arg13[%get3A_1560] {strides = array<i32>} : memref<32768xf32, #tpu.memory_space<vmem>>, vector<16xf32>,
      %get3A_1562 = arith.index_cast %add3A_1525 : i32 to index
      %get3A_1563 = arith.constant 48 : index
      %get3A_1564 = tpu.vector_load %arg10[%get3A_1562, %get3A_1563] {strides = array<i32>} : memref<512x64xf32, #tpu.memory_space<vmem>>, vector<16xf32>,
      %mul3A_1565 = arith.mulf %get3A_1561, %get3A_1564 : vector<16xf32>
      %add3A_1566 = arith.addf %add3A_1555, %mul3A_1565 : vector<16xf32>
      %mul3A_1567 = arith.constant 64 : i32
      %mul3A_1568 = arith.muli %add3A_1525, %mul3A_1567 : i32
      %add3A_1569 = arith.constant 0 : i32
      %add3A_1570 = arith.addi %mul3A_1568, %add3A_1569 : i32
      %get3A_1571 = arith.index_cast %add3A_1570 : i32 to index
      %get3A_1572 = tpu.vector_load %arg12[%get3A_1571] {strides = array<i32>} : memref<32768xf32, #tpu.memory_space<vmem>>, vector<16xf32>,
      %mul3A_1573 = arith.mulf %get3A_1572, %get3A_467 : vector<16xf32>
      %add3A_1574 = arith.addf %add3A_1566, %mul3A_1573 : vector<16xf32>
      %mul3A_1575 = arith.constant 64 : i32
      %mul3A_1576 = arith.muli %add3A_1525, %mul3A_1575 : i32
      %add3A_1577 = arith.constant 16 : i32
      %add3A_1578 = arith.addi %mul3A_1576, %add3A_1577 : i32
      %get3A_1579 = arith.index_cast %add3A_1578 : i32 to index
      %get3A_1580 = tpu.vector_load %arg12[%get3A_1579] {strides = array<i32>} : memref<32768xf32, #tpu.memory_space<vmem>>, vector<16xf32>,
      %mul3A_1581 = arith.mulf %get3A_1580, %get3A_471 : vector<16xf32>
      %add3A_1582 = arith.addf %add3A_1574, %mul3A_1581 : vector<16xf32>
      %mul3A_1583 = arith.constant 64 : i32
      %mul3A_1584 = arith.muli %add3A_1525, %mul3A_1583 : i32
      %add3A_1585 = arith.constant 32 : i32
      %add3A_1586 = arith.addi %mul3A_1584, %add3A_1585 : i32
      %get3A_1587 = arith.index_cast %add3A_1586 : i32 to index
      %get3A_1588 = tpu.vector_load %arg12[%get3A_1587] {strides = array<i32>} : memref<32768xf32, #tpu.memory_space<vmem>>, vector<16xf32>,
      %mul3A_1589 = arith.mulf %get3A_1588, %get3A_475 : vector<16xf32>
      %add3A_1590 = arith.addf %add3A_1582, %mul3A_1589 : vector<16xf32>
      %mul3A_1591 = arith.constant 64 : i32
      %mul3A_1592 = arith.muli %add3A_1525, %mul3A_1591 : i32
      %add3A_1593 = arith.constant 48 : i32
      %add3A_1594 = arith.addi %mul3A_1592, %add3A_1593 : i32
      %get3A_1595 = arith.index_cast %add3A_1594 : i32 to index
      %get3A_1596 = tpu.vector_load %arg12[%get3A_1595] {strides = array<i32>} : memref<32768xf32, #tpu.memory_space<vmem>>, vector<16xf32>,
      %mul3A_1597 = arith.mulf %get3A_1596, %get3A_479 : vector<16xf32>
      %add3A_1598 = arith.addf %add3A_1590, %mul3A_1597 : vector<16xf32>
      %reduce_sum3A_1599 = arith.constant true
      %reduce_sum3A_1600 = vector.broadcast %reduce_sum3A_1599 : i1 to vector<16xi1>
      %reduce_sum3A_1601 = tpu.scan <sum>, %add3A_1598 masked %reduce_sum3A_1600 : vector<16xf32>, vector<16xi1> -> vector<16xf32>
      %reduce_sum3A_1602 = vector.extract %reduce_sum3A_1601[15] : f32 from vector<16xf32>
      %eq3A_1603 = arith.constant 12 : i32
      %eq3A_1604 = vector.broadcast %eq3A_1603 : i32 to vector<16xi32>
      %eq3A_1605 = arith.cmpi eq, %iota3A, %eq3A_1604 : vector<16xi32>
      %broadcast_in_dim3A_1606 = vector.broadcast %reduce_sum3A_1602 : f32 to vector<16xf32>
      %select_n3A_1607 = arith.select %eq3A_1605, %broadcast_in_dim3A_1606, %select_n3A_1521 : vector<16xi1>, vector<16xf32>
      %mul3A_1608 = arith.constant 16 : i32
      %mul3A_1609 = arith.muli %scan3A_489, %mul3A_1608 : i32
      %add3A_1610 = arith.constant 13 : i32
      %add3A_1611 = arith.addi %mul3A_1609, %add3A_1610 : i32
      %mul3A_1612 = arith.constant 64 : i32
      %mul3A_1613 = arith.muli %add3A_1611, %mul3A_1612 : i32
      %get3A_1614 = arith.index_cast %mul3A_1613 : i32 to index
      %get3A_1615 = tpu.vector_load %arg13[%get3A_1614] {strides = array<i32>} : memref<32768xf32, #tpu.memory_space<vmem>>, vector<16xf32>,
      %get3A_1616 = arith.index_cast %add3A_1611 : i32 to index
      %get3A_1617 = arith.constant 0 : index
      %get3A_1618 = tpu.vector_load %arg10[%get3A_1616, %get3A_1617] {strides = array<i32>} : memref<512x64xf32, #tpu.memory_space<vmem>>, vector<16xf32>,
      %mul3A_1619 = arith.mulf %get3A_1615, %get3A_1618 : vector<16xf32>
      %mul3A_1620 = arith.constant 64 : i32
      %mul3A_1621 = arith.muli %add3A_1611, %mul3A_1620 : i32
      %add3A_1622 = arith.constant 16 : i32
      %add3A_1623 = arith.addi %mul3A_1621, %add3A_1622 : i32
      %get3A_1624 = arith.index_cast %add3A_1623 : i32 to index
      %get3A_1625 = tpu.vector_load %arg13[%get3A_1624] {strides = array<i32>} : memref<32768xf32, #tpu.memory_space<vmem>>, vector<16xf32>,
      %get3A_1626 = arith.index_cast %add3A_1611 : i32 to index
      %get3A_1627 = arith.constant 16 : index
      %get3A_1628 = tpu.vector_load %arg10[%get3A_1626, %get3A_1627] {strides = array<i32>} : memref<512x64xf32, #tpu.memory_space<vmem>>, vector<16xf32>,
      %mul3A_1629 = arith.mulf %get3A_1625, %get3A_1628 : vector<16xf32>
      %add3A_1630 = arith.addf %mul3A_1619, %mul3A_1629 : vector<16xf32>
      %mul3A_1631 = arith.constant 64 : i32
      %mul3A_1632 = arith.muli %add3A_1611, %mul3A_1631 : i32
      %add3A_1633 = arith.constant 32 : i32
      %add3A_1634 = arith.addi %mul3A_1632, %add3A_1633 : i32
      %get3A_1635 = arith.index_cast %add3A_1634 : i32 to index
      %get3A_1636 = tpu.vector_load %arg13[%get3A_1635] {strides = array<i32>} : memref<32768xf32, #tpu.memory_space<vmem>>, vector<16xf32>,
      %get3A_1637 = arith.index_cast %add3A_1611 : i32 to index
      %get3A_1638 = arith.constant 32 : index
      %get3A_1639 = tpu.vector_load %arg10[%get3A_1637, %get3A_1638] {strides = array<i32>} : memref<512x64xf32, #tpu.memory_space<vmem>>, vector<16xf32>,
      %mul3A_1640 = arith.mulf %get3A_1636, %get3A_1639 : vector<16xf32>
      %add3A_1641 = arith.addf %add3A_1630, %mul3A_1640 : vector<16xf32>
      %mul3A_1642 = arith.constant 64 : i32
      %mul3A_1643 = arith.muli %add3A_1611, %mul3A_1642 : i32
      %add3A_1644 = arith.constant 48 : i32
      %add3A_1645 = arith.addi %mul3A_1643, %add3A_1644 : i32
      %get3A_1646 = arith.index_cast %add3A_1645 : i32 to index
      %get3A_1647 = tpu.vector_load %arg13[%get3A_1646] {strides = array<i32>} : memref<32768xf32, #tpu.memory_space<vmem>>, vector<16xf32>,
      %get3A_1648 = arith.index_cast %add3A_1611 : i32 to index
      %get3A_1649 = arith.constant 48 : index
      %get3A_1650 = tpu.vector_load %arg10[%get3A_1648, %get3A_1649] {strides = array<i32>} : memref<512x64xf32, #tpu.memory_space<vmem>>, vector<16xf32>,
      %mul3A_1651 = arith.mulf %get3A_1647, %get3A_1650 : vector<16xf32>
      %add3A_1652 = arith.addf %add3A_1641, %mul3A_1651 : vector<16xf32>
      %mul3A_1653 = arith.constant 64 : i32
      %mul3A_1654 = arith.muli %add3A_1611, %mul3A_1653 : i32
      %add3A_1655 = arith.constant 0 : i32
      %add3A_1656 = arith.addi %mul3A_1654, %add3A_1655 : i32
      %get3A_1657 = arith.index_cast %add3A_1656 : i32 to index
      %get3A_1658 = tpu.vector_load %arg12[%get3A_1657] {strides = array<i32>} : memref<32768xf32, #tpu.memory_space<vmem>>, vector<16xf32>,
      %mul3A_1659 = arith.mulf %get3A_1658, %get3A_467 : vector<16xf32>
      %add3A_1660 = arith.addf %add3A_1652, %mul3A_1659 : vector<16xf32>
      %mul3A_1661 = arith.constant 64 : i32
      %mul3A_1662 = arith.muli %add3A_1611, %mul3A_1661 : i32
      %add3A_1663 = arith.constant 16 : i32
      %add3A_1664 = arith.addi %mul3A_1662, %add3A_1663 : i32
      %get3A_1665 = arith.index_cast %add3A_1664 : i32 to index
      %get3A_1666 = tpu.vector_load %arg12[%get3A_1665] {strides = array<i32>} : memref<32768xf32, #tpu.memory_space<vmem>>, vector<16xf32>,
      %mul3A_1667 = arith.mulf %get3A_1666, %get3A_471 : vector<16xf32>
      %add3A_1668 = arith.addf %add3A_1660, %mul3A_1667 : vector<16xf32>
      %mul3A_1669 = arith.constant 64 : i32
      %mul3A_1670 = arith.muli %add3A_1611, %mul3A_1669 : i32
      %add3A_1671 = arith.constant 32 : i32
      %add3A_1672 = arith.addi %mul3A_1670, %add3A_1671 : i32
      %get3A_1673 = arith.index_cast %add3A_1672 : i32 to index
      %get3A_1674 = tpu.vector_load %arg12[%get3A_1673] {strides = array<i32>} : memref<32768xf32, #tpu.memory_space<vmem>>, vector<16xf32>,
      %mul3A_1675 = arith.mulf %get3A_1674, %get3A_475 : vector<16xf32>
      %add3A_1676 = arith.addf %add3A_1668, %mul3A_1675 : vector<16xf32>
      %mul3A_1677 = arith.constant 64 : i32
      %mul3A_1678 = arith.muli %add3A_1611, %mul3A_1677 : i32
      %add3A_1679 = arith.constant 48 : i32
      %add3A_1680 = arith.addi %mul3A_1678, %add3A_1679 : i32
      %get3A_1681 = arith.index_cast %add3A_1680 : i32 to index
      %get3A_1682 = tpu.vector_load %arg12[%get3A_1681] {strides = array<i32>} : memref<32768xf32, #tpu.memory_space<vmem>>, vector<16xf32>,
      %mul3A_1683 = arith.mulf %get3A_1682, %get3A_479 : vector<16xf32>
      %add3A_1684 = arith.addf %add3A_1676, %mul3A_1683 : vector<16xf32>
      %reduce_sum3A_1685 = arith.constant true
      %reduce_sum3A_1686 = vector.broadcast %reduce_sum3A_1685 : i1 to vector<16xi1>
      %reduce_sum3A_1687 = tpu.scan <sum>, %add3A_1684 masked %reduce_sum3A_1686 : vector<16xf32>, vector<16xi1> -> vector<16xf32>
      %reduce_sum3A_1688 = vector.extract %reduce_sum3A_1687[15] : f32 from vector<16xf32>
      %eq3A_1689 = arith.constant 13 : i32
      %eq3A_1690 = vector.broadcast %eq3A_1689 : i32 to vector<16xi32>
      %eq3A_1691 = arith.cmpi eq, %iota3A, %eq3A_1690 : vector<16xi32>
      %broadcast_in_dim3A_1692 = vector.broadcast %reduce_sum3A_1688 : f32 to vector<16xf32>
      %select_n3A_1693 = arith.select %eq3A_1691, %broadcast_in_dim3A_1692, %select_n3A_1607 : vector<16xi1>, vector<16xf32>
      %mul3A_1694 = arith.constant 16 : i32
      %mul3A_1695 = arith.muli %scan3A_489, %mul3A_1694 : i32
      %add3A_1696 = arith.constant 14 : i32
      %add3A_1697 = arith.addi %mul3A_1695, %add3A_1696 : i32
      %mul3A_1698 = arith.constant 64 : i32
      %mul3A_1699 = arith.muli %add3A_1697, %mul3A_1698 : i32
      %get3A_1700 = arith.index_cast %mul3A_1699 : i32 to index
      %get3A_1701 = tpu.vector_load %arg13[%get3A_1700] {strides = array<i32>} : memref<32768xf32, #tpu.memory_space<vmem>>, vector<16xf32>,
      %get3A_1702 = arith.index_cast %add3A_1697 : i32 to index
      %get3A_1703 = arith.constant 0 : index
      %get3A_1704 = tpu.vector_load %arg10[%get3A_1702, %get3A_1703] {strides = array<i32>} : memref<512x64xf32, #tpu.memory_space<vmem>>, vector<16xf32>,
      %mul3A_1705 = arith.mulf %get3A_1701, %get3A_1704 : vector<16xf32>
      %mul3A_1706 = arith.constant 64 : i32
      %mul3A_1707 = arith.muli %add3A_1697, %mul3A_1706 : i32
      %add3A_1708 = arith.constant 16 : i32
      %add3A_1709 = arith.addi %mul3A_1707, %add3A_1708 : i32
      %get3A_1710 = arith.index_cast %add3A_1709 : i32 to index
      %get3A_1711 = tpu.vector_load %arg13[%get3A_1710] {strides = array<i32>} : memref<32768xf32, #tpu.memory_space<vmem>>, vector<16xf32>,
      %get3A_1712 = arith.index_cast %add3A_1697 : i32 to index
      %get3A_1713 = arith.constant 16 : index
      %get3A_1714 = tpu.vector_load %arg10[%get3A_1712, %get3A_1713] {strides = array<i32>} : memref<512x64xf32, #tpu.memory_space<vmem>>, vector<16xf32>,
      %mul3A_1715 = arith.mulf %get3A_1711, %get3A_1714 : vector<16xf32>
      %add3A_1716 = arith.addf %mul3A_1705, %mul3A_1715 : vector<16xf32>
      %mul3A_1717 = arith.constant 64 : i32
      %mul3A_1718 = arith.muli %add3A_1697, %mul3A_1717 : i32
      %add3A_1719 = arith.constant 32 : i32
      %add3A_1720 = arith.addi %mul3A_1718, %add3A_1719 : i32
      %get3A_1721 = arith.index_cast %add3A_1720 : i32 to index
      %get3A_1722 = tpu.vector_load %arg13[%get3A_1721] {strides = array<i32>} : memref<32768xf32, #tpu.memory_space<vmem>>, vector<16xf32>,
      %get3A_1723 = arith.index_cast %add3A_1697 : i32 to index
      %get3A_1724 = arith.constant 32 : index
      %get3A_1725 = tpu.vector_load %arg10[%get3A_1723, %get3A_1724] {strides = array<i32>} : memref<512x64xf32, #tpu.memory_space<vmem>>, vector<16xf32>,
      %mul3A_1726 = arith.mulf %get3A_1722, %get3A_1725 : vector<16xf32>
      %add3A_1727 = arith.addf %add3A_1716, %mul3A_1726 : vector<16xf32>
      %mul3A_1728 = arith.constant 64 : i32
      %mul3A_1729 = arith.muli %add3A_1697, %mul3A_1728 : i32
      %add3A_1730 = arith.constant 48 : i32
      %add3A_1731 = arith.addi %mul3A_1729, %add3A_1730 : i32
      %get3A_1732 = arith.index_cast %add3A_1731 : i32 to index
      %get3A_1733 = tpu.vector_load %arg13[%get3A_1732] {strides = array<i32>} : memref<32768xf32, #tpu.memory_space<vmem>>, vector<16xf32>,
      %get3A_1734 = arith.index_cast %add3A_1697 : i32 to index
      %get3A_1735 = arith.constant 48 : index
      %get3A_1736 = tpu.vector_load %arg10[%get3A_1734, %get3A_1735] {strides = array<i32>} : memref<512x64xf32, #tpu.memory_space<vmem>>, vector<16xf32>,
      %mul3A_1737 = arith.mulf %get3A_1733, %get3A_1736 : vector<16xf32>
      %add3A_1738 = arith.addf %add3A_1727, %mul3A_1737 : vector<16xf32>
      %mul3A_1739 = arith.constant 64 : i32
      %mul3A_1740 = arith.muli %add3A_1697, %mul3A_1739 : i32
      %add3A_1741 = arith.constant 0 : i32
      %add3A_1742 = arith.addi %mul3A_1740, %add3A_1741 : i32
      %get3A_1743 = arith.index_cast %add3A_1742 : i32 to index
      %get3A_1744 = tpu.vector_load %arg12[%get3A_1743] {strides = array<i32>} : memref<32768xf32, #tpu.memory_space<vmem>>, vector<16xf32>,
      %mul3A_1745 = arith.mulf %get3A_1744, %get3A_467 : vector<16xf32>
      %add3A_1746 = arith.addf %add3A_1738, %mul3A_1745 : vector<16xf32>
      %mul3A_1747 = arith.constant 64 : i32
      %mul3A_1748 = arith.muli %add3A_1697, %mul3A_1747 : i32
      %add3A_1749 = arith.constant 16 : i32
      %add3A_1750 = arith.addi %mul3A_1748, %add3A_1749 : i32
      %get3A_1751 = arith.index_cast %add3A_1750 : i32 to index
      %get3A_1752 = tpu.vector_load %arg12[%get3A_1751] {strides = array<i32>} : memref<32768xf32, #tpu.memory_space<vmem>>, vector<16xf32>,
      %mul3A_1753 = arith.mulf %get3A_1752, %get3A_471 : vector<16xf32>
      %add3A_1754 = arith.addf %add3A_1746, %mul3A_1753 : vector<16xf32>
      %mul3A_1755 = arith.constant 64 : i32
      %mul3A_1756 = arith.muli %add3A_1697, %mul3A_1755 : i32
      %add3A_1757 = arith.constant 32 : i32
      %add3A_1758 = arith.addi %mul3A_1756, %add3A_1757 : i32
      %get3A_1759 = arith.index_cast %add3A_1758 : i32 to index
      %get3A_1760 = tpu.vector_load %arg12[%get3A_1759] {strides = array<i32>} : memref<32768xf32, #tpu.memory_space<vmem>>, vector<16xf32>,
      %mul3A_1761 = arith.mulf %get3A_1760, %get3A_475 : vector<16xf32>
      %add3A_1762 = arith.addf %add3A_1754, %mul3A_1761 : vector<16xf32>
      %mul3A_1763 = arith.constant 64 : i32
      %mul3A_1764 = arith.muli %add3A_1697, %mul3A_1763 : i32
      %add3A_1765 = arith.constant 48 : i32
      %add3A_1766 = arith.addi %mul3A_1764, %add3A_1765 : i32
      %get3A_1767 = arith.index_cast %add3A_1766 : i32 to index
      %get3A_1768 = tpu.vector_load %arg12[%get3A_1767] {strides = array<i32>} : memref<32768xf32, #tpu.memory_space<vmem>>, vector<16xf32>,
      %mul3A_1769 = arith.mulf %get3A_1768, %get3A_479 : vector<16xf32>
      %add3A_1770 = arith.addf %add3A_1762, %mul3A_1769 : vector<16xf32>
      %reduce_sum3A_1771 = arith.constant true
      %reduce_sum3A_1772 = vector.broadcast %reduce_sum3A_1771 : i1 to vector<16xi1>
      %reduce_sum3A_1773 = tpu.scan <sum>, %add3A_1770 masked %reduce_sum3A_1772 : vector<16xf32>, vector<16xi1> -> vector<16xf32>
      %reduce_sum3A_1774 = vector.extract %reduce_sum3A_1773[15] : f32 from vector<16xf32>
      %eq3A_1775 = arith.constant 14 : i32
      %eq3A_1776 = vector.broadcast %eq3A_1775 : i32 to vector<16xi32>
      %eq3A_1777 = arith.cmpi eq, %iota3A, %eq3A_1776 : vector<16xi32>
      %broadcast_in_dim3A_1778 = vector.broadcast %reduce_sum3A_1774 : f32 to vector<16xf32>
      %select_n3A_1779 = arith.select %eq3A_1777, %broadcast_in_dim3A_1778, %select_n3A_1693 : vector<16xi1>, vector<16xf32>
      %mul3A_1780 = arith.constant 16 : i32
      %mul3A_1781 = arith.muli %scan3A_489, %mul3A_1780 : i32
      %add3A_1782 = arith.constant 15 : i32
      %add3A_1783 = arith.addi %mul3A_1781, %add3A_1782 : i32
      %mul3A_1784 = arith.constant 64 : i32
      %mul3A_1785 = arith.muli %add3A_1783, %mul3A_1784 : i32
      %get3A_1786 = arith.index_cast %mul3A_1785 : i32 to index
      %get3A_1787 = tpu.vector_load %arg13[%get3A_1786] {strides = array<i32>} : memref<32768xf32, #tpu.memory_space<vmem>>, vector<16xf32>,
      %get3A_1788 = arith.index_cast %add3A_1783 : i32 to index
      %get3A_1789 = arith.constant 0 : index
      %get3A_1790 = tpu.vector_load %arg10[%get3A_1788, %get3A_1789] {strides = array<i32>} : memref<512x64xf32, #tpu.memory_space<vmem>>, vector<16xf32>,
      %mul3A_1791 = arith.mulf %get3A_1787, %get3A_1790 : vector<16xf32>
      %mul3A_1792 = arith.constant 64 : i32
      %mul3A_1793 = arith.muli %add3A_1783, %mul3A_1792 : i32
      %add3A_1794 = arith.constant 16 : i32
      %add3A_1795 = arith.addi %mul3A_1793, %add3A_1794 : i32
      %get3A_1796 = arith.index_cast %add3A_1795 : i32 to index
      %get3A_1797 = tpu.vector_load %arg13[%get3A_1796] {strides = array<i32>} : memref<32768xf32, #tpu.memory_space<vmem>>, vector<16xf32>,
      %get3A_1798 = arith.index_cast %add3A_1783 : i32 to index
      %get3A_1799 = arith.constant 16 : index
      %get3A_1800 = tpu.vector_load %arg10[%get3A_1798, %get3A_1799] {strides = array<i32>} : memref<512x64xf32, #tpu.memory_space<vmem>>, vector<16xf32>,
      %mul3A_1801 = arith.mulf %get3A_1797, %get3A_1800 : vector<16xf32>
      %add3A_1802 = arith.addf %mul3A_1791, %mul3A_1801 : vector<16xf32>
      %mul3A_1803 = arith.constant 64 : i32
      %mul3A_1804 = arith.muli %add3A_1783, %mul3A_1803 : i32
      %add3A_1805 = arith.constant 32 : i32
      %add3A_1806 = arith.addi %mul3A_1804, %add3A_1805 : i32
      %get3A_1807 = arith.index_cast %add3A_1806 : i32 to index
      %get3A_1808 = tpu.vector_load %arg13[%get3A_1807] {strides = array<i32>} : memref<32768xf32, #tpu.memory_space<vmem>>, vector<16xf32>,
      %get3A_1809 = arith.index_cast %add3A_1783 : i32 to index
      %get3A_1810 = arith.constant 32 : index
      %get3A_1811 = tpu.vector_load %arg10[%get3A_1809, %get3A_1810] {strides = array<i32>} : memref<512x64xf32, #tpu.memory_space<vmem>>, vector<16xf32>,
      %mul3A_1812 = arith.mulf %get3A_1808, %get3A_1811 : vector<16xf32>
      %add3A_1813 = arith.addf %add3A_1802, %mul3A_1812 : vector<16xf32>
      %mul3A_1814 = arith.constant 64 : i32
      %mul3A_1815 = arith.muli %add3A_1783, %mul3A_1814 : i32
      %add3A_1816 = arith.constant 48 : i32
      %add3A_1817 = arith.addi %mul3A_1815, %add3A_1816 : i32
      %get3A_1818 = arith.index_cast %add3A_1817 : i32 to index
      %get3A_1819 = tpu.vector_load %arg13[%get3A_1818] {strides = array<i32>} : memref<32768xf32, #tpu.memory_space<vmem>>, vector<16xf32>,
      %get3A_1820 = arith.index_cast %add3A_1783 : i32 to index
      %get3A_1821 = arith.constant 48 : index
      %get3A_1822 = tpu.vector_load %arg10[%get3A_1820, %get3A_1821] {strides = array<i32>} : memref<512x64xf32, #tpu.memory_space<vmem>>, vector<16xf32>,
      %mul3A_1823 = arith.mulf %get3A_1819, %get3A_1822 : vector<16xf32>
      %add3A_1824 = arith.addf %add3A_1813, %mul3A_1823 : vector<16xf32>
      %mul3A_1825 = arith.constant 64 : i32
      %mul3A_1826 = arith.muli %add3A_1783, %mul3A_1825 : i32
      %add3A_1827 = arith.constant 0 : i32
      %add3A_1828 = arith.addi %mul3A_1826, %add3A_1827 : i32
      %get3A_1829 = arith.index_cast %add3A_1828 : i32 to index
      %get3A_1830 = tpu.vector_load %arg12[%get3A_1829] {strides = array<i32>} : memref<32768xf32, #tpu.memory_space<vmem>>, vector<16xf32>,
      %mul3A_1831 = arith.mulf %get3A_1830, %get3A_467 : vector<16xf32>
      %add3A_1832 = arith.addf %add3A_1824, %mul3A_1831 : vector<16xf32>
      %mul3A_1833 = arith.constant 64 : i32
      %mul3A_1834 = arith.muli %add3A_1783, %mul3A_1833 : i32
      %add3A_1835 = arith.constant 16 : i32
      %add3A_1836 = arith.addi %mul3A_1834, %add3A_1835 : i32
      %get3A_1837 = arith.index_cast %add3A_1836 : i32 to index
      %get3A_1838 = tpu.vector_load %arg12[%get3A_1837] {strides = array<i32>} : memref<32768xf32, #tpu.memory_space<vmem>>, vector<16xf32>,
      %mul3A_1839 = arith.mulf %get3A_1838, %get3A_471 : vector<16xf32>
      %add3A_1840 = arith.addf %add3A_1832, %mul3A_1839 : vector<16xf32>
      %mul3A_1841 = arith.constant 64 : i32
      %mul3A_1842 = arith.muli %add3A_1783, %mul3A_1841 : i32
      %add3A_1843 = arith.constant 32 : i32
      %add3A_1844 = arith.addi %mul3A_1842, %add3A_1843 : i32
      %get3A_1845 = arith.index_cast %add3A_1844 : i32 to index
      %get3A_1846 = tpu.vector_load %arg12[%get3A_1845] {strides = array<i32>} : memref<32768xf32, #tpu.memory_space<vmem>>, vector<16xf32>,
      %mul3A_1847 = arith.mulf %get3A_1846, %get3A_475 : vector<16xf32>
      %add3A_1848 = arith.addf %add3A_1840, %mul3A_1847 : vector<16xf32>
      %mul3A_1849 = arith.constant 64 : i32
      %mul3A_1850 = arith.muli %add3A_1783, %mul3A_1849 : i32
      %add3A_1851 = arith.constant 48 : i32
      %add3A_1852 = arith.addi %mul3A_1850, %add3A_1851 : i32
      %get3A_1853 = arith.index_cast %add3A_1852 : i32 to index
      %get3A_1854 = tpu.vector_load %arg12[%get3A_1853] {strides = array<i32>} : memref<32768xf32, #tpu.memory_space<vmem>>, vector<16xf32>,
      %mul3A_1855 = arith.mulf %get3A_1854, %get3A_479 : vector<16xf32>
      %add3A_1856 = arith.addf %add3A_1848, %mul3A_1855 : vector<16xf32>
      %reduce_sum3A_1857 = arith.constant true
      %reduce_sum3A_1858 = vector.broadcast %reduce_sum3A_1857 : i1 to vector<16xi1>
      %reduce_sum3A_1859 = tpu.scan <sum>, %add3A_1856 masked %reduce_sum3A_1858 : vector<16xf32>, vector<16xi1> -> vector<16xf32>
      %reduce_sum3A_1860 = vector.extract %reduce_sum3A_1859[15] : f32 from vector<16xf32>
      %eq3A_1861 = arith.constant 15 : i32
      %eq3A_1862 = vector.broadcast %eq3A_1861 : i32 to vector<16xi32>
      %eq3A_1863 = arith.cmpi eq, %iota3A, %eq3A_1862 : vector<16xi32>
      %broadcast_in_dim3A_1864 = vector.broadcast %reduce_sum3A_1860 : f32 to vector<16xf32>
      %select_n3A_1865 = arith.select %eq3A_1863, %broadcast_in_dim3A_1864, %select_n3A_1779 : vector<16xi1>, vector<16xf32>
      %mul3A_1866 = arith.constant 16 : i32
      %mul3A_1867 = arith.muli %scan3A_489, %mul3A_1866 : i32
      %get3A_1868 = arith.index_cast %mul3A_1867 : i32 to index
      %get3A_1869 = tpu.vector_load %arg11[%get3A_1868] {strides = array<i32>} : memref<512xf32, #tpu.memory_space<vmem>>, vector<16xf32>,
      %add3A_1870 = arith.addf %select_n3A_1865, %get3A_1869 : vector<16xf32>
      %add3A_1871 = arith.addf %add3A_1870, %get3A_483 : vector<16xf32>
      %mul3A_1872 = arith.constant 16 : i32
      %mul3A_1873 = arith.muli %scan3A_489, %mul3A_1872 : i32
      %swap3A = arith.index_cast %mul3A_1873 : i32 to index
      %swap3A_1874 = tpu.vector_load %arg15[%swap3A] {strides = array<i32>} : memref<512xf32, #tpu.memory_space<vmem>>, vector<16xf32>,
      tpu.vector_store %arg15[%swap3A], %add3A_1871 {strides = array<i32>} : memref<512xf32, #tpu.memory_space<vmem>>, vector<16xf32>,
    }
    %scan3A_488 = arith.constant 32 : i32
    "tpu.region"() ({
      %run_scoped3A = tpu.sem_alloc : memref<!tpu.dma_semaphore, #tpu.memory_space<semaphore_mem>>
      %dma_start3A_489 = tpu.memref_slice %arg8[%mul3A_2] : memref<16384xf32, #tpu.memory_space<hbm>> -> memref<512xf32, #tpu.memory_space<hbm>>
      %dma_start3A_490 = tpu.memref_slice %arg8[%mul3A_2] : memref<16384xf32, #tpu.memory_space<hbm>> -> memref<512xf32, #tpu.memory_space<hbm>>
      tpu.enqueue_dma source(%arg15 : memref<512xf32, #tpu.memory_space<vmem>>) target(%dma_start3A_490 : memref<512xf32, #tpu.memory_space<hbm>>) target_semaphore(%run_scoped3A : memref<!tpu.dma_semaphore, #tpu.memory_space<semaphore_mem>>)
      %dma_wait3A_491 = tpu.memref_slice %arg8[%mul3A_2] : memref<16384xf32, #tpu.memory_space<hbm>> -> memref<512xf32, #tpu.memory_space<hbm>>
      %dma_wait3A_492 = tpu.memref_slice %arg8[%mul3A_2] : memref<16384xf32, #tpu.memory_space<hbm>> -> memref<512xf32, #tpu.memory_space<hbm>>
      tpu.wait_dma2 semaphore(%run_scoped3A : memref<!tpu.dma_semaphore, #tpu.memory_space<semaphore_mem>>) src(%arg15 : memref<512xf32, #tpu.memory_space<vmem>>) dst(%dma_wait3A_492 : memref<512xf32, #tpu.memory_space<hbm>>)
      tpu.yield
    }) : () -> ()
    return
  }
}

</mosaic_0001>

<sc_bundles>
// kernel: kernel.3.cloned.1.call-start
scs
__scs_entry_jumppad:
0x0: {  	(pc) =	sbr.rel $0x88, $3  }
0x1: {  	(tag) =	ssettag $0x0;
	lr =	simm.s32 $0x1  }
0x2: {  	[smem:$0x3F9A] =	sst lr;
	_ =	strace $0xD0000000  }
0x3: {  	_ = 	snop  }
0x4: {  	_ = 	snop  }
0x5: {  	_ = 	snop  }
0x6: {  	_ = 	snop  }
0x7: {  	_ = 	snop  }
__scs_overlays_trampoline_lowered:
0x8: {  	[smem:$0x3FA9] =	sst s0  }
0x9: {  	[smem:$0x3FAA] =	sst s1  }
0xa: {  	[smem:$0x3FAB] =	sst s2  }
0xb: {  	[smem:$0x3FAC] =	sst s3  }
0xc: {  	[smem:$0x3FAD] =	sst s4  }
0xd: {  	[smem:$0x3FAE] =	sst s5  }
0xe: {  	[smem:$0x3FAF] =	sst s6  }
0xf: {  	[smem:$0x3FB0] =	sst s7  }
0x10: {  	[smem:$0x3FB1] =	sst s8  }
0x11: {  	[smem:$0x3FB2] =	sst s9;
	s0 =	simm.s32 @!p0 $0x0  }
0x12: {  	s1 =	sld [smem:$0x3F98];
	s0 =	simm.s32 @p0 $0x1  }
0x13: {  	[smem:$0x3FB3] =	sst s0;
	s0 =	simm.s32 @!p1 $0x0  }
0x14: {  	s2 =	sld [smem:$0x3F97];
	s0 =	simm.s32 @p1 $0x1  }
0x15: {  	[smem:$0x3FB4] =	sst s0;
	s0 =	simm.s32 @!p2 $0x0  }
0x16: {  	s3 =	sld [smem:$0x3FDB];
	s0 =	simm.s32 @p2 $0x1  }
0x17: {  	s4 =	simm.s32 $0x1BF5;
	[smem:$0x3FB6] =	sst s0  }
0x18: {  	s0 =	sld [smem:$0x3F99];
	_ =	swait.ge [sflag:s4], $0x0  }
0x19: {  	s7 =	sld [smem:$0x3F9A]  }
0x1a: {  	s8 =	sadd.s32 $0xFFFFE003, lr  }
0x1b: {  	s9 =	sadd.s32 $0xFFFFFEF7, lr;
	s5 =	simm.s32 $0xFFFFFFFF;
	p2 =	slt.u32 s8, $0xFFFFF086  }
0x1c: {  	p1 =	slt.u32 s9, $0xF7A;
	s5 =	simm.s32 @!p2 $0x0  }
0x1d: {  	s5 =	simm.s32 @p1 $0x1;
	p0 =	seq.s32 s7, s2  }
0x1e: {  	s7 =	smul.u32 @!p0 $0xF7A, s2;
	p2 =	seq.s32 @!p0 s5, $0x0  }
0x1f: {  	s9 =	smul.u32 $0xF7A, s1;
	s8 =	simm.s32 @!p0 $0x1BF5;
	p2 =	por !p2, p0  }
0x20: {  	[sflag:s8] =	ssyncset.s32 @!p0 $0xFFFFF086;
	s6 =	sadd.s32 @!p0 s3, s7;
	s7 =	simm.s32 @!p0 $0x108  }
0x21: {  	s3 =	sadd.s32 s3, s9;
	s6 =	sadd.s32 @!p0 $0x88, s6;
	s7 =	simm.s32 @p2 $0x1082  }
0x22: {  	[simem:s7], [sflag:s8] =	dma.local @!p0 [hbm:s6], $0xF7A  }
0x23: {  	s9 =	sor.u32 $0xD0000000, s2;
	s6 =	simm.s32 $0x108;
	_ =	swait.ge @!p0 [sflag:s8], $0x0  }
0x24: {  	s3 =	sadd.s32 $0x88, s3;
	s6 =	simm.s32 @!p1 $0x1082;
	[sflag:s4] =	ssyncset.s32 $0xFFFFF086  }
0x25: {  	[simem:s6], [sflag:s4] =	dma.local [hbm:s3], $0xF7A  }
0x26: {  	[smem:$0x3F9A] =	sst s1;
	(tag) =	ssettag s2;
	_ =	strace s9  }
0x27: {  	s1 =	sld [smem:$0x3FAA]  }
0x28: {  	s2 =	sld [smem:$0x3FAB]  }
0x29: {  	s4 =	sld [smem:$0x3FAD]  }
0x2a: {  	p0 =	seq.s32 s5, $0x0;
	s5 =	sld [smem:$0x3FAE]  }
0x2b: {  	s6 =	sld [smem:$0x3FAF]  }
0x2c: {  	s7 =	sld [smem:$0x3FB0]  }
0x2d: {  	s3 =	simm.s32 $0x108;
	s8 =	sld [smem:$0x3FB1]  }
0x2e: {  	s3 =	simm.s32 @!p0 $0x1082;
	s9 =	sld [smem:$0x3FB2]  }
0x2f: {  	lr =	sadd.s32 s0, s3;
	s0 =	sld [smem:$0x3FA9]  }
0x30: {  	s3 =	sld [smem:$0x3FAC]  }
0x31: {  	[smem:$0x3FB5] =	sst s10  }
0x32: {  	s10 =	sld [smem:$0x3FB3];
	_ =	sdelay $0x3  }
0x33: {  	p0 =	seq.s32 s10, $0x1;
	s10 =	sld [smem:$0x3FB5];
	_ =	sdelay $0x3  }
0x34: {  	[smem:$0x3FB5] =	sst s10  }
0x35: {  	s10 =	sld [smem:$0x3FB4];
	_ =	sdelay $0x3  }
0x36: {  	p1 =	seq.s32 s10, $0x1;
	s10 =	sld [smem:$0x3FB5];
	_ =	sdelay $0x3  }
0x37: {  	[smem:$0x3FB5] =	sst s10  }
0x38: {  	s10 =	sld [smem:$0x3FB6]  }
0x39: {  	_ = 	snop;
	(pc) =	sbr.ind lr, $3  }
0x3a: {  	_ = 	snop  }
0x3b: {  	_ = 	snop  }
0x3c: {  	p2 =	seq.s32 s10, $0x1;
	s10 =	sld [smem:$0x3FB5]  }
0x3d: {  	_ =	shalt  }
0x3e: {  	_ =	shalt  }
0x3f: {  	_ =	shalt  }
0x40: {  	_ =	shalt  }
0x41: {  	_ =	shalt  }
0x42: {  	_ =	shalt  }
0x43: {  	_ =	shalt  }
0x44: {  	_ =	shalt  }
0x45: {  	_ =	shalt  }
0x46: {  	_ =	shalt  }
0x47: {  	_ =	shalt  }
0x48: {  	_ =	shalt  }
0x49: {  	_ =	shalt  }
0x4a: {  	_ =	shalt  }
0x4b: {  	_ =	shalt  }
0x4c: {  	_ =	shalt  }
0x4d: {  	_ =	shalt  }
0x4e: {  	_ =	shalt  }
0x4f: {  	_ =	shalt  }
0x50: {  	_ =	shalt  }
0x51: {  	_ =	shalt  }
0x52: {  	_ =	shalt  }
0x53: {  	_ =	shalt  }
0x54: {  	_ =	shalt  }
0x55: {  	_ =	shalt  }
0x56: {  	_ =	shalt  }
0x57: {  	_ =	shalt  }
0x58: {  	_ =	shalt  }
0x59: {  	_ =	shalt  }
0x5a: {  	_ =	shalt  }
0x5b: {  	_ =	shalt  }
0x5c: {  	_ =	shalt  }
0x5d: {  	_ =	shalt  }
0x5e: {  	_ =	shalt  }
0x5f: {  	_ =	shalt  }
0x60: {  	_ =	shalt  }
0x61: {  	_ =	shalt  }
0x62: {  	_ =	shalt  }
0x63: {  	_ =	shalt  }
0x64: {  	_ =	shalt  }
0x65: {  	_ =	shalt  }
0x66: {  	_ =	shalt  }
0x67: {  	_ =	shalt  }
0x68: {  	_ =	shalt  }
0x69: {  	_ =	shalt  }
0x6a: {  	_ =	shalt  }
0x6b: {  	_ =	shalt  }
0x6c: {  	_ =	shalt  }
0x6d: {  	_ =	shalt  }
0x6e: {  	_ =	shalt  }
0x6f: {  	_ =	shalt  }
0x70: {  	_ =	shalt  }
0x71: {  	_ =	shalt  }
0x72: {  	_ =	shalt  }
0x73: {  	_ =	shalt  }
0x74: {  	_ =	shalt  }
0x75: {  	_ =	shalt  }
0x76: {  	_ =	shalt  }
0x77: {  	_ =	shalt  }
0x78: {  	_ =	shalt  }
0x79: {  	_ =	shalt  }
0x7a: {  	_ =	shalt  }
0x7b: {  	_ =	shalt  }
0x7c: {  	_ =	shalt  }
0x7d: {  	_ =	shalt  }
0x7e: {  	_ =	shalt  }
0x7f: {  	_ =	shalt  }
0x80: {  	_ =	shalt  }
0x81: {  	_ =	shalt  }
0x82: {  	_ =	shalt  }
0x83: {  	_ =	shalt  }
0x84: {  	_ =	shalt  }
0x85: {  	_ =	shalt  }
0x86: {  	_ =	shalt  }
0x87: {  	_ =	shalt  }
.Lfunc_end0:
.L_simem_size_0:
called_computation_lowered:
.L_overlay_start_0:
0x88: {  	s2 =	sld [smem:$0x3FD9]  }
0x89: {  	s3 =	sld [smem:$0x3FFE];
	_ =	sdelay $0x1  }
0x8a: {  	s1 =	srdreg.scid  }
0x8b: {  	s0 =	sand.u32 $0x1, s1  }
0x8c: {  	s17 =	sshll.u32 s0, $0xA;
	s2 =	sadd.s32 s3, s2  }
0x8d: {  	s2 =	sadd.s32 s2, s17  }
0x8e: {  	[smem:$0x3FC1] =	sst s2  }
0x8f: {  	_ = 	snop  }
0x90: {  	s2 =	sld [smem:$0x3FC7]  }
0x91: {  	s18 =	sld [smem:$0x3FD0];
	(tm) =	ssettm $0x1  }
0x92: {  	s4 =	sld [smem:$0x3FFB];
	_ =	sdelay $0x3  }
0x93: {  	_ =	strace s4  }
0x94: {  	s4 =	sld [smem:$0x3FFC];
	_ =	sdelay $0x3  }
0x95: {  	_ =	strace s4  }
0x96: {  	s4 =	sld [smem:$0x3FFD];
	_ =	sdelay $0x3  }
0x97: {  	_ =	strace s4  }
0x98: {  	_ =	strace $0x8FFFFFFF  }
0x99: {  	s19 =	sld [smem:$0x3FDB];
	_ =	sdelay $0x1  }
0x9a: {  	s5 =	simm.s32 $_scs_section_size  }
0x9b: {  	s6 =	simm.s32 $_size__tile_overlayer_lowered;
	s7 =	simm.s32 $_tile_overlayer_lowered  }
0x9c: {  	s22 =	simm.s32 $0x1BFF;
	s21 =	sshll.u32 s7, $0x1;
	s4 =	sadd.s32 s5, s19  }
0x9d: {  	s8 =	simm.s32 $0x0;
	s20 =	sshll.u32 s6, $0x1;
	s6 =	sadd.s32 s21, s4  }
0x9e: {  	[timem:s8], [sflag:s22] =	dma.local [hbm:s6], s20  }
0x9f: {  	_ =	swait.ge [sflag:s22], s20  }
0xa0: {  	s5 =	ssub.s32 $0x0, s20;
	[sflag:s22] =	ssyncset.done $0x0  }
0xa1: {  	[sflag:s22] =	ssyncadd.s32 s5;
	_ =	sdelay $0x1  }
0xa2: {  	s23 =	simm.s32 $0x1B8B  }
0xa3: {  	_ =	swait.ge [sflag:s23], $0x1  }
0xa4: {  	[sflag:s23] =	ssyncset.done $0x0  }
0xa5: {  	s25 =	simm.s32 $0x1B8E;
	s24 =	sld [smem:$0x3FFE];
	[sflag:s23] =	ssyncadd.s32 $0xFFFFFFFF  }
0xa6: {  	s26 =	simm.s32 $execute0_lowered;
	[smem:$0x3FD2] =	sst s25  }
0xa7: {  	s6 =	sshll.u32 s26, $0x1;
	_ =	strace $0x80000046;
	[dreg:$0x1] =	wrdreg $0xFFFFFFFF  }
0xa8: {  	s28 =	simm.s32 $_size_execute0_lowered;
	s4 =	sadd.s32 s4, s6;
	[dreg:$0x0] =	wrdreg $0x0  }
0xa9: {  	s6 =	sshll.u32 s28, $0x1;
	[dreg:$0x2] =	wrdreg s4  }
0xaa: {  	[dreg:$0x3] =	wrdreg s6  }
0xab: {  	[dreg:$0x4] =	wrdreg $0xC0  }
0xac: {  	_ =	task [dreg:s8], $0x5FFFF  }
0xad: {  	[dreg:$0x1] =	wrdreg $0xFFFFFFFF  }
0xae: {  	[dreg:$0x0] =	wrdreg $0x60  }
0xaf: {  	[dreg:$0x2] =	wrdreg s24  }
0xb0: {  	[dreg:$0x3] =	wrdreg s2  }
0xb1: {  	[dreg:$0x4] =	wrdreg s18  }
0xb2: {  	[dreg:$0x5] =	wrdreg $0x186500  }
0xb3: {  	[dreg:$0x6] =	wrdreg $0x1A6500  }
0xb4: {  	[dreg:$0x7] =	wrdreg $0x9  }
0xb5: {  	_ =	task.clear_ibuf [dreg:s8], $0x8FFFF;
	_ =	strace $0x90000046  }
0xb6: {  	s29 =	simm.s32 $0x9;
	_ =	strace $0x80000048  }
0xb7: {  	_ =	swait.ge [sflag:s29], $0x1  }
0xb8: {  	[sflag:s29] =	ssyncadd.s32 $0xFFFFFFFF  }
0xb9: {  	_ =	strace $0x90000048  }
0xba: {  	_ =	sfence  }
0xbb: {  	s30 =	sld [smem:$0x0];
	_ =	sdelay $0x2  }
0xbc: {  	s31 =	sshll.u32 s1, $0xD;
	s1 =	sshrl.u32 s1, $0x2  }
0xbd: {  	s3 =	sand.u32 $0x4000, s31;
	s1 =	sadd.s32 s1, s30  }
0xbe: {  	s0 =	sor.u32 s3, s0;
	s1 =	sshll.u32 s1, $0x11  }
0xbf: {  	s0 =	sor.u32 s1, s0  }
0xc0: {  	s0 =	sadd.s32 $0x8F2B, s0  }
0xc1: {  	[sflag:s0] =	ssyncadd.remote.s32 $0x1  }
0xc2: {  	_ =	sfence.sel $0xFFFF  }
0xc3: {  	[dreg:$0x0] =	wrdreg $0xFFFFFFFF;
	(pc) =	sbr.abs _section_cstart, $3  }
0xc4: {  	[dreg:$0x1] =	wrdreg $0xFFFFFFFF  }
0xc5: {  	_ =	task.clear_ibuf [dreg:s8], $0x2FFFF;
	_ =	strace $0x9FFFFFFF  }
0xc6: {  	(tm) =	ssettm $0x7FFFFFFF  }
0xc7: {  	_ =	shalt  }
tec
execute0_lowered:
.L_overlay_start_1:
0x0: {  	(tag) =	ssettag $0x1  }
0x1: {  	s0 =	rddreg [dreg:$0x0]  }
0x2: {  	s2 =	rddreg [dreg:$0x1]  }
0x3: {  	s7 =	rddreg [dreg:$0x2]  }
0x4: {  	s1 =	rddreg [dreg:$0x3]  }
0x5: {  	s11 =	rddreg [dreg:$0x4];
	s4 =	srdreg.scid  }
0x6: {  	s3 =	simm.s32 $0x0;
	s17 =	stileid.u32;
	s28 =	simm.s32 $0x8280  }
0x7: {  	s29 =	simm.s32 $0x100;
	s30 =	simm.s32 $0x4200;
	s31 =	simm.s32 $0x8300  }
0x8: {  	s16 =	simm.s32 $0x1C02;
	s8 =	sand.u32 $0x1, s4;
	[smem:$0x7FF] =	sst s3  }
0x9: {  	s5 =	sadd.s32 $0x187200, s0;
	s6 =	sadd.s32 $0x40800, s0;
	s13 =	sshll.u32 s17, $0x6  }
0xa: {  	s15 =	sshrl.u32 s17, $0x2;
	p0 =	sne.s32 s17, $0x0;
	p1 =	seq.s32 s17, $0x0  }
0xb: {  	s4 =	sshll.u32 s8, $0x10;
	_ =	strace $0x80000047;
	s9 =	ssub.s32 $0x2, s8  }
0xc: {  	s8 =	sshll.u32 s8, $0xA;
	[dreg:$0x6] =	wrdreg s13;
	p2 =	sne.s32 s15, $0x0  }
0xd: {  	p3 =	sne.s32 s15, $0x1;
	p5 =	sne.s32 s15, $0x3;
	s12 =	sadd.s32 s4, s0  }
0xe: {  	s4 =	sadd.s32 $0x43A00, s0;
	s10 =	sshrl.u32 s9, $0x1;
	s13 =	sor.u32 s13, s8  }
0xf: {  	s8 =	sand.u32 $0x3, s17;
	s0 =	simm.s32 @!p3 $0x0;
	s17 =	simm.s32 $0x2  }
0x10: {  	s14 =	ssub.s32 s9, s10;
	s9 =	sadd.s32 s2, s13;
	s19 =	sadd.s32 $0x800, s12  }
0x11: {  	s18 =	sshll.u32 s8, $0xF;
	s20 =	sadd.s32 $0x4800, s12;
	[dreg:$0x7] =	wrdreg s19  }
0x12: {  	s21 =	sadd.s32 $0x8800, s12;
	s22 =	sadd.s32 $0xC800, s12;
	[dreg:$0x8] =	wrdreg s20  }
0x13: {  	s23 =	sadd.s32 $0x20800, s12;
	s24 =	sadd.s32 $0x24800, s12;
	[dreg:$0x9] =	wrdreg s21  }
0x14: {  	s25 =	sadd.s32 $0x28800, s12;
	s26 =	sadd.s32 $0x2C800, s12;
	[dreg:$0xa] =	wrdreg s22  }
0x15: {  	s0 =	simm.s32 @p3 $0x1;
	p3 =	sne.s32 s15, $0x2;
	[dreg:$0xb] =	wrdreg s23  }
0x16: {  	s15 =	simm.s32 $0x18400;
	s12 =	simm.s32 $0x1;
	[dreg:$0xc] =	wrdreg s24  }
0x17: {  	s2 =	simm.s32 $0x0;
	s10 =	sadd.s32 s18, s11;
	[dreg:$0xd] =	wrdreg s25  }
0x18: {  	vm0 =	vmmov $0x1;
	vm1 =	vmmov $0x3;
	vm2 =	vmmov $0x7;
	s11 =	sadd.s32 s18, s1;
	[dreg:$0xe] =	wrdreg s26;
	s20 =	sadd.s32 s7, s13  }
0x19: {  	vm3 =	vmmov $0xf;
	vm4 =	vmmov $0x1f;
	vm5 =	vmmov $0x3f;
	s21 =	smax.u32 s14, $0x1;
	s22 =	simm.s32 $0x3;
	s23 =	simm.s32 $0x80  }
0x1a: {  	vm6 =	vmmov $0x7f;
	vm7 =	vmmov $0xff;
	vm8 =	vmmov $0x1ff;
	[smem:$0x7FC] =	sst s0;
	s0 =	simm.s32 @!p3 $0x0;
	s18 =	simm.s32 $0x6200  }
0x1b: {  	vm9 =	vmmov $0x3ff;
	vm10 =	vmmov $0x7ff;
	vm11 =	vmmov $0xfff;
	s14 =	simm.s32 $0x8380;
	s7 =	simm.s32 $0x8400;
	s0 =	simm.s32 @p3 $0x1  }
0x1c: {  	vm12 =	vmmov $0x1fff;
	vm13 =	vmmov $0x3fff;
	vm14 =	vmmov $0x7fff;
	s13 =	simm.s32 $0x18450;
	[smem:$0x7FD] =	sst s0;
	s0 =	simm.s32 $0x180  }
.LBB2_1:
0x1d: {  	[tilespmem:s3], [sflag:$0x3] =	stream.linear.gather [hbm4b:s9+s3], $0x200, $0x38;
	[tilespmem:$0x1C650] =	vst v63  }
0x1e: {  	_ =	swait.ge [sflag:s22], $0x200  }
0x1f: {  	[sflag:s22] =	ssyncset.done $0x0  }
0x20: {  	s19 =	simm.s32 $0x200;
	[sflag:s22] =	ssyncadd.s32 $0xFFFFFE00  }
0x21: {  	[tilespmem:s19], [sflag:$0x1] =	stream.indirect.gather [hbm4b:s5+s23], $0x40, s3, s23, $0xb8;
	[tilespmem:$0x1C650] =	vst v63  }
0x22: {  	s25 =	simm.s32 $0x8200  }
0x23: {  	[tilespmem:s25], [sflag:$0x1] =	stream.indirect.gather [hbm4b:s6+s23], $0x1, s3, s23, $0xb8;
	[tilespmem:$0x1C650] =	vst v63  }
0x24: {  	s26 =	simm.s32 $0x2200  }
0x25: {  	[tilespmem:s26], [sflag:$0x1] =	stream.indirect.gather [hbm4b:s5+s23], $0x40, s23, s23, $0xb8;
	[tilespmem:$0x1C650] =	vst v63  }
0x26: {  	_ = 	snop  }
0x27: {  	[tilespmem:s28], [sflag:$0x1] =	stream.indirect.gather [hbm4b:s6+s23], $0x1, s23, s23, $0xb8;
	[tilespmem:$0x1C650] =	vst v63  }
0x28: {  	_ = 	snop  }
0x29: {  	[tilespmem:s30], [sflag:$0x1] =	stream.indirect.gather [hbm4b:s5+s23], $0x40, s29, s23, $0xb8;
	[tilespmem:$0x1C650] =	vst v63  }
0x2a: {  	_ = 	snop  }
0x2b: {  	[tilespmem:s31], [sflag:$0x1] =	stream.indirect.gather [hbm4b:s6+s23], $0x1, s29, s23, $0xb8;
	[tilespmem:$0x1C650] =	vst v63  }
0x2c: {  	_ = 	snop  }
0x2d: {  	[tilespmem:s18], [sflag:$0x1] =	stream.indirect.gather [hbm4b:s5+s23], $0x40, s0, s23, $0xb8;
	[tilespmem:$0x1C650] =	vst v63  }
.Ltmp0:
0x2e: {  	_ = 	snop;
	(pc) =	sbr.rel @!p0 .LBB2_2-.Ltmp0, $4  }
0x2f: {  	_ = 	snop  }
0x30: {  	[tilespmem:s14], [sflag:$0x1] =	stream.indirect.gather [hbm4b:s6+s23], $0x1, s0, s23, $0xb8;
	[tilespmem:$0x1C650] =	vst v63  }
0x31: {  	_ = 	snop  }
0x32: {  	[tilespmem:s15], [sflag:$0x1] =	stream.linear.gather [hbm4b:s4+s3], $0x50, $0x38;
	[tilespmem:$0x1C650] =	vst v63  }
.Ltmp1:
0x33: {  	(pc) =	sbr.rel @!p2 .LBB2_4-.Ltmp1, $2  }
0x34: {  	_ =	sdelay $0x1  }
0x35: {  	[bflag:$0x0] =	sbarrier.arrive $0xFFFF;
	_ =	sdelay $0x1  }
0x36: {  	[bflag:$0x0] =	sbarrier.arrive $0xFFFF  }
0x37: {  	[bflag:$0x0] =	sbarrier.arrive $0xFFFF  }
0x38: {  	s19 =	sld [smem:$0x7FC];
	_ =	sdelay $0x2  }
0x39: {  	p3 =	seq.s32 s19, $0x1  }
.Ltmp2:
0x3a: {  	_ = 	snop;
	(pc) =	sbr.rel @p3 .LBB2_9-.Ltmp2, $1  }
0x3b: {  	_ =	sdelay $0x3  }
.Ltmp3:
0x3c: {  	s19 =	simm.s32 $0x10400;
	(pc) =	sbr.rel .LBB2_8-.Ltmp3, $4  }
0x3d: {  	[tilespmem:s19], [sflag:$0x3] =	stream.linear.gather [spmem:s10], $0x8000, $0x38;
	[tilespmem:$0x1C650] =	vst v63  }
0x3e: {  	_ =	swait.ge [sflag:s22], $0x8000  }
0x3f: {  	[sflag:s22] =	ssyncset.done $0x0  }
0x40: {  	p3 =	por $0x0, $0x0;
	p4 =	por $0x1, $0x1;
	[sflag:s22] =	ssyncadd.s32 $0xFFFF8000  }
.LBB2_2:
0x41: {  	s19 =	sshrl.u32 s1, $0x3;
	s24 =	rddreg [dreg:$0x7]  }
0x42: {  	[spmem:s19], [sflag:s16] =	dma.local [hbm:s24], $0x4000  }
0x43: {  	_ =	swait.ge [sflag:s17], $0x4000  }
0x44: {  	[sflag:s17] =	ssyncset.done $0x0  }
0x45: {  	[sflag:s17] =	ssyncadd.s32 $0xFFFFC000  }
0x46: {  	[bflag:$0x0] =	sbarrier.arrive $0xFFFF  }
0x47: {  	s25 =	rddreg [dreg:$0x4]  }
0x48: {  	s26 =	rddreg [dreg:$0x8];
	s19 =	sshrl.u32 s25, $0x3  }
0x49: {  	[spmem:s19], [sflag:s16] =	dma.local [hbm:s26], $0x4000  }
.LBB2_4:
0x4a: {  	s19 =	simm.s32 $0x10400  }
0x4b: {  	[tilespmem:s19], [sflag:$0x3] =	stream.linear.gather [spmem:s11], $0x8000, $0x38;
	[tilespmem:$0x1C650] =	vst v63  }
.Ltmp4:
0x4c: {  	_ =	swait.ge [sflag:s22], $0x8000;
	(pc) =	sbr.rel @p1 .LBB2_13-.Ltmp4, $3  }
0x4d: {  	[sflag:s22] =	ssyncset.done $0x0  }
0x4e: {  	[sflag:s22] =	ssyncadd.s32 $0xFFFF8000  }
0x4f: {  	[bflag:$0x0] =	sbarrier.arrive $0xFFFF;
	_ =	sdelay $0x1  }
0x50: {  	[bflag:$0x0] =	sbarrier.arrive $0xFFFF;
	p3 =	por $0x1, $0x1;
	p4 =	por $0x0, $0x0  }
.LBB2_8:
0x51: {  	[bflag:$0x0] =	sbarrier.arrive $0xFFFF  }
0x52: {  	p6 =	por $0x0, $0x0;
	[bflag:$0x0] =	sbarrier.arrive $0xFFFF  }
.LBB2_11:
.Ltmp5:
0x53: {  	[bflag:$0x0] =	sbarrier.arrive $0xFFFF;
	(pc) =	sbr.rel @!p3 .LBB2_24-.Ltmp5, $3  }
0x54: {  	[bflag:$0x0] =	sbarrier.arrive $0xFFFF  }
0x55: {  	[bflag:$0x0] =	sbarrier.arrive $0xFFFF  }
0x56: {  	[bflag:$0x0] =	sbarrier.arrive $0xFFFF;
	_ =	sdelay $0x1  }
.Ltmp6:
0x57: {  	(pc) =	sbr.rel .LBB2_14-.Ltmp6, $2  }
0x58: {  	_ =	sdelay $0x2  }
0x59: {  	s19 =	smov.u32 s8  }
.LBB2_24:
.Ltmp7:
0x5a: {  	(pc) =	sbr.rel @!p4 .LBB2_16-.Ltmp7, $4  }
.Ltmp8:
0x5b: {  	(pc) =	sbr.rel @p4 .LBB2_25-.Ltmp8, $4  }
0x5c: {  	[bflag:$0x0] =	sbarrier.arrive $0xFFFF  }
0x5d: {  	[bflag:$0x0] =	sbarrier.arrive $0xFFFF  }
0x5e: {  	s19 =	smov.u32 s8  }
0x5f: {  	_ = 	snop  }
.LBB2_13:
0x60: {  	_ =	swait.ge [sflag:s17], $0x4000  }
0x61: {  	[sflag:s17] =	ssyncset.done $0x0  }
0x62: {  	[sflag:s17] =	ssyncadd.s32 $0xFFFFC000  }
0x63: {  	[bflag:$0x0] =	sbarrier.arrive $0xFFFF  }
0x64: {  	s19 =	sshrl.u32 s1, $0x3;
	s24 =	rddreg [dreg:$0x9]  }
0x65: {  	[spmem:s19], [sflag:s16] =	dma.local [hbm:s24], $0x4000  }
0x66: {  	[bflag:$0x0] =	sbarrier.arrive $0xFFFF  }
0x67: {  	_ =	swait.ge [sflag:s17], $0x4000  }
0x68: {  	[sflag:s17] =	ssyncset.done $0x0  }
0x69: {  	[sflag:s17] =	ssyncadd.s32 $0xFFFFC000  }
0x6a: {  	[bflag:$0x0] =	sbarrier.arrive $0xFFFF  }
0x6b: {  	s25 =	rddreg [dreg:$0x4]  }
0x6c: {  	s24 =	sshrl.u32 s25, $0x3;
	s25 =	rddreg [dreg:$0xa]  }
0x6d: {  	[spmem:s24], [sflag:s16] =	dma.local [hbm:s25], $0x4000  }
0x6e: {  	[bflag:$0x0] =	sbarrier.arrive $0xFFFF  }
0x6f: {  	_ =	swait.ge [sflag:s17], $0x4000  }
0x70: {  	[sflag:s17] =	ssyncset.done $0x0  }
0x71: {  	[sflag:s17] =	ssyncadd.s32 $0xFFFFC000  }
0x72: {  	[bflag:$0x0] =	sbarrier.arrive $0xFFFF  }
0x73: {  	s26 =	rddreg [dreg:$0xb]  }
0x74: {  	[spmem:s19], [sflag:s16] =	dma.local [hbm:s26], $0x4000  }
0x75: {  	[bflag:$0x0] =	sbarrier.arrive $0xFFFF  }
0x76: {  	_ =	swait.ge [sflag:s17], $0x4000  }
0x77: {  	[sflag:s17] =	ssyncset.done $0x0  }
0x78: {  	[sflag:s17] =	ssyncadd.s32 $0xFFFFC000  }
0x79: {  	p6 =	por $0x0, $0x0;
	[bflag:$0x0] =	sbarrier.arrive $0xFFFF  }
0x7a: {  	p4 =	por $0x0, $0x0;
	s19 =	simm.s32 $0x0;
	s26 =	rddreg [dreg:$0xc]  }
0x7b: {  	[spmem:s24], [sflag:s16] =	dma.local [hbm:s26], $0x4000  }
.LBB2_14:
0x7c: {  	[tilespmem:s7], [sflag:$0x3] =	stream.linear.gather [spmem:s11], $0x8000, $0x38;
	[tilespmem:$0x1C650] =	vst v63  }
.Ltmp9:
0x7d: {  	_ =	swait.ge [sflag:s22], $0x8000;
	(pc) =	sbr.rel @p1 .LBB2_19-.Ltmp9, $3  }
0x7e: {  	[sflag:s22] =	ssyncset.done $0x0  }
0x7f: {  	[sflag:s22] =	ssyncadd.s32 $0xFFFF8000  }
0x80: {  	[bflag:$0x0] =	sbarrier.arrive $0xFFFF;
	_ =	sdelay $0x1  }
.Ltmp10:
0x81: {  	(pc) =	sbr.rel @p4 .LBB2_25-.Ltmp10, $2  }
0x82: {  	_ =	sdelay $0x1  }
0x83: {  	[bflag:$0x0] =	sbarrier.arrive $0xFFFF;
	_ =	sdelay $0x1  }
.LBB2_16:
.Ltmp11:
0x84: {  	(pc) =	sbr.rel @!p6 .LBB2_27-.Ltmp11, $4  }
.Ltmp12:
0x85: {  	(pc) =	sbr.rel @p6 .LBB2_17-.Ltmp12, $4  }
0x86: {  	[bflag:$0x0] =	sbarrier.arrive $0xFFFF  }
0x87: {  	[bflag:$0x0] =	sbarrier.arrive $0xFFFF  }
0x88: {  	_ = 	snop  }
0x89: {  	_ = 	snop  }
.LBB2_19:
0x8a: {  	_ =	swait.ge [sflag:s17], $0x4000  }
.Ltmp13:
0x8b: {  	[sflag:s17] =	ssyncset.done $0x0;
	(pc) =	sbr.rel @!p4 .LBB2_20-.Ltmp13, $4  }
0x8c: {  	[sflag:s17] =	ssyncadd.s32 $0xFFFFC000  }
0x8d: {  	[bflag:$0x0] =	sbarrier.arrive $0xFFFF  }
0x8e: {  	s24 =	sshrl.u32 s1, $0x3;
	s25 =	rddreg [dreg:$0xd]  }
0x8f: {  	[spmem:s24], [sflag:s16] =	dma.local [hbm:s25], $0x4000  }
.LBB2_25:
0x90: {  	[tilespmem:s7], [sflag:$0x3] =	stream.linear.gather [spmem:s10], $0x8000, $0x38;
	[tilespmem:$0x1C650] =	vst v63  }
.Ltmp14:
0x91: {  	_ =	swait.ge [sflag:s22], $0x8000;
	(pc) =	sbr.rel @p1 .LBB2_21-.Ltmp14, $3  }
0x92: {  	[sflag:s22] =	ssyncset.done $0x0  }
0x93: {  	[sflag:s22] =	ssyncadd.s32 $0xFFFF8000  }
0x94: {  	[bflag:$0x0] =	sbarrier.arrive $0xFFFF;
	_ =	sdelay $0x1  }
.Ltmp15:
0x95: {  	(pc) =	sbr.rel @p6 .LBB2_17-.Ltmp15, $2  }
0x96: {  	_ =	sdelay $0x1  }
0x97: {  	[bflag:$0x0] =	sbarrier.arrive $0xFFFF;
	_ =	sdelay $0x1  }
.LBB2_27:
.Ltmp16:
0x98: {  	(pc) =	sbr.rel .LBB2_28-.Ltmp16, $3  }
0x99: {  	_ = 	snop  }
0x9a: {  	[bflag:$0x0] =	sbarrier.arrive $0xFFFF  }
0x9b: {  	[bflag:$0x0] =	sbarrier.arrive $0xFFFF;
	_ =	sdelay $0x1  }
.LBB2_9:
0x9c: {  	[bflag:$0x0] =	sbarrier.arrive $0xFFFF  }
0x9d: {  	[bflag:$0x0] =	sbarrier.arrive $0xFFFF  }
0x9e: {  	s19 =	sld [smem:$0x7FD];
	_ =	sdelay $0x2  }
0x9f: {  	p3 =	seq.s32 s19, $0x1  }
.Ltmp17:
0xa0: {  	_ = 	snop;
	(pc) =	sbr.rel @p3 .LBB2_32-.Ltmp17, $1  }
0xa1: {  	_ =	sdelay $0x3  }
.Ltmp18:
0xa2: {  	s19 =	simm.s32 $0x10400;
	(pc) =	sbr.rel .LBB2_11-.Ltmp18, $4  }
0xa3: {  	[tilespmem:s19], [sflag:$0x3] =	stream.linear.gather [spmem:s11], $0x8000, $0x38;
	[tilespmem:$0x1C650] =	vst v63  }
0xa4: {  	_ =	swait.ge [sflag:s22], $0x8000  }
0xa5: {  	p4 =	por $0x0, $0x0;
	[sflag:s22] =	ssyncset.done $0x0  }
0xa6: {  	p6 =	por $0x1, $0x1;
	p3 =	por $0x0, $0x0;
	[sflag:s22] =	ssyncadd.s32 $0xFFFF8000  }
.LBB2_20:
0xa7: {  	[bflag:$0x0] =	sbarrier.arrive $0xFFFF  }
.LBB2_21:
0xa8: {  	_ =	swait.ge [sflag:s17], $0x4000  }
0xa9: {  	[sflag:s17] =	ssyncset.done $0x0  }
0xaa: {  	[sflag:s17] =	ssyncadd.s32 $0xFFFFC000  }
.Ltmp19:
0xab: {  	[bflag:$0x0] =	sbarrier.arrive $0xFFFF;
	(pc) =	sbr.rel @!p6 .LBB2_22-.Ltmp19, $4  }
0xac: {  	s24 =	rddreg [dreg:$0x6]  }
0xad: {  	s25 =	rddreg [dreg:$0x4]  }
0xae: {  	s26 =	rddreg [dreg:$0xe];
	s24 =	sor.u32 $0x1C02, s24;
	s25 =	sshrl.u32 s25, $0x3  }
0xaf: {  	[spmem:s25], [sflag:s24] =	dma.local [hbm:s26], $0x4000  }
.LBB2_17:
0xb0: {  	s19 =	sshll.u32 s19, $0xF  }
0xb1: {  	s19 =	sadd.s32 s19, s1  }
0xb2: {  	[tilespmem:s7], [sflag:$0x3] =	stream.linear.gather [spmem:s19], $0x8000, $0x38;
	[tilespmem:$0x1C650] =	vst v63  }
.Ltmp20:
0xb3: {  	_ =	swait.ge [sflag:s22], $0x8000;
	(pc) =	sbr.rel @!p0 .LBB2_23-.Ltmp20, $3  }
0xb4: {  	[sflag:s22] =	ssyncset.done $0x0  }
0xb5: {  	[sflag:s22] =	ssyncadd.s32 $0xFFFF8000  }
0xb6: {  	[bflag:$0x0] =	sbarrier.arrive $0xFFFF;
	_ =	sdelay $0x1  }
.Ltmp21:
0xb7: {  	(pc) =	sbr.rel .LBB2_28-.Ltmp21, $2  }
0xb8: {  	_ =	sdelay $0x1  }
0xb9: {  	[bflag:$0x0] =	sbarrier.arrive $0xFFFF;
	_ =	sdelay $0x1  }
.LBB2_22:
0xba: {  	[bflag:$0x0] =	sbarrier.arrive $0xFFFF  }
.LBB2_23:
.Ltmp22:
0xbb: {  	_ =	swait.ge [sflag:s17], $0x4000;
	(pc) =	sbr.rel .LBB2_28-.Ltmp22, $3  }
0xbc: {  	[sflag:s17] =	ssyncset.done $0x0  }
0xbd: {  	[sflag:s17] =	ssyncadd.s32 $0xFFFFC000  }
0xbe: {  	[bflag:$0x0] =	sbarrier.arrive $0xFFFF;
	_ =	sdelay $0x1  }
.LBB2_32:
0xbf: {  	[bflag:$0x0] =	sbarrier.arrive $0xFFFF  }
0xc0: {  	[bflag:$0x0] =	sbarrier.arrive $0xFFFF  }
0xc1: {  	[bflag:$0x0] =	sbarrier.arrive @p5 $0xFFFF  }
0xc2: {  	[bflag:$0x0] =	sbarrier.arrive @p5 $0xFFFF  }
0xc3: {  	[bflag:$0x0] =	sbarrier.arrive @p5 $0xFFFF  }
0xc4: {  	[bflag:$0x0] =	sbarrier.arrive @p5 $0xFFFF  }
0xc5: {  	[bflag:$0x0] =	sbarrier.arrive @p5 $0xFFFF  }
0xc6: {  	[bflag:$0x0] =	sbarrier.arrive @p5 $0xFFFF  }
0xc7: {  	[bflag:$0x0] =	sbarrier.arrive @p5 $0xFFFF  }
0xc8: {  	s19 =	simm.s32 @!p5 $0x10400;
	[bflag:$0x0] =	sbarrier.arrive @p5 $0xFFFF  }
0xc9: {  	[tilespmem:s19], [sflag:$0x3] =	stream.linear.gather @!p5 [spmem:s10], $0x8000, $0x38;
	[tilespmem:$0x1C650] =	vst v63  }
0xca: {  	s19 =	simm.s32 @!p5 $0x3  }
0xcb: {  	_ =	swait.ge @!p5 [sflag:s19], $0x8000  }
0xcc: {  	[sflag:s19] =	ssyncset.done @!p5 $0x0  }
0xcd: {  	[sflag:s19] =	ssyncadd.s32 @!p5 $0xFFFF8000  }
0xce: {  	[bflag:$0x0] =	sbarrier.arrive @!p5 $0xFFFF  }
0xcf: {  	[bflag:$0x0] =	sbarrier.arrive @!p5 $0xFFFF  }
0xd0: {  	[bflag:$0x0] =	sbarrier.arrive @!p5 $0xFFFF  }
0xd1: {  	[bflag:$0x0] =	sbarrier.arrive @!p5 $0xFFFF  }
0xd2: {  	[bflag:$0x0] =	sbarrier.arrive @!p5 $0xFFFF  }
0xd3: {  	[bflag:$0x0] =	sbarrier.arrive @!p5 $0xFFFF  }
0xd4: {  	[bflag:$0x0] =	sbarrier.arrive @!p5 $0xFFFF  }
0xd5: {  	s24 =	simm.s32 @!p5 $0x8400;
	[bflag:$0x0] =	sbarrier.arrive @!p5 $0xFFFF  }
0xd6: {  	[tilespmem:s24], [sflag:$0x3] =	stream.linear.gather @!p5 [spmem:s10], $0x8000, $0x38;
	[tilespmem:$0x1C650] =	vst v63  }
0xd7: {  	_ =	swait.ge @!p5 [sflag:s19], $0x8000  }
0xd8: {  	[sflag:s19] =	ssyncset.done @!p5 $0x0  }
0xd9: {  	[sflag:s19] =	ssyncadd.s32 @!p5 $0xFFFF8000  }
.LBB2_28:
0xda: {  	[bflag:$0x0] =	sbarrier.arrive $0xFFFF  }
0xdb: {  	_ =	swait.ge [sflag:s12], $0x2000  }
0xdc: {  	[sflag:s12] =	ssyncset.done $0x0  }
0xdd: {  	[sflag:s12] =	ssyncadd.s32 $0xFFFFE000  }
0xde: {  	_ =	swait.ge [sflag:s12], $0x80  }
0xdf: {  	[sflag:s12] =	ssyncset.done $0x0  }
0xe0: {  	[sflag:s12] =	ssyncadd.s32 $0xFFFFFF80  }
0xe1: {  	_ =	swait.ge [sflag:s12], $0x2000  }
0xe2: {  	[sflag:s12] =	ssyncset.done $0x0  }
0xe3: {  	[sflag:s12] =	ssyncadd.s32 $0xFFFFE000  }
0xe4: {  	_ =	swait.ge [sflag:s12], $0x80  }
0xe5: {  	[sflag:s12] =	ssyncset.done $0x0  }
0xe6: {  	[sflag:s12] =	ssyncadd.s32 $0xFFFFFF80  }
0xe7: {  	_ =	swait.ge [sflag:s12], $0x2000  }
0xe8: {  	[sflag:s12] =	ssyncset.done $0x0  }
0xe9: {  	[sflag:s12] =	ssyncadd.s32 $0xFFFFE000  }
0xea: {  	_ =	swait.ge [sflag:s12], $0x80  }
0xeb: {  	[sflag:s12] =	ssyncset.done $0x0  }
0xec: {  	[sflag:s12] =	ssyncadd.s32 $0xFFFFFF80  }
0xed: {  	_ =	swait.ge [sflag:s12], $0x2000  }
0xee: {  	[sflag:s12] =	ssyncset.done $0x0  }
0xef: {  	[sflag:s12] =	ssyncadd.s32 $0xFFFFE000  }
0xf0: {  	_ =	swait.ge [sflag:s12], $0x80  }
0xf1: {  	[sflag:s12] =	ssyncset.done $0x0  }
0xf2: {  	[sflag:s12] =	ssyncadd.s32 $0xFFFFFF80  }
0xf3: {  	_ =	swait.ge [sflag:s12], $0x50  }
0xf4: {  	[sflag:s12] =	ssyncset.done $0x0  }
0xf5: {  	[sflag:s12] =	ssyncadd.s32 $0xFFFFFFB0  }
0xf6: {  	v35 =	vld [tilespmem:$0x18400]  }
0xf7: {  	v3 =	vld [tilespmem:$0x18410]  }
0xf8: {  	v2 =	vld [tilespmem:$0x18420]  }
0xf9: {  	s19 =	simm.s32 $0x0;
	v1 =	vld [tilespmem:$0x18430]  }
0xfa: {  	v0 =	vld [tilespmem:s19+$0x87B0]  }
0xfb: {  	v50 =	vld [tilespmem:s19+$0x107F0]  }
0xfc: {  	v48 =	vld [tilespmem:s19+$0x5F0]  }
0xfd: {  	v53 =	vld [tilespmem:s19+$0x8780]  }
0xfe: {  	v47 =	vld [tilespmem:s19+$0x107E0]  }
0xff: {  	v45 =	vld [tilespmem:s19+$0x5E0]  }
0x100: {  	v31 =	vld [tilespmem:s19+$0x107B0]  }
0x101: {  	v28 =	vld [tilespmem:s19+$0x5B0]  }
0x102: {  	v36 =	vld [tilespmem:s19+$0x107C0]  }
0x103: {  	v32 =	vld [tilespmem:s19+$0x5C0]  }
0x104: {  	v38 =	vld [tilespmem:s19+$0x107D0]  }
0x105: {  	v37 =	vld [tilespmem:s19+$0x5D0]  }
0x106: {  	v33 =	vld [tilespmem:s19+$0x10770]  }
0x107: {  	v29 =	vld [tilespmem:s19+$0x570]  }
0x108: {  	v34 =	vld [tilespmem:s19+$0x107A0]  }
0x109: {  	v63 =	vld [tilespmem:s19+$0x5A0]  }
0x10a: {  	v24 =	vld [tilespmem:s19+$0x10730]  }
0x10b: {  	v23 =	vld [tilespmem:s19+$0x530]  }
0x10c: {  	v52 =	vld [tilespmem:s19+$0x10760]  }
0x10d: {  	[tilespmem:$0x1F820] =	vst v0;
	v0 =	vld [tilespmem:s19+$0x87A0]  }
0x10e: {  	v51 =	vld [tilespmem:s19+$0x560]  }
0x10f: {  	v62 =	vld [tilespmem:s19+$0x580]  }
0x110: {  	v8 =	vld [tilespmem:s19+$0x10790]  }
0x111: {  	v58 =	vld [tilespmem:s19+$0x590]  }
0x112: {  	[tilespmem:$0x1F810] =	vst v0;
	v0 =	vld [tilespmem:s19+$0x87C0]  }
0x113: {  	v4 =	vld [tilespmem:s19+$0x8620]  }
0x114: {  	v43 =	vld [tilespmem:s19+$0x106F0]  }
0x115: {  	v39 =	vld [tilespmem:s19+$0x4F0]  }
0x116: {  	v26 =	vld [tilespmem:s19+$0x10720]  }
0x117: {  	[tilespmem:$0x1FB90] =	vst v0;
	v0 =	vld [tilespmem:s19+$0x8730]  }
0x118: {  	v25 =	vld [tilespmem:s19+$0x520]  }
0x119: {  	v42 =	vld [tilespmem:s19+$0x10740]  }
0x11a: {  	v40 =	vld [tilespmem:s19+$0x540]  }
0x11b: {  	v13 =	vld [tilespmem:s19+$0x8560]  }
0x11c: {  	[tilespmem:$0x1F8A0] =	vst v0;
	v0 =	vld [tilespmem:s19+$0x8790]  }
0x11d: {  	v44 =	vld [tilespmem:s19+$0x10750]  }
0x11e: {  	v41 =	vld [tilespmem:s19+$0x550]  }
0x11f: {  	[tilespmem:$0x1F9B0] =	vst v4;
	v4 =	vld [tilespmem:s19+$0x8650]  }
0x120: {  	[tilespmem:$0x1FAD0] =	vst v13;
	v13 =	vld [tilespmem:s19+$0x8590]  }
0x121: {  	[tilespmem:$0x1F800] =	vst v0;
	v0 =	vld [tilespmem:s19+$0x86F0]  }
0x122: {  	v59 =	vld [tilespmem:s19+$0x4B0]  }
0x123: {  	v22 =	vld [tilespmem:s19+$0x106E0]  }
0x124: {  	[tilespmem:$0x1F8E0] =	vst v4;
	v4 =	vld [tilespmem:s19+$0x8680]  }
0x125: {  	[tilespmem:$0x1FA80] =	vst v13;
	v13 =	vld [tilespmem:s19+$0x85C0]  }
0x126: {  	[tilespmem:$0x1F910] =	vst v0;
	v0 =	vld [tilespmem:s19+$0x8720]  }
0x127: {  	v21 =	vld [tilespmem:s19+$0x4E0]  }
0x128: {  	v10 =	vld [tilespmem:s19+$0x10700]  }
0x129: {  	[tilespmem:$0x1FA70] =	vst v4;
	v4 =	vld [tilespmem:s19+$0x85B0]  }
0x12a: {  	[tilespmem:$0x1FAE0] =	vst v13;
	v13 =	vld [tilespmem:s19+$0x10630]  }
0x12b: {  	[tilespmem:$0x1F860] =	vst v0;
	v0 =	vld [tilespmem:s19+$0x86E0]  }
0x12c: {  	v9 =	vld [tilespmem:s19+$0x500]  }
0x12d: {  	v12 =	vld [tilespmem:s19+$0x10710]  }
0x12e: {  	[tilespmem:$0x1FA90] =	vst v4;
	v4 =	vld [tilespmem:s19+$0x8610]  }
0x12f: {  	[tilespmem:$0x1F8F0] =	vst v13;
	v13 =	vld [tilespmem:s19+$0x430]  }
0x130: {  	[tilespmem:$0x1F890] =	vst v0;
	v0 =	vld [tilespmem:s19+$0x8710]  }
0x131: {  	v11 =	vld [tilespmem:s19+$0x510]  }
0x132: {  	v55 =	vld [tilespmem:s19+$0x10670]  }
0x133: {  	[tilespmem:$0x1F990] =	vst v4;
	v4 =	vld [tilespmem:s19+$0x8640]  }
0x134: {  	[tilespmem:$0x1F900] =	vst v13;
	v13 =	vld [tilespmem:s19+$0x10690]  }
0x135: {  	[tilespmem:$0x1F850] =	vst v0;
	v0 =	vld [tilespmem:s19+$0x8740]  }
0x136: {  	v54 =	vld [tilespmem:s19+$0x470]  }
0x137: {  	v6 =	vld [tilespmem:s19+$0x106C0]  }
0x138: {  	[tilespmem:$0x1F8B0] =	vst v4;
	v4 =	vld [tilespmem:s19+$0x106B0]  }
0x139: {  	[tilespmem:$0x1F920] =	vst v13;
	v13 =	vld [tilespmem:s19+$0x490]  }
0x13a: {  	[tilespmem:$0x1FA50] =	vst v0;
	v0 =	vld [tilespmem:s19+$0x8670]  }
0x13b: {  	v7 =	vld [tilespmem:s19+$0x106D0]  }
0x13c: {  	v5 =	vld [tilespmem:s19+$0x4D0]  }
0x13d: {  	[tilespmem:$0x1F880] =	vst v4;
	v4 =	vld [tilespmem:s19+$0x8570]  }
0x13e: {  	[tilespmem:$0x1F930] =	vst v13;
	v13 =	vld [tilespmem:s19+$0x84F0]  }
0x13f: {  	[tilespmem:$0x1F960] =	vst v0;
	v0 =	vld [tilespmem:s19+$0x86D0]  }
0x140: {  	v30 =	vld [tilespmem:s19+$0x10660]  }
0x141: {  	v27 =	vld [tilespmem:s19+$0x460]  }
0x142: {  	[tilespmem:$0x1FAB0] =	vst v4;
	v4 =	vld [tilespmem:s19+$0x85A0]  }
0x143: {  	[tilespmem:$0x1FAF0] =	vst v13;
	v13 =	vld [tilespmem:s19+$0x8550]  }
0x144: {  	[tilespmem:$0x1F870] =	vst v0;
	v0 =	vld [tilespmem:s19+$0x8700]  }
0x145: {  	v57 =	vld [tilespmem:s19+$0x10680]  }
0x146: {  	v56 =	vld [tilespmem:s19+$0x480]  }
0x147: {  	[tilespmem:$0x1FAC0] =	vst v4;
	v4 =	vld [tilespmem:s19+$0x8600]  }
0x148: {  	[tilespmem:$0x1FAA0] =	vst v13;
	v13 =	vld [tilespmem:s19+$0x8580]  }
0x149: {  	[tilespmem:$0x1F830] =	vst v0;
	v0 =	vld [tilespmem:s19+$0x8630]  }
0x14a: {  	v49 =	vld [tilespmem:s19+$0x10620]  }
0x14b: {  	v46 =	vld [tilespmem:s19+$0x420]  }
0x14c: {  	[tilespmem:$0x1F950] =	vst v4;
	v4 =	vld [tilespmem:s19+$0x106A0]  }
0x14d: {  	[tilespmem:$0x1FA40] =	vst v13;
	v13 =	vld [tilespmem:s19+$0x105F0]  }
0x14e: {  	[tilespmem:$0x1FA30] =	vst v0;
	v0 =	vld [tilespmem:s19+$0x8660]  }
0x14f: {  	v17 =	vld [tilespmem:s19+$0x84B0]  }
0x150: {  	v16 =	vld [tilespmem:s19+$0x10640]  }
0x151: {  	[tilespmem:$0x1F8C0] =	vst v4;
	v4 =	vld [tilespmem:s19+$0x4A0]  }
0x152: {  	[tilespmem:$0x1F970] =	vst v13;
	v13 =	vld [tilespmem:s19+$0x3F0]  }
0x153: {  	[tilespmem:$0x1F940] =	vst v0;
	v0 =	vld [tilespmem:s19+$0x86C0]  }
0x154: {  	[tilespmem:$0x1FB00] =	vst v17;
	v17 =	vld [tilespmem:s19+$0x84E0]  }
0x155: {  	v15 =	vld [tilespmem:s19+$0x440]  }
0x156: {  	v14 =	vld [tilespmem:s19+$0x10650];
	[tilespmem:$0x1F8D0] =	vst v4  }
0x157: {  	v4 =	vld [tilespmem:s19+$0x4C0];
	[tilespmem:$0x1F980] =	vst v13  }
0x158: {  	v13 =	vld [tilespmem:s19+$0x450];
	[tilespmem:$0x1F840] =	vst v0  }
0x159: {  	v0 =	vld [tilespmem:s19+$0x10780];
	[tilespmem:$0x1FB10] =	vst v17  }
0x15a: {  	v17 =	vld [tilespmem:s19+$0x8540]  }
0x15b: {  	v20 =	vld [tilespmem:s19+$0x10600]  }
0x15c: {  	v19 =	vld [tilespmem:s19+$0x400]  }
0x15d: {  	v18 =	vld [tilespmem:s19+$0x10610]  }
0x15e: {  	v60 =	vld [tilespmem:s19+$0x8430]  }
0x15f: {  	v28 =	vmul.f32 v28, v31;
	v31 =	vmul.f32 v45, v47;
	v61 =	vld [tilespmem:s19+$0x105C0]  }
0x160: {  	v8 =	vmul.f32 v58, v8;
	v29 =	vmul.f32 v29, v33;
	v58 =	vld [tilespmem:s19+$0x105D0]  }
0x161: {  	[tilespmem:$0x1FB70] =	vst v31;
	v31 =	vld [tilespmem:s19+$0x84C0]  }
0x162: {  	v48 =	vmul.f32 v48, v50;
	v32 =	vmul.f32 v32, v36;
	[tilespmem:$0x1FB60] =	vst v29;
	v29 =	vld [tilespmem:s19+$0x10560]  }
0x163: {  	v50 =	vmul.f32 v37, v38;
	v9 =	vmul.f32 v9, v10;
	v10 =	vld [tilespmem:$0x1F800]  }
0x164: {  	v33 =	vld [tilespmem:s19+$0x360]  }
0x165: {  	v11 =	vmul.f32 v11, v12;
	v5 =	vmul.f32 v5, v7;
	v7 =	vadd.f32 v50, v32;
	v12 =	vld [tilespmem:s19+$0x10580]  }
0x166: {  	v4 =	vmul.f32 v4, v6;
	v6 =	vld [tilespmem:$0x1F810]  }
0x167: {  	[tilespmem:$0x1FB80] =	vst v7;
	v7 =	vadd.f32 v11, v9;
	v9 =	vmul.f32 v25, v26;
	v25 =	vld [tilespmem:s19+$0x10590]  }
0x168: {  	v4 =	vadd.f32 v5, v4;
	v5 =	vmul.f32 v21, v22;
	v26 =	vld [tilespmem:s19+$0x390]  }
0x169: {  	v21 =	vld [tilespmem:s19+$0x8410]  }
0x16a: {  	v4 =	vadd.f32 v5, v4;
	v5 =	vld [tilespmem:$0x1F820]  }
0x16b: {  	v24 =	vmul.f32 v23, v24;
	v23 =	vld [tilespmem:s19+$0x8480]  }
0x16c: {  	v11 =	vld [tilespmem:$0x1F830]  }
0x16d: {  	v32 =	vld [tilespmem:s19+$0x104F0]  }
0x16e: {  	v36 =	vld [tilespmem:s19+$0x2F0]  }
0x16f: {  	v38 =	vld [tilespmem:s19+$0x2E0]  }
0x170: {  	v47 =	vld [tilespmem:$0x1F900]  }
0x171: {  	[tilespmem:$0x1FBA0] =	vst v48;
	v48 =	vld [tilespmem:$0x1F910]  }
0x172: {  	v50 =	vld [tilespmem:$0x1F930]  }
0x173: {  	v22 =	vmul.f32 v54, v55;
	v54 =	vld [tilespmem:s19+$0x2C0]  }
0x174: {  	v55 =	vld [tilespmem:$0x1F980]  }
0x175: {  	v45 =	vld [tilespmem:s19+$0x10420]  }
0x176: {  	v7 =	vadd.f32 v9, v7;
	v9 =	vmul.f32 v40, v42;
	v40 =	vld [tilespmem:s19+$0x10500]  }
0x177: {  	v0 =	vmul.f32 v62, v0;
	v62 =	vld [tilespmem:s19+$0x3C0]  }
0x178: {  	[tilespmem:$0x1FA60] =	vst v17;
	v17 =	vld [tilespmem:s19+$0x105B0]  }
0x179: {  	[tilespmem:$0x1FB20] =	vst v60;
	v60 =	vld [tilespmem:s19+$0x84A0]  }
0x17a: {  	[tilespmem:$0x1FA20] =	vst v61;
	v61 =	vld [tilespmem:s19+$0x380]  }
0x17b: {  	v19 =	vmul.f32 v19, v20;
	v20 =	vld [tilespmem:s19+$0x2B0]  }
0x17c: {  	v25 =	vmul.f32 v26, v25;
	v26 =	vld [tilespmem:s19+$0x280]  }
0x17d: {  	v32 =	vmul.f32 v36, v32;
	v36 =	vld [tilespmem:s19+$0x10430];
	v0 =	vadd.f32 v8, v0;
	v8 =	vmul.f32 v63, v34  }
0x17e: {  	v63 =	vld [tilespmem:s19+$0x3D0]  }
0x17f: {  	v0 =	vadd.f32 v8, v0;
	v8 =	vld [tilespmem:s19+$0x8490]  }
0x180: {  	[tilespmem:$0x1F9C0] =	vst v17;
	v17 =	vld [tilespmem:s19+$0x3B0]  }
0x181: {  	v53 =	vmul.f32 v53, v35;
	[tilespmem:$0x1FB30] =	vst v60;
	v60 =	vld [tilespmem:s19+$0x84D0];
	v0 =	vadd.f32 v28, v0  }
0x182: {  	v28 =	vld [tilespmem:s19+$0x10530];
	v12 =	vmul.f32 v61, v12  }
0x183: {  	v10 =	vmul.f32 v10, v3;
	v61 =	vld [tilespmem:$0x1FA30];
	v0 =	vadd.f32 v53, v0  }
0x184: {  	v12 =	vadd.f32 v25, v12;
	v25 =	vld [tilespmem:$0x1F9B0]  }
0x185: {  	v6 =	vmul.f32 v6, v2;
	v0 =	vadd.f32 v10, v0;
	v10 =	vmul.f32 v41, v44;
	v44 =	vld [tilespmem:s19+$0x310]  }
0x186: {  	[tilespmem:$0x1F9D0] =	vst v17;
	v17 =	vld [tilespmem:s19+$0x105E0]  }
0x187: {  	v7 =	vadd.f32 v24, v7;
	[tilespmem:$0x1FB40] =	vst v60;
	v60 =	vld [tilespmem:s19+$0x10570];
	v0 =	vadd.f32 v6, v0;
	v6 =	vmul.f32 v51, v52  }
0x188: {  	v5 =	vmul.f32 v5, v1;
	v11 =	vmul.f32 v11, v35;
	v24 =	vadd.f32 v10, v9;
	v10 =	vld [tilespmem:s19+$0x10520]  }
0x189: {  	v9 =	vmul.f32 v15, v16;
	v15 =	vld [tilespmem:s19+$0x340];
	[tilespmem:$0x1FB50] =	vst v6;
	v6 =	vmul.f32 v39, v43  }
0x18a: {  	v16 =	vld [tilespmem:s19+$0x10550];
	v5 =	vadd.f32 v5, v0  }
0x18b: {  	v0 =	vadd.f32 v6, v4;
	v6 =	vadd.f32 v11, v7;
	v7 =	vld [tilespmem:$0x1F850]  }
0x18c: {  	v52 =	vld [tilespmem:s19+$0x104C0]  }
0x18d: {  	v43 =	vld [tilespmem:s19+$0x300]  }
0x18e: {  	v39 =	vmul.f32 v48, v1;
	v48 =	vld [tilespmem:s19+$0x220]  }
0x18f: {  	[tilespmem:$0x1F9E0] =	vst v17;
	v17 =	vld [tilespmem:s19+$0x3E0]  }
0x190: {  	[tilespmem:$0x1FA00] =	vst v60;
	v60 =	vld [tilespmem:s19+$0x370];
	v7 =	vmul.f32 v7, v3  }
0x191: {  	v4 =	vld [tilespmem:$0x1F840];
	v11 =	vmul.f32 v13, v14  }
0x192: {  	v7 =	vadd.f32 v7, v6;
	v6 =	vld [tilespmem:$0x1F860]  }
0x193: {  	v9 =	vadd.f32 v11, v9;
	v11 =	vmul.f32 v27, v30;
	v27 =	vld [tilespmem:s19+$0x350]  }
0x194: {  	[tilespmem:$0x1F9F0] =	vst v17;
	v17 =	vld [tilespmem:s19+$0x410]  }
0x195: {  	v30 =	vld [tilespmem:s19+$0x104E0]  }
0x196: {  	[tilespmem:$0x1FA10] =	vst v60;
	v60 =	vld [tilespmem:s19+$0x105A0]  }
0x197: {  	v13 =	vmul.f32 v6, v2;
	v6 =	vld [tilespmem:$0x1F870]  }
0x198: {  	v9 =	vadd.f32 v11, v9;
	v11 =	vld [tilespmem:$0x1F8A0];
	v4 =	vmul.f32 v4, v35  }
0x199: {  	v17 =	vmul.f32 v17, v18;
	v7 =	vadd.f32 v13, v7;
	v13 =	vld [tilespmem:$0x1F890]  }
0x19a: {  	v0 =	vadd.f32 v4, v0;
	v4 =	vld [tilespmem:s19+$0x10540]  }
0x19b: {  	[tilespmem:$0x1F9A0] =	vst v60;
	v60 =	vld [tilespmem:s19+$0x3A0];
	v17 =	vadd.f32 v17, v19;
	v19 =	vmul.f32 v46, v49  }
0x19c: {  	v18 =	vld [tilespmem:s19+$0x104B0];
	v14 =	vmul.f32 v6, v3  }
0x19d: {  	v11 =	vmul.f32 v11, v1;
	v17 =	vadd.f32 v19, v17;
	v19 =	vld [tilespmem:$0x1F8F0]  }
0x19e: {  	v49 =	vld [tilespmem:$0x1F920];
	v0 =	vadd.f32 v14, v0;
	v13 =	vmul.f32 v13, v2  }
0x19f: {  	v11 =	vadd.f32 v11, v7;
	v7 =	vadd.f32 v22, v9;
	v22 =	vld [tilespmem:$0x1F8D0]  }
0x1a0: {  	v4 =	vmul.f32 v15, v4;
	v0 =	vadd.f32 v13, v0;
	v13 =	vld [tilespmem:$0x1F8C0]  }
0x1a1: {  	v15 =	vmul.f32 v27, v16;
	v27 =	vmul.f32 v33, v29;
	v29 =	vld [tilespmem:$0x1F9D0]  }
0x1a2: {  	v46 =	vld [tilespmem:s19+$0x10510];
	v19 =	vmul.f32 v47, v19  }
0x1a3: {  	v9 =	vld [tilespmem:$0x1F8B0]  }
0x1a4: {  	v17 =	vadd.f32 v19, v17;
	v19 =	vld [tilespmem:$0x1F950]  }
0x1a5: {  	v15 =	vadd.f32 v15, v4;
	v13 =	vmul.f32 v22, v13;
	v22 =	vld [tilespmem:$0x1F8E0]  }
0x1a6: {  	v4 =	vld [tilespmem:$0x1F9C0]  }
0x1a7: {  	v15 =	vadd.f32 v27, v15;
	v27 =	vmul.f32 v63, v58;
	v58 =	vld [tilespmem:$0x1FAF0]  }
0x1a8: {  	v6 =	vld [tilespmem:$0x1F880];
	v9 =	vmul.f32 v9, v35  }
0x1a9: {  	v41 =	vmul.f32 v50, v49;
	v50 =	vld [tilespmem:s19+$0x200];
	v19 =	vmul.f32 v19, v35  }
0x1aa: {  	v14 =	vld [tilespmem:s19+$0x8400];
	v7 =	vadd.f32 v9, v7;
	v22 =	vmul.f32 v22, v3  }
0x1ab: {  	v17 =	vadd.f32 v19, v17;
	v19 =	vld [tilespmem:$0x1F990]  }
0x1ac: {  	v7 =	vadd.f32 v22, v7;
	v22 =	vld [tilespmem:$0x1F940]  }
0x1ad: {  	v29 =	vmul.f32 v29, v4;
	v4 =	vld [tilespmem:$0x1F9E0]  }
0x1ae: {  	v6 =	vmul.f32 v59, v6;
	v59 =	vld [tilespmem:$0x1FA10]  }
0x1af: {  	v9 =	vmul.f32 v56, v57;
	v56 =	vld [tilespmem:s19+$0x104D0]  }
0x1b0: {  	v0 =	vadd.f32 v39, v0;
	v39 =	vmul.f32 v54, v52;
	v52 =	vld [tilespmem:$0x1FA90];
	v19 =	vmul.f32 v19, v3  }
0x1b1: {  	v54 =	vld [tilespmem:$0x1FAB0];
	v51 =	vmul.f32 v22, v2  }
0x1b2: {  	v16 =	vadd.f32 v19, v17;
	v19 =	vld [tilespmem:$0x1F9A0]  }
0x1b3: {  	v22 =	vadd.f32 v41, v9;
	v9 =	vadd.f32 v51, v7;
	v7 =	vld [tilespmem:$0x1F960]  }
0x1b4: {  	v57 =	vld [tilespmem:s19+$0x10490]  }
0x1b5: {  	v37 =	vmul.f32 v52, v1;
	v52 =	vld [tilespmem:s19+$0x10400]  }
0x1b6: {  	v25 =	vmul.f32 v25, v2;
	v33 =	vmul.f32 v54, v1;
	v54 =	vld [tilespmem:s19+$0x10410]  }
0x1b7: {  	v17 =	vld [tilespmem:s19+$0x10480];
	v19 =	vmul.f32 v60, v19  }
0x1b8: {  	v16 =	vadd.f32 v25, v16;
	v25 =	vld [tilespmem:$0x1F9F0];
	v53 =	vmul.f32 v7, v1  }
0x1b9: {  	v12 =	vadd.f32 v19, v12;
	v19 =	vld [tilespmem:$0x1FA20]  }
0x1ba: {  	v42 =	vadd.f32 v53, v9;
	v9 =	vld [tilespmem:s19+$0x2D0]  }
0x1bb: {  	v41 =	vmul.f32 v61, v1;
	v61 =	vld [tilespmem:$0x1FB20]  }
0x1bc: {  	v60 =	vld [tilespmem:s19+$0x290]  }
0x1bd: {  	v4 =	vmul.f32 v25, v4;
	v25 =	vld [tilespmem:$0x1FA00]  }
0x1be: {  	v17 =	vmul.f32 v26, v17;
	v26 =	vld [tilespmem:s19+$0x104A0]  }
0x1bf: {  	v19 =	vmul.f32 v62, v19;
	v62 =	vmul.f32 v9, v56;
	v9 =	vadd.f32 v29, v12;
	v12 =	vld [tilespmem:$0x1FA40]  }
0x1c0: {  	v7 =	vld [tilespmem:$0x1F970]  }
0x1c1: {  	v53 =	vld [tilespmem:$0x1FAA0]  }
0x1c2: {  	v25 =	vmul.f32 v59, v25;
	v59 =	vld [tilespmem:$0x1FB00]  }
0x1c3: {  	v19 =	vadd.f32 v27, v19;
	v27 =	vld [tilespmem:$0x1FA80]  }
0x1c4: {  	v15 =	vadd.f32 v25, v15;
	v25 =	vmul.f32 v60, v57;
	v57 =	vld [tilespmem:$0x1FAE0];
	v12 =	vmul.f32 v12, v35  }
0x1c5: {  	v60 =	vld [tilespmem:$0x1FB10]  }
0x1c6: {  	v63 =	vadd.f32 v12, v9;
	v12 =	vld [tilespmem:$0x1FA60]  }
0x1c7: {  	v7 =	vmul.f32 v55, v7;
	v55 =	vld [tilespmem:$0x1FAC0]  }
0x1c8: {  	v17 =	vadd.f32 v25, v17;
	v25 =	vld [tilespmem:s19+$0x10460]  }
0x1c9: {  	v31 =	vmul.f32 v31, v35;
	v29 =	vmul.f32 v38, v30;
	v38 =	vld [tilespmem:s19+$0x2A0]  }
0x1ca: {  	v23 =	vmul.f32 v23, v35;
	v18 =	vmul.f32 v20, v18;
	v56 =	vld [tilespmem:$0x1FAD0]  }
0x1cb: {  	v30 =	vld [tilespmem:s19+$0x230];
	v27 =	vmul.f32 v27, v3;
	v51 =	vmul.f32 v12, v35  }
0x1cc: {  	v47 =	vmul.f32 v53, v3;
	v39 =	vadd.f32 v62, v39;
	v62 =	vld [tilespmem:$0x1FB30];
	v49 =	vmul.f32 v55, v2  }
0x1cd: {  	v55 =	vmul.f32 v61, v1;
	v61 =	vld [tilespmem:s19+$0x10450];
	v27 =	vadd.f32 v27, v63;
	v15 =	vadd.f32 v51, v15  }
0x1ce: {  	v16 =	vadd.f32 v41, v16;
	v29 =	vadd.f32 v29, v39;
	v26 =	vmul.f32 v38, v26;
	v63 =	vld [tilespmem:$0x1FB40]  }
0x1cf: {  	v27 =	vadd.f32 v49, v27;
	v15 =	vadd.f32 v47, v15;
	v47 =	vmul.f32 v56, v2;
	v56 =	vld [tilespmem:s19+$0x210]  }
0x1d0: {  	v41 =	vmul.f32 v60, v2;
	v29 =	vadd.f32 v32, v29;
	v49 =	vmul.f32 v58, v1;
	v58 =	vld [tilespmem:s19+$0x10440]  }
0x1d1: {  	v60 =	vmul.f32 v43, v40;
	v17 =	vadd.f32 v26, v17;
	v27 =	vadd.f32 v37, v27;
	v37 =	vld [tilespmem:s19+$0x240]  }
0x1d2: {  	v51 =	vmul.f32 v57, v35;
	v15 =	vadd.f32 v47, v15;
	v47 =	vmul.f32 v62, v2;
	v62 =	vld [tilespmem:s19+$0x250]  }
0x1d3: {  	v17 =	vadd.f32 v18, v17;
	v18 =	vld [tilespmem:s19+$0x320];
	v57 =	vmul.f32 v63, v3;
	v63 =	vmul.f32 v44, v46  }
0x1d4: {  	v50 =	vmul.f32 v50, v52;
	v52 =	vmul.f32 v56, v54;
	v54 =	vld [tilespmem:s19+$0x260]  }
0x1d5: {  	v53 =	vmul.f32 v59, v1;
	v29 =	vadd.f32 v31, v29;
	v20 =	vadd.f32 v63, v60;
	v60 =	vld [tilespmem:s19+$0x270]  }
0x1d6: {  	v59 =	vmul.f32 v48, v45;
	v17 =	vadd.f32 v23, v17;
	v56 =	vld [tilespmem:s19+$0x10470];
	v26 =	vadd.f32 v52, v50  }
0x1d7: {  	v23 =	vld [tilespmem:s19+$0x330];
	v31 =	vmul.f32 v37, v58;
	v15 =	vadd.f32 v33, v15;
	v33 =	vmul.f32 v62, v61  }
0x1d8: {  	v30 =	vmul.f32 v30, v36;
	v61 =	vld [tilespmem:s19+$0x8440];
	v26 =	vadd.f32 v59, v26  }
0x1d9: {  	v8 =	vmul.f32 v8, v3;
	v31 =	vadd.f32 v33, v31;
	v25 =	vmul.f32 v54, v25  }
0x1da: {  	v14 =	vmul.f32 v14, v35;
	v10 =	vmul.f32 v18, v10;
	v26 =	vadd.f32 v30, v26;
	v30 =	vld [tilespmem:s19+$0x8450]  }
0x1db: {  	v34 =	vld [tilespmem:s19+$0x8420];
	v8 =	vadd.f32 v8, v17;
	v25 =	vadd.f32 v25, v31;
	v31 =	vmul.f32 v60, v56  }
0x1dc: {  	v21 =	vmul.f32 v21, v3;
	v10 =	vadd.f32 v10, v20;
	v14 =	vadd.f32 v14, v26;
	v26 =	vld [tilespmem:s19+$0x8460]  }
0x1dd: {  	(xrf2) =	vadd.scan.msk.f32 $0xffff, v5;
	v17 =	vld [tilespmem:s19+$0x8500];
	v20 =	vmul.f32 v23, v28;
	v18 =	vmul.f32 v61, v35;
	v5 =	vadd.f32 v31, v25  }
0x1de: {  	(xrf2) =	vadd.scan.msk.f32 $0xffff, v11;
	v4 =	vadd.f32 v4, v19;
	v11 =	vadd.f32 v21, v14;
	v14 =	vld [tilespmem:s19+$0x8470]  }
0x1df: {  	(xrf2) =	vadd.scan.msk.f32 $0xffff, v0;
	v10 =	vadd.f32 v20, v10;
	v20 =	vld [tilespmem:s19+$0x85D0];
	v0 =	vadd.f32 v18, v5;
	v5 =	vmul.f32 v30, v3  }
0x1e0: {  	(xrf2) =	vadd.scan.msk.f32 $0xffff, v42;
	v29 =	vadd.f32 v57, v29;
	v25 =	vld [tilespmem:s19+$0x8510]  }
0x1e1: {  	(xrf2) =	vadd.scan.msk.f32 $0xffff, v16;
	v4 =	vadd.f32 v7, v4;
	v0 =	vadd.f32 v5, v0;
	v5 =	vmul.f32 v26, v2  }
0x1e2: {  	v13 =	vadd.f32 v13, v22;
	v19 =	vld [tilespmem:s19+$0x85E0];
	(xrf2) =	vadd.scan.msk.f32 $0xffff, v27;
	v29 =	vadd.f32 v41, v29;
	v17 =	vmul.f32 v17, v35  }
0x1e3: {  	v4 =	vadd.f32 v51, v4;
	(xrf2) =	vadd.scan.msk.f32 $0xffff, v15;
	v15 =	vld [tilespmem:s19+$0x85F0];
	v0 =	vadd.f32 v5, v0;
	v5 =	vmul.f32 v14, v1  }
0x1e4: {  	v34 =	vmul.f32 v34, v2;
	v29 =	vadd.f32 v49, v29;
	v10 =	vadd.f32 v17, v10;
	v18 =	vld [tilespmem:s19+$0x8520]  }
0x1e5: {  	v17 =	vmul.f32 v25, v3;
	v0 =	vadd.f32 v5, v0;
	v5 =	vmul.f32 v20, v3  }
0x1e6: {  	v16 =	vld [tilespmem:s19+$0x8530];
	v8 =	vadd.f32 v47, v8;
	v11 =	vadd.f32 v34, v11  }
0x1e7: {  	v10 =	vadd.f32 v17, v10;
	v17 =	vld [tilespmem:$0x1FB50];
	v4 =	vadd.f32 v5, v4;
	v5 =	vmul.f32 v19, v2  }
0x1e8: {  	v9 =	vld [tilespmem:$0x1FA50];
	v8 =	vadd.f32 v53, v8;
	v11 =	vadd.f32 v55, v11  }
0x1e9: {  	(xrf2) =	vadd.scan.msk.f32 $0xffff, v29;
	v14 =	vmul.f32 v18, v2;
	v4 =	vadd.f32 v5, v4;
	v5 =	vmul.f32 v15, v1;
	v15 =	vld [tilespmem:$0x1FB60]  }
0x1ea: {  	v12 =	vld [tilespmem:$0x1FA70];
	(xrf2) =	vadd.scan.msk.f32 $0xffff, v8  }
0x1eb: {  	v6 =	vadd.f32 v6, v13;
	v13 =	vld [tilespmem:s19+$0x8750];
	(xrf2) =	vadd.scan.msk.f32 $0xffff, v11;
	v11 =	vmul.f32 v16, v1;
	v10 =	vadd.f32 v14, v10  }
0x1ec: {  	v7 =	vld [tilespmem:s19+$0x8690];
	v17 =	vadd.f32 v17, v24  }
0x1ed: {  	v10 =	vadd.f32 v11, v10;
	v11 =	vld [tilespmem:s19+$0x8760]  }
0x1ee: {  	v9 =	vmul.f32 v9, v35;
	v8 =	vld [tilespmem:s19+$0x86A0];
	v15 =	vadd.f32 v15, v17  }
0x1ef: {  	v12 =	vmul.f32 v12, v35;
	v20 =	vld [tilespmem:$0x1FB80]  }
0x1f0: {  	v19 =	vld [tilespmem:$0x1FB70];
	v4 =	vadd.f32 v5, v4;
	v5 =	vadd.f32 v9, v15;
	v9 =	vmul.f32 v13, v3  }
0x1f1: {  	v7 =	vmul.f32 v7, v3;
	v6 =	vadd.f32 v12, v6  }
0x1f2: {  	v14, _, _ =	vpop (xrf2);
	(xrf2) =	vadd.scan.msk.f32 $0xffff, v0;
	v5 =	vadd.f32 v9, v5;
	v9 =	vmul.f32 v11, v2;
	v11 =	vld [tilespmem:$0x1FBA0]  }
0x1f3: {  	v6 =	vadd.f32 v7, v6;
	v7 =	vmul.f32 v8, v2;
	v8 =	vld [tilespmem:s19+$0x8770];
	v0, _, _ =	vpop (xrf2)  }
0x1f4: {  	v12, _, _ =	vpop (xrf2);
	v15 =	vld [tilespmem:$0x1FB90]  }
0x1f5: {  	v18, _, _ =	vpop (xrf2);
	v19 =	vadd.f32 v19, v20  }
0x1f6: {  	v16 =	vld [tilespmem:s19+$0x86B0];
	(xrf2) =	vadd.scan.msk.f32 $0xffff, v10;
	v10, _, _ =	vpop (xrf2)  }
0x1f7: {  	v13, _, _ =	vpop (xrf2);
	v11 =	vadd.f32 v11, v19  }
0x1f8: {  	v8 =	vmul.f32 v8, v1;
	v17 =	vld [tilespmem:s19+$0x87D0];
	v20, _, _ =	vpop (xrf2)  }
0x1f9: {  	(xrf2) =	vadd.scan.msk.f32 $0xffff, v4;
	v4, _, _ =	vpop (xrf2);
	v15 =	vmul.f32 v15, v35  }
0x1fa: {  	v5 =	vadd.f32 v9, v5;
	v19, _, _ =	vpop (xrf2)  }
0x1fb: {  	v6 =	vadd.f32 v7, v6;
	v7 =	vmul.f32 v16, v1;
	v16 =	vld [tilespmem:s19+$0x87E0];
	v9 =	vadd.f32 v15, v11;
	v11, _, _ =	vpop (xrf2)  }
0x1fc: {  	v5 =	vadd.f32 v8, v5;
	v8, _, _ =	vpop (xrf2)  }
0x1fd: {  	v6 =	vadd.f32 v7, v6;
	v7 =	vmul.f32 v17, v3;
	v17 =	vld [tilespmem:s19+$0x87F0];
	v8 =	vbroadcast v8, $0xF;
	_ =	sdelay $0x1  }
0x1fe: {  	(xrf2) =	vadd.scan.msk.f32 $0xffff, v6;
	v6 =	vadd.f32 v7, v9;
	v9 =	vbroadcast v11, $0xF  }
0x1ff: {  	v7 =	vmul.f32 v16, v2  }
0x200: {  	v11 =	vbroadcast v19, $0xF;
	(xrf2) =	vadd.scan.msk.f32 $0xffff, v5;
	v5 =	vsel vm0, v9, v8;
	v8, _, _ =	vpop (xrf2)  }
0x201: {  	v6 =	vadd.f32 v7, v6;
	v7 =	vmul.f32 v17, v1;
	v8 =	vbroadcast v8, $0xF  }
0x202: {  	v4 =	vbroadcast v4, $0xF  }
0x203: {  	v6 =	vadd.f32 v7, v6;
	v5 =	vsel vm1, v5, v11  }
0x204: {  	v7 =	vbroadcast v13, $0xF;
	v4 =	vsel vm2, v5, v4;
	v5 =	vbroadcast v20, $0xF  }
0x205: {  	v4 =	vsel vm3, v4, v8;
	v8, _, _ =	vpop (xrf2)  }
0x206: {  	v4 =	vsel vm4, v4, v5;
	v5 =	vbroadcast v8, $0xF  }
0x207: {  	(xrf2) =	vadd.scan.msk.f32 $0xffff, v6;
	v4 =	vsel vm5, v4, v7;
	v6 =	vbroadcast v10, $0xF  }
0x208: {  	v7, _, _ =	vpop (xrf2);
	v4 =	vsel vm6, v4, v5;
	v5 =	vbroadcast v18, $0xF  }
0x209: {  	v4 =	vsel vm7, v4, v6;
	v6 =	vbroadcast v7, $0xF  }
0x20a: {  	v4 =	vsel vm8, v4, v5;
	v5 =	vbroadcast v12, $0xF  }
0x20b: {  	v0 =	vbroadcast v0, $0xF;
	v4 =	vsel vm9, v4, v6  }
0x20c: {  	v4 =	vsel vm10, v4, v5  }
0x20d: {  	s19 =	simm.s32 $0x8200;
	v6, _, _ =	vpop (xrf2);
	v0 =	vsel vm11, v4, v0;
	v4 =	vbroadcast v14, $0xF  }
0x20e: {  	v5 =	vbroadcast v6, $0xF;
	v6 =	vld [tilespmem:s19+$0x0];
	_ =	sdelay $0x1  }
0x20f: {  	v7 =	vld [tilespmem:$0x18440];
	v0 =	vsel vm12, v0, v5  }
0x210: {  	v0 =	vsel vm13, v0, v4;
	v4, _, _ =	vpop (xrf2)  }
0x211: {  	v0 =	vsel vm14, v0, v4  }
0x212: {  	v0 =	vadd.f32 v0, v6;
	_ =	sdelay $0x1  }
0x213: {  	v0 =	vadd.f32 v0, v7  }
0x214: {  	s24 =	simm.s32 $0x18450  }
0x215: {  	s25 =	simm.s32 $0x400;
	[tilespmem:s24+$0x0] =	vst v0  }
0x216: {  	v0 =	vld [tilespmem:s25+$0x87B0];
	_ =	sdelay $0x4  }
0x217: {  	[tilespmem:$0x1FC40] =	vst v0;
	v0 =	vld [tilespmem:s25+$0x87A0];
	_ =	sdelay $0x4  }
0x218: {  	[tilespmem:$0x1FC10] =	vst v0;
	v0 =	vld [tilespmem:s25+$0x87C0];
	_ =	sdelay $0x4  }
0x219: {  	[tilespmem:$0x1FBC0] =	vst v0;
	v0 =	vld [tilespmem:s25+$0x8730];
	_ =	sdelay $0x4  }
0x21a: {  	[tilespmem:$0x1FCD0] =	vst v0;
	v0 =	vld [tilespmem:s25+$0x8790];
	_ =	sdelay $0x4  }
0x21b: {  	[tilespmem:$0x1FC00] =	vst v0;
	v0 =	vld [tilespmem:s25+$0x86F0];
	_ =	sdelay $0x4  }
0x21c: {  	[tilespmem:$0x1FD20] =	vst v0;
	v0 =	vld [tilespmem:s25+$0x8720];
	_ =	sdelay $0x4  }
0x21d: {  	[tilespmem:$0x1FCA0] =	vst v0;
	v0 =	vld [tilespmem:s25+$0x86E0];
	_ =	sdelay $0x4  }
0x21e: {  	[tilespmem:$0x1FCC0] =	vst v0;
	v0 =	vld [tilespmem:s25+$0x8710];
	_ =	sdelay $0x4  }
0x21f: {  	[tilespmem:$0x1FC80] =	vst v0;
	v0 =	vld [tilespmem:s25+$0x8740];
	_ =	sdelay $0x4  }
0x220: {  	[tilespmem:$0x1FE90] =	vst v0;
	v0 =	vld [tilespmem:s25+$0x8670];
	_ =	sdelay $0x4  }
0x221: {  	[tilespmem:$0x1FDE0] =	vst v0;
	v0 =	vld [tilespmem:s25+$0x86D0];
	_ =	sdelay $0x4  }
0x222: {  	[tilespmem:$0x1FCB0] =	vst v0;
	v0 =	vld [tilespmem:s25+$0x8700];
	_ =	sdelay $0x4  }
0x223: {  	[tilespmem:$0x1FC50] =	vst v0;
	v0 =	vld [tilespmem:s25+$0x8630];
	_ =	sdelay $0x4  }
0x224: {  	[tilespmem:$0x1FE80] =	vst v0;
	v0 =	vld [tilespmem:s25+$0x8660];
	_ =	sdelay $0x3  }
0x225: {  	v47 =	vld [tilespmem:s25+$0x107F0]  }
0x226: {  	[tilespmem:$0x1FDC0] =	vst v0;
	v0 =	vld [tilespmem:s25+$0x86C0]  }
0x227: {  	v45 =	vld [tilespmem:s25+$0x5F0]  }
0x228: {  	v51 =	vld [tilespmem:s25+$0x8780]  }
0x229: {  	v13 =	vld [tilespmem:s25+$0x8560]  }
0x22a: {  	v46 =	vld [tilespmem:s25+$0x107E0]  }
0x22b: {  	[tilespmem:$0x1FC60] =	vst v0;
	v0 =	vld [tilespmem:s25+$0x8620]  }
0x22c: {  	v55 =	vld [tilespmem:s25+$0x5E0]  }
0x22d: {  	v31 =	vld [tilespmem:s25+$0x107B0]  }
0x22e: {  	[tilespmem:$0x1FF10] =	vst v13;
	v13 =	vld [tilespmem:s25+$0x8590]  }
0x22f: {  	v28 =	vld [tilespmem:s25+$0x5B0]  }
0x230: {  	[tilespmem:$0x1FE40] =	vst v0;
	v0 =	vld [tilespmem:s25+$0x8650]  }
0x231: {  	v34 =	vld [tilespmem:s25+$0x107C0]  }
0x232: {  	v32 =	vld [tilespmem:s25+$0x5C0]  }
0x233: {  	[tilespmem:$0x1FF00] =	vst v13;
	v13 =	vld [tilespmem:s25+$0x85C0]  }
0x234: {  	v38 =	vld [tilespmem:s25+$0x107D0]  }
0x235: {  	[tilespmem:$0x1FD30] =	vst v0;
	v0 =	vld [tilespmem:s25+$0x8680]  }
0x236: {  	v33 =	vld [tilespmem:s25+$0x10770]  }
0x237: {  	v36 =	vld [tilespmem:s25+$0x107A0]  }
0x238: {  	[tilespmem:$0x1FF30] =	vst v13;
	v13 =	vld [tilespmem:s25+$0x10630]  }
0x239: {  	v63 =	vld [tilespmem:s25+$0x5A0]  }
0x23a: {  	[tilespmem:$0x1FEB0] =	vst v0;
	v0 =	vld [tilespmem:s25+$0x85B0]  }
0x23b: {  	v24 =	vld [tilespmem:s25+$0x10730]  }
0x23c: {  	v23 =	vld [tilespmem:s25+$0x530]  }
0x23d: {  	[tilespmem:$0x1FD80] =	vst v13;
	v13 =	vld [tilespmem:s25+$0x430]  }
0x23e: {  	v52 =	vld [tilespmem:s25+$0x10760]  }
0x23f: {  	[tilespmem:$0x1FEC0] =	vst v0;
	v0 =	vld [tilespmem:s25+$0x8610]  }
0x240: {  	v50 =	vld [tilespmem:s25+$0x560]  }
0x241: {  	v58 =	vld [tilespmem:s25+$0x10780]  }
0x242: {  	[tilespmem:$0x1FD90] =	vst v13;
	v13 =	vld [tilespmem:s25+$0x10680]  }
0x243: {  	v60 =	vld [tilespmem:s25+$0x580]  }
0x244: {  	[tilespmem:$0x1FDF0] =	vst v0;
	v0 =	vld [tilespmem:s25+$0x8640]  }
0x245: {  	v8 =	vld [tilespmem:s25+$0x10790]  }
0x246: {  	[tilespmem:$0x1FBB0] =	vst v7;
	v7 =	vld [tilespmem:s25+$0x590]  }
0x247: {  	[tilespmem:$0x1FD40] =	vst v13;
	v13 =	vld [tilespmem:s25+$0x480]  }
0x248: {  	v43 =	vld [tilespmem:s25+$0x106F0]  }
0x249: {  	[tilespmem:$0x1FCE0] =	vst v0;
	v0 =	vld [tilespmem:s25+$0x8570]  }
0x24a: {  	v39 =	vld [tilespmem:s25+$0x4F0]  }
0x24b: {  	v26 =	vld [tilespmem:s25+$0x10720]  }
0x24c: {  	[tilespmem:$0x1FD50] =	vst v13;
	v13 =	vld [tilespmem:s25+$0x10690]  }
0x24d: {  	v25 =	vld [tilespmem:s25+$0x520]  }
0x24e: {  	[tilespmem:$0x1FED0] =	vst v0;
	v0 =	vld [tilespmem:s25+$0x85A0]  }
0x24f: {  	v42 =	vld [tilespmem:s25+$0x10740]  }
0x250: {  	v44 =	vld [tilespmem:s25+$0x10750]  }
0x251: {  	[tilespmem:$0x1FD60] =	vst v13;
	v13 =	vld [tilespmem:s25+$0x490]  }
0x252: {  	v41 =	vld [tilespmem:s25+$0x550]  }
0x253: {  	[tilespmem:$0x1FEF0] =	vst v0;
	v0 =	vld [tilespmem:s25+$0x8600]  }
0x254: {  	v10 =	vld [tilespmem:s25+$0x10700]  }
0x255: {  	v9 =	vld [tilespmem:s25+$0x500]  }
0x256: {  	[tilespmem:$0x1FD70] =	vst v13;
	v13 =	vld [tilespmem:s25+$0x84F0]  }
0x257: {  	v12 =	vld [tilespmem:s25+$0x10710]  }
0x258: {  	[tilespmem:$0x1FDD0] =	vst v0;
	v0 =	vld [tilespmem:s25+$0x106A0]  }
0x259: {  	v6 =	vld [tilespmem:s25+$0x106D0]  }
0x25a: {  	v5 =	vld [tilespmem:s25+$0x4D0]  }
0x25b: {  	v58 =	vmul.f32 v60, v58;
	v7 =	vmul.f32 v7, v8;
	[tilespmem:$0x1FF40] =	vst v13;
	v13 =	vld [tilespmem:s25+$0x8550]  }
0x25c: {  	v11 =	vld [tilespmem:s25+$0x510]  }
0x25d: {  	v36 =	vmul.f32 v63, v36;
	v7 =	vadd.f32 v7, v58;
	[tilespmem:$0x1FCF0] =	vst v0;
	v0 =	vld [tilespmem:s25+$0x4A0]  }
0x25e: {  	v9 =	vmul.f32 v9, v10;
	v10 =	vld [tilespmem:$0x1FC00]  }
0x25f: {  	v28 =	vmul.f32 v28, v31;
	v5 =	vmul.f32 v5, v6;
	v7 =	vadd.f32 v36, v7;
	v6 =	vld [tilespmem:$0x1FC10]  }
0x260: {  	[tilespmem:$0x1FF20] =	vst v13;
	v13 =	vld [tilespmem:s25+$0x8580]  }
0x261: {  	v4 =	vld [tilespmem:s25+$0x106C0];
	v45 =	vmul.f32 v45, v47;
	v47 =	vmul.f32 v51, v35;
	v7 =	vadd.f32 v28, v7  }
0x262: {  	[tilespmem:$0x1FD00] =	vst v0;
	v0 =	vld [tilespmem:s25+$0x4C0]  }
0x263: {  	v19 =	vld [tilespmem:s25+$0x106E0];
	v7 =	vadd.f32 v47, v7;
	v10 =	vmul.f32 v10, v3  }
0x264: {  	v16 =	vld [tilespmem:s25+$0x4E0];
	v11 =	vmul.f32 v11, v12  }
0x265: {  	v6 =	vmul.f32 v6, v2;
	v7 =	vadd.f32 v10, v7;
	[tilespmem:$0x1FEA0] =	vst v13;
	v13 =	vld [tilespmem:s25+$0x105F0]  }
0x266: {  	v40 =	vld [tilespmem:s25+$0x540];
	v9 =	vadd.f32 v11, v9;
	v11 =	vmul.f32 v25, v26  }
0x267: {  	v59 =	vld [tilespmem:s25+$0x10670];
	v6 =	vadd.f32 v6, v7;
	v7 =	vmul.f32 v50, v52;
	v0 =	vmul.f32 v0, v4  }
0x268: {  	v56 =	vld [tilespmem:s25+$0x470];
	v23 =	vmul.f32 v23, v24  }
0x269: {  	v30 =	vld [tilespmem:s25+$0x10660];
	[tilespmem:$0x1FC30] =	vst v7;
	v7 =	vadd.f32 v11, v9;
	v0 =	vadd.f32 v5, v0;
	v5 =	vmul.f32 v16, v19  }
0x26a: {  	v11 =	vmul.f32 v41, v44;
	[tilespmem:$0x1FDA0] =	vst v13;
	v13 =	vld [tilespmem:s25+$0x3F0]  }
0x26b: {  	v19 =	vadd.f32 v23, v7;
	v7 =	vld [tilespmem:$0x1FC50];
	v0 =	vadd.f32 v5, v0;
	v5 =	vmul.f32 v40, v42  }
0x26c: {  	v17 =	vld [tilespmem:s25+$0x10640]  }
0x26d: {  	v5 =	vadd.f32 v11, v5;
	v11 =	vld [tilespmem:$0x1FC80]  }
0x26e: {  	v15 =	vld [tilespmem:s25+$0x440]  }
0x26f: {  	v14 =	vld [tilespmem:s25+$0x10650];
	v16 =	vmul.f32 v39, v43  }
0x270: {  	[tilespmem:$0x1FDB0] =	vst v13;
	v13 =	vld [tilespmem:s25+$0x450];
	v23 =	vmul.f32 v7, v35  }
0x271: {  	v0 =	vadd.f32 v16, v0;
	v16 =	vld [tilespmem:s25+$0x10520]  }
0x272: {  	v27 =	vld [tilespmem:s25+$0x460];
	[tilespmem:$0x1FC70] =	vst v5;
	v5 =	vadd.f32 v23, v19;
	v11 =	vmul.f32 v11, v3  }
0x273: {  	v18 =	vld [tilespmem:s25+$0x84B0]  }
0x274: {  	v5 =	vadd.f32 v11, v5;
	v11 =	vld [tilespmem:$0x1FCA0]  }
0x275: {  	v62 =	vld [tilespmem:s25+$0x8430]  }
0x276: {  	v15 =	vmul.f32 v15, v17;
	v13 =	vmul.f32 v13, v14;
	[tilespmem:$0x1FC90] =	vst v16;
	v16 =	vld [tilespmem:$0x1FCD0]  }
0x277: {  	v9 =	vld [tilespmem:$0x1FC40]  }
0x278: {  	v29 =	vld [tilespmem:s25+$0x570];
	v13 =	vadd.f32 v13, v15;
	v15 =	vmul.f32 v27, v30  }
0x279: {  	v37 =	vld [tilespmem:s25+$0x5D0];
	v11 =	vmul.f32 v11, v2  }
0x27a: {  	[tilespmem:$0x1FF50] =	vst v18;
	v18 =	vld [tilespmem:s25+$0x84E0];
	v13 =	vadd.f32 v15, v13  }
0x27b: {  	[tilespmem:$0x1FF80] =	vst v62;
	v62 =	vld [tilespmem:s25+$0x84A0];
	v15 =	vmul.f32 v56, v59;
	v17 =	vmul.f32 v16, v1;
	v5 =	vadd.f32 v11, v5  }
0x27c: {  	v9 =	vmul.f32 v9, v1;
	v16 =	vld [tilespmem:$0x1FD00]  }
0x27d: {  	v29 =	vmul.f32 v29, v33;
	v33 =	vadd.f32 v17, v5;
	v5 =	vadd.f32 v15, v13;
	v15 =	vld [tilespmem:$0x1FCF0]  }
0x27e: {  	v7 =	vadd.f32 v9, v6;
	v6 =	vld [tilespmem:$0x1FC60]  }
0x27f: {  	v49 =	vld [tilespmem:s25+$0x10620]  }
0x280: {  	v14 =	vld [tilespmem:$0x1FCB0]  }
0x281: {  	[tilespmem:$0x1FF60] =	vst v18;
	v18 =	vld [tilespmem:s25+$0x8540]  }
0x282: {  	v11 =	vld [tilespmem:$0x1FCC0];
	v15 =	vmul.f32 v16, v15  }
0x283: {  	[tilespmem:$0x1FF90] =	vst v62;
	v62 =	vld [tilespmem:s25+$0x84D0];
	v6 =	vmul.f32 v6, v35  }
0x284: {  	[tilespmem:$0x1FD10] =	vst v15;
	v15 =	vld [tilespmem:$0x1FD20]  }
0x285: {  	v48 =	vld [tilespmem:s25+$0x420];
	v14 =	vmul.f32 v14, v3;
	v0 =	vadd.f32 v6, v0  }
0x286: {  	v22 =	vld [tilespmem:s25+$0x10600]  }
0x287: {  	v63 =	vld [tilespmem:s25+$0x8420];
	v0 =	vadd.f32 v14, v0;
	v11 =	vmul.f32 v11, v2  }
0x288: {  	[tilespmem:$0x1FEE0] =	vst v18;
	v18 =	vld [tilespmem:s25+$0x105B0]  }
0x289: {  	[tilespmem:$0x1FFA0] =	vst v62;
	v62 =	vld [tilespmem:s25+$0x10570];
	v0 =	vadd.f32 v11, v0;
	v15 =	vmul.f32 v15, v1  }
0x28a: {  	v31 =	vld [tilespmem:s25+$0x8490]  }
0x28b: {  	v39 =	vadd.f32 v15, v0;
	v0 =	vld [tilespmem:$0x1FD40]  }
0x28c: {  	v15 =	vld [tilespmem:$0x1FD50]  }
0x28d: {  	[tilespmem:$0x1FE00] =	vst v18;
	v18 =	vld [tilespmem:s25+$0x3B0]  }
0x28e: {  	[tilespmem:$0x1FE50] =	vst v62;
	v62 =	vld [tilespmem:s25+$0x370]  }
0x28f: {  	v25 =	vld [tilespmem:s25+$0x10590]  }
0x290: {  	v16 =	vld [tilespmem:$0x1FD70]  }
0x291: {  	[tilespmem:$0x1FFD0] =	vst v31;
	v0 =	vmul.f32 v15, v0;
	v15 =	vld [tilespmem:$0x1FD60]  }
0x292: {  	v31 =	vmul.f32 v32, v34;
	v28 =	vmul.f32 v37, v38;
	[tilespmem:$0x1FE10] =	vst v18;
	v18 =	vld [tilespmem:s25+$0x105E0]  }
0x293: {  	[tilespmem:$0x1FE60] =	vst v62;
	v62 =	vld [tilespmem:s25+$0x105C0]  }
0x294: {  	v12 =	vadd.f32 v28, v31;
	v28 =	vld [tilespmem:s25+$0x390]  }
0x295: {  	v13 =	vld [tilespmem:$0x1FCE0]  }
0x296: {  	v31 =	vld [tilespmem:s25+$0x340];
	v15 =	vmul.f32 v16, v15  }
0x297: {  	[tilespmem:$0x1FE20] =	vst v18;
	v18 =	vld [tilespmem:s25+$0x3E0]  }
0x298: {  	[tilespmem:$0x1FE70] =	vst v62;
	v62 =	vadd.f32 v15, v0;
	v0 =	vld [tilespmem:$0x1FDA0]  }
0x299: {  	v15 =	vld [tilespmem:$0x1FDB0]  }
0x29a: {  	v17 =	vld [tilespmem:$0x1FD90];
	v13 =	vmul.f32 v13, v35  }
0x29b: {  	v16 =	vld [tilespmem:$0x1FD80]  }
0x29c: {  	v5 =	vadd.f32 v13, v5;
	v13 =	vld [tilespmem:$0x1FD30]  }
0x29d: {  	v10 =	vld [tilespmem:s25+$0x380]  }
0x29e: {  	[tilespmem:$0x1FFC0] =	vst v63;
	v63 =	vmul.f32 v15, v0;
	v0 =	vld [tilespmem:$0x1FDC0]  }
0x29f: {  	v27 =	vld [tilespmem:s25+$0x10550]  }
0x2a0: {  	v56 =	vmul.f32 v17, v16;
	v16 =	vld [tilespmem:$0x1FDE0]  }
0x2a1: {  	v4 =	vld [tilespmem:s25+$0x10580];
	v13 =	vmul.f32 v13, v3  }
0x2a2: {  	v6 =	vld [tilespmem:s25+$0x10540]  }
0x2a3: {  	v14 =	vld [tilespmem:s25+$0x350];
	v5 =	vadd.f32 v13, v5;
	v0 =	vmul.f32 v0, v2  }
0x2a4: {  	v17 =	vld [tilespmem:$0x1FE10]  }
0x2a5: {  	v0 =	vadd.f32 v0, v5;
	v5 =	vmul.f32 v28, v25;
	v25 =	vmul.f32 v16, v1;
	v16 =	vld [tilespmem:$0x1FE00]  }
0x2a6: {  	v21 =	vld [tilespmem:s25+$0x400]  }
0x2a7: {  	v20 =	vld [tilespmem:s25+$0x10610];
	v4 =	vmul.f32 v10, v4  }
0x2a8: {  	[tilespmem:$0x1FE30] =	vst v18;
	v18 =	vld [tilespmem:s25+$0x410]  }
0x2a9: {  	v6 =	vmul.f32 v31, v6;
	v4 =	vadd.f32 v5, v4;
	v5 =	vld [tilespmem:$0x1FE20]  }
0x2aa: {  	v31 =	vadd.f32 v25, v0;
	v0 =	vmul.f32 v14, v27;
	v27 =	vmul.f32 v17, v16;
	v16 =	vld [tilespmem:$0x1FE30]  }
0x2ab: {  	v54 =	vld [tilespmem:s25+$0x105A0]  }
0x2ac: {  	v53 =	vld [tilespmem:s25+$0x3A0]  }
0x2ad: {  	v18 =	vmul.f32 v18, v20;
	v10 =	vld [tilespmem:$0x1FDD0];
	v11 =	vmul.f32 v21, v22  }
0x2ae: {  	v55 =	vmul.f32 v55, v46;
	v0 =	vadd.f32 v0, v6;
	v6 =	vld [tilespmem:$0x1FE50]  }
0x2af: {  	v11 =	vadd.f32 v18, v11;
	v18 =	vmul.f32 v48, v49;
	v46 =	vmul.f32 v16, v5;
	v16 =	vld [tilespmem:$0x1FE60];
	_ =	sdelay $0x1  }
0x2b0: {  	v61 =	vld [tilespmem:s25+$0x106B0];
	v11 =	vadd.f32 v18, v11  }
0x2b1: {  	v57 =	vld [tilespmem:s25+$0x4B0]  }
0x2b2: {  	v60 =	vld [tilespmem:s25+$0x3C0];
	v10 =	vmul.f32 v10, v35;
	v11 =	vadd.f32 v56, v11  }
0x2b3: {  	v14 =	vmul.f32 v53, v54;
	v53 =	vmul.f32 v16, v6;
	v6 =	vld [tilespmem:$0x1FE70]  }
0x2b4: {  	v10 =	vadd.f32 v10, v11;
	v11 =	vld [tilespmem:$0x1FDF0];
	_ =	sdelay $0x1  }
0x2b5: {  	v5 =	vld [tilespmem:$0x1FE40];
	_ =	sdelay $0x1  }
0x2b6: {  	v57 =	vmul.f32 v57, v61;
	v61 =	vmul.f32 v60, v6;
	v6 =	vld [tilespmem:$0x1FE80]  }
0x2b7: {  	v11 =	vmul.f32 v11, v3;
	_ =	sdelay $0x1  }
0x2b8: {  	v10 =	vadd.f32 v11, v10;
	v5 =	vmul.f32 v5, v2;
	_ =	sdelay $0x1  }
0x2b9: {  	v5 =	vadd.f32 v5, v10;
	v6 =	vmul.f32 v6, v1;
	_ =	sdelay $0x1  }
0x2ba: {  	v10 =	vadd.f32 v6, v5;
	v5 =	vld [tilespmem:$0x1FE90]  }
0x2bb: {  	v24 =	vld [tilespmem:s25+$0x10560]  }
0x2bc: {  	[tilespmem:$0x1FBF0] =	vst v29;
	v29 =	vld [tilespmem:s25+$0x360];
	_ =	sdelay $0x1  }
0x2bd: {  	v32 =	vld [tilespmem:s25+$0x104F0]  }
0x2be: {  	v43 =	vmul.f32 v5, v35;
	v5 =	vld [tilespmem:$0x1FEA0]  }
0x2bf: {  	v9 =	vld [tilespmem:s25+$0x2F0]  }
0x2c0: {  	v11 =	vmul.f32 v29, v24  }
0x2c1: {  	v4 =	vadd.f32 v14, v4  }
0x2c2: {  	v13 =	vld [tilespmem:s25+$0x104C0];
	v11 =	vadd.f32 v11, v0  }
0x2c3: {  	v15 =	vld [tilespmem:s25+$0x2C0];
	v4 =	vadd.f32 v27, v4;
	v5 =	vmul.f32 v5, v35  }
0x2c4: {  	v0 =	vmul.f32 v9, v32;
	v9 =	vadd.f32 v53, v11;
	v11 =	vld [tilespmem:$0x1FEB0]  }
0x2c5: {  	v4 =	vadd.f32 v5, v4;
	v5 =	vld [tilespmem:$0x1FED0];
	_ =	sdelay $0x3  }
0x2c6: {  	v49 =	vmul.f32 v11, v35;
	v11 =	vld [tilespmem:$0x1FEC0]  }
0x2c7: {  	v13 =	vmul.f32 v15, v13;
	v15 =	vmul.f32 v5, v1;
	v5 =	vld [tilespmem:$0x1FEE0];
	_ =	sdelay $0x1  }
0x2c8: {  	v8 =	vld [tilespmem:s25+$0x105D0]  }
0x2c9: {  	v58 =	vld [tilespmem:s25+$0x3D0];
	_ =	sdelay $0x1  }
0x2ca: {  	v40 =	vmul.f32 v11, v1;
	v11 =	vmul.f32 v5, v35;
	v5 =	vld [tilespmem:$0x1FEF0]  }
0x2cb: {  	v30 =	vld [tilespmem:s25+$0x2E0]  }
0x2cc: {  	v59 =	vld [tilespmem:s25+$0x104D0]  }
0x2cd: {  	v8 =	vmul.f32 v58, v8;
	v21 =	vld [tilespmem:s25+$0x104E0]  }
0x2ce: {  	v28 =	vld [tilespmem:s25+$0x2D0]  }
0x2cf: {  	v27 =	vadd.f32 v8, v61;
	v8 =	vmul.f32 v5, v2;
	v5 =	vld [tilespmem:$0x1FF00];
	_ =	sdelay $0x3  }
0x2d0: {  	v51 =	vld [tilespmem:s25+$0x10530];
	v14 =	vmul.f32 v28, v59  }
0x2d1: {  	v37 =	vld [tilespmem:s25+$0x10480];
	v59 =	vmul.f32 v30, v21;
	v21 =	vmul.f32 v5, v3  }
0x2d2: {  	v5 =	vld [tilespmem:$0x1FF10]  }
0x2d3: {  	v28 =	vadd.f32 v21, v4;
	v4 =	vld [tilespmem:$0x1FF30]  }
0x2d4: {  	v52 =	vld [tilespmem:s25+$0x290]  }
0x2d5: {  	v25 =	vld [tilespmem:s25+$0x280]  }
0x2d6: {  	v29 =	vld [tilespmem:s25+$0x10490]  }
0x2d7: {  	v9 =	vadd.f32 v11, v9;
	v11 =	vmul.f32 v5, v2;
	v5 =	vld [tilespmem:$0x1FF20]  }
0x2d8: {  	v21 =	vmul.f32 v4, v35;
	v4 =	vld [tilespmem:$0x1FF40]  }
0x2d9: {  	[tilespmem:$0x1FBD0] =	vst v45;
	v45 =	vld [tilespmem:s25+$0x84C0]  }
0x2da: {  	v26 =	vld [tilespmem:s25+$0x10500]  }
0x2db: {  	v36 =	vld [tilespmem:s25+$0x8480]  }
0x2dc: {  	v56 =	vmul.f32 v25, v37;
	v25 =	vmul.f32 v5, v3;
	v5 =	vld [tilespmem:$0x1FF80]  }
0x2dd: {  	v58 =	vmul.f32 v52, v29;
	v29 =	vmul.f32 v4, v1;
	v4 =	vld [tilespmem:$0x1FF50]  }
0x2de: {  	[tilespmem:$0x1FBE0] =	vst v51;
	v51 =	vld [tilespmem:s25+$0x10400]  }
0x2df: {  	v34 =	vld [tilespmem:s25+$0x240]  }
0x2e0: {  	v38 =	vld [tilespmem:s25+$0x310]  }
0x2e1: {  	v47 =	vld [tilespmem:s25+$0x10510]  }
0x2e2: {  	[tilespmem:$0x1FF70] =	vst v1;
	v24 =	vmul.f32 v5, v1;
	v18 =	vmul.f32 v4, v1;
	v1 =	vld [tilespmem:$0x1FF90]  }
0x2e3: {  	[tilespmem:$0x1FC20] =	vst v12;
	v12 =	vld [tilespmem:s25+$0x8410]  }
0x2e4: {  	v50 =	vld [tilespmem:s25+$0x200]  }
0x2e5: {  	v41 =	vld [tilespmem:s25+$0x10420]  }
0x2e6: {  	v42 =	vld [tilespmem:s25+$0x104A0]  }
0x2e7: {  	v44 =	vadd.f32 v8, v28;
	v8 =	vmul.f32 v1, v2;
	v1 =	vld [tilespmem:$0x1FFA0]  }
0x2e8: {  	v19 =	vld [tilespmem:s25+$0x8400]  }
0x2e9: {  	v23 =	vld [tilespmem:s25+$0x104B0]  }
0x2ea: {  	v22 =	vld [tilespmem:s25+$0x2B0]  }
0x2eb: {  	v48 =	vld [tilespmem:s25+$0x300]  }
0x2ec: {  	v37 =	vadd.f32 v25, v9;
	v9 =	vmul.f32 v1, v3;
	v1 =	vld [tilespmem:$0x1FFC0]  }
0x2ed: {  	v54 =	vld [tilespmem:s25+$0x220]  }
0x2ee: {  	v30 =	vld [tilespmem:s25+$0x10430]  }
0x2ef: {  	v32 =	vld [tilespmem:s25+$0x10440]  }
0x2f0: {  	v4 =	vld [tilespmem:$0x1FF60]  }
0x2f1: {  	(xrf2) =	vadd.scan.msk.f32 $0xffff, v7;
	v7 =	vmul.f32 v1, v2;
	v1 =	vld [tilespmem:$0x1FFD0]  }
0x2f2: {  	v52 =	vld [tilespmem:s25+$0x10410]  }
0x2f3: {  	[tilespmem:$0x1FFB0] =	vst v2;
	v53 =	vld [tilespmem:s25+$0x2A0]  }
0x2f4: {  	[tilespmem:$0x1FFE0] =	vst v3;
	v12 =	vmul.f32 v12, v3;
	(xrf2) =	vadd.scan.msk.f32 $0xffff, v33;
	v33 =	vmul.f32 v45, v35;
	v60 =	vld [tilespmem:s25+$0x210]  }
0x2f5: {  	[tilespmem:$0x1FFF0] =	vst v35;
	v61 =	vadd.f32 v14, v13;
	v14 =	vmul.f32 v36, v35;
	v36 =	vld [tilespmem:s25+$0x10450];
	v13 =	vadd.f32 v40, v44  }
0x2f6: {  	s26 =	simm.s32 $0x2000;
	(xrf2) =	vadd.scan.msk.f32 $0xffff, v39;
	v6 =	vld [tilespmem:s25+$0x230];
	v37 =	vadd.f32 v11, v37;
	v4 =	vmul.f32 v4, v2;
	v11 =	vmul.f32 v1, v3  }
.LBB2_29:
0x2f7: {  	v40 =	vadd.f32 v59, v61  }
0x2f8: {  	v39 =	vld [tilespmem:s25+$0x250];
	v44 =	vadd.f32 v58, v56;
	v26 =	vmul.f32 v48, v26  }
0x2f9: {  	(xrf2) =	vadd.scan.msk.f32 $0xffff, v31;
	v31 =	vld [tilespmem:s25+$0x10460];
	v1 =	vadd.f32 v0, v40;
	v42 =	vmul.f32 v53, v42;
	v38 =	vmul.f32 v38, v47  }
0x2fa: {  	v45 =	vmul.f32 v50, v51;
	v59 =	vmul.f32 v60, v52;
	v47 =	vld [tilespmem:s25+$0x320]  }
0x2fb: {  	v22 =	vmul.f32 v22, v23;
	v33 =	vadd.f32 v33, v1;
	v1 =	vld [tilespmem:$0x1FC90];
	v42 =	vadd.f32 v42, v44  }
0x2fc: {  	v32 =	vmul.f32 v34, v32;
	v34 =	vld [tilespmem:$0x1FFF0];
	v23 =	vadd.f32 v38, v26  }
0x2fd: {  	v5, _, _ =	vpop (xrf2);
	(xrf2) =	vadd.scan.msk.f32 $0xffff, v10;
	v60 =	vld [tilespmem:s25+$0x260];
	v10 =	vadd.f32 v59, v45;
	v26 =	vmul.f32 v54, v41;
	v22 =	vadd.f32 v22, v42  }
0x2fe: {  	v61 =	vld [tilespmem:s25+$0x10470]  }
0x2ff: {  	v10 =	vadd.f32 v26, v10;
	v26 =	vmul.f32 v6, v30;
	v14 =	vadd.f32 v14, v22;
	v22 =	vld [tilespmem:s25+$0x330]  }
0x300: {  	v37 =	vadd.f32 v15, v37;
	v45 =	vmul.f32 v39, v36;
	v16 =	vmul.f32 v47, v1;
	v1 =	vld [tilespmem:$0x1FBE0]  }
0x301: {  	v44 =	vld [tilespmem:s25+$0x270];
	v9 =	vadd.f32 v9, v33;
	v19 =	vmul.f32 v19, v34;
	v10 =	vadd.f32 v26, v10  }
0x302: {  	v0, _, _ =	vpop (xrf2);
	(xrf2) =	vadd.scan.msk.f32 $0xffff, v13;
	v13 =	vadd.f32 v45, v32;
	v31 =	vmul.f32 v60, v31;
	v11 =	vadd.f32 v11, v14;
	v14 =	vld [tilespmem:s25+$0x8500]  }
0x303: {  	v30 =	vld [tilespmem:s25+$0x8440];
	v2 =	vadd.f32 v4, v9;
	v10 =	vadd.f32 v19, v10  }
0x304: {  	v28 =	vld [tilespmem:$0x1FFE0];
	v9 =	vadd.f32 v31, v13;
	v8 =	vadd.f32 v8, v11  }
0x305: {  	v26 =	vld [tilespmem:s25+$0x8450];
	v16 =	vadd.f32 v16, v23;
	v10 =	vadd.f32 v12, v10;
	v22 =	vmul.f32 v22, v1  }
0x306: {  	v25 =	vld [tilespmem:$0x1FFB0];
	v13 =	vmul.f32 v44, v61;
	v29 =	vadd.f32 v29, v2;
	v8 =	vadd.f32 v18, v8  }
0x307: {  	v6, _, _ =	vpop (xrf2);
	(xrf2) =	vadd.scan.msk.f32 $0xffff, v37;
	v19 =	vld [tilespmem:s25+$0x8460];
	v7 =	vadd.f32 v7, v10;
	v10 =	vadd.f32 v22, v16;
	v2 =	vmul.f32 v14, v34  }
0x308: {  	v3 =	vld [tilespmem:$0x1FC70];
	v4, _, _ =	vpop (xrf2);
	v9 =	vadd.f32 v13, v9;
	v13 =	vmul.f32 v30, v34;
	(xrf2) =	vadd.scan.msk.f32 $0xffff, v29  }
0x309: {  	v1, _, _ =	vpop (xrf2);
	(xrf2) =	vadd.scan.msk.f32 $0xffff, v8;
	v8 =	vadd.f32 v2, v10;
	v2 =	vld [tilespmem:$0x1FD10]  }
0x30a: {  	v11 =	vld [tilespmem:s25+$0x8510];
	v9 =	vadd.f32 v13, v9;
	v13 =	vmul.f32 v26, v28  }
0x30b: {  	v23 =	vld [tilespmem:s25+$0x8520]  }
0x30c: {  	v9 =	vadd.f32 v13, v9;
	v13 =	vmul.f32 v19, v25;
	v19 =	vld [tilespmem:s25+$0x8530]  }
0x30d: {  	v7 =	vadd.f32 v24, v7;
	v24 =	vld [tilespmem:$0x1FF70]  }
0x30e: {  	v17 =	vadd.f32 v2, v62;
	v2 =	vld [tilespmem:$0x1FC30]  }
0x30f: {  	v10 =	vmul.f32 v11, v28;
	_ =	sdelay $0x1  }
0x310: {  	v8 =	vadd.f32 v10, v8;
	v10 =	vmul.f32 v23, v25  }
0x311: {  	v12 =	vld [tilespmem:s25+$0x8470]  }
0x312: {  	v8 =	vadd.f32 v10, v8;
	v10 =	vmul.f32 v19, v24;
	v19 =	vadd.f32 v2, v3;
	v2 =	vld [tilespmem:$0x1FBF0];
	_ =	sdelay $0x1  }
0x313: {  	v16 =	vld [tilespmem:s25+$0x85D0]  }
0x314: {  	v22 =	vadd.f32 v46, v27  }
0x315: {  	v9 =	vadd.f32 v13, v9  }
0x316: {  	v13 =	vadd.f32 v63, v22;
	v12 =	vmul.f32 v12, v24;
	v19 =	vadd.f32 v2, v19;
	v2 =	vld [tilespmem:$0x1FC20]  }
0x317: {  	v20 =	vld [tilespmem:s25+$0x8690]  }
0x318: {  	v14, _, _ =	vpop (xrf2);
	v11 =	vld [tilespmem:s25+$0x85E0];
	(xrf2) =	vadd.scan.msk.f32 $0xffff, v7;
	v7 =	vadd.f32 v12, v9;
	v9 =	vadd.f32 v21, v13;
	v12 =	vmul.f32 v16, v28  }
0x319: {  	v13 =	vld [tilespmem:s25+$0x86A0];
	v21 =	vadd.f32 v57, v17  }
0x31a: {  	v16, _, _ =	vpop (xrf2);
	v9 =	vadd.f32 v12, v9;
	v12 =	vld [tilespmem:s25+$0x86B0];
	(xrf2) =	vadd.scan.msk.f32 $0xffff, v7;
	v7 =	vadd.f32 v10, v8  }
0x31b: {  	v8 =	vadd.f32 v49, v21;
	v21 =	vadd.f32 v55, v2;
	v2 =	vld [tilespmem:$0x1FBC0]  }
0x31c: {  	v22 =	vld [tilespmem:s25+$0x85F0];
	v10 =	vmul.f32 v20, v28;
	_ =	sdelay $0x1  }
0x31d: {  	v18 =	vld [tilespmem:s25+$0x8750];
	v8 =	vadd.f32 v10, v8;
	v10 =	vmul.f32 v13, v25  }
0x31e: {  	v15 =	vld [tilespmem:s25+$0x8760];
	v11 =	vmul.f32 v11, v25  }
0x31f: {  	v8 =	vadd.f32 v10, v8;
	v10 =	vmul.f32 v12, v24;
	v12 =	vmul.f32 v2, v34;
	v2 =	vld [tilespmem:$0x1FBD0]  }
0x320: {  	v20 =	vld [tilespmem:s25+$0x87D0];
	v9 =	vadd.f32 v11, v9;
	v11 =	vmul.f32 v22, v24  }
0x321: {  	v17, _, _ =	vpop (xrf2);
	(xrf2) =	vadd.scan.msk.f32 $0xffff, v7;
	v13 =	vld [tilespmem:s25+$0x8770]  }
0x322: {  	v7 =	vadd.f32 v11, v9;
	v11 =	vmul.f32 v18, v28;
	v9 =	vadd.f32 v43, v19  }
0x323: {  	v19 =	vld [tilespmem:s25+$0x87E0]  }
0x324: {  	v18, _, _ =	vpop (xrf2);
	(xrf2) =	vadd.scan.msk.f32 $0xffff, v7;
	v9 =	vadd.f32 v11, v9;
	v11 =	vmul.f32 v15, v25;
	v15 =	vadd.f32 v2, v21  }
0x325: {  	v7 =	vadd.f32 v10, v8;
	v8 =	vmul.f32 v20, v28  }
0x326: {  	v10 =	vld [tilespmem:s25+$0x87F0];
	v9 =	vadd.f32 v11, v9;
	v2 =	vmul.f32 v13, v24;
	v12 =	vadd.f32 v12, v15  }
0x327: {  	v20, _, _ =	vpop (xrf2);
	(xrf2) =	vadd.scan.msk.f32 $0xffff, v7  }
0x328: {  	v11, _, _ =	vpop (xrf2);
	v7 =	vadd.f32 v2, v9;
	v9 =	vmul.f32 v19, v25;
	v8 =	vadd.f32 v8, v12  }
0x329: {  	v2 =	vbroadcast v11, $0xF;
	v12 =	vbroadcast v20, $0xF  }
0x32a: {  	v13 =	vbroadcast v18, $0xF;
	(xrf2) =	vadd.scan.msk.f32 $0xffff, v7;
	v8 =	vadd.f32 v9, v8  }
0x32b: {  	v11, _, _ =	vpop (xrf2);
	v9 =	vmul.f32 v10, v24;
	v7 =	vsel vm0, v12, v2;
	v10 =	vbroadcast v17, $0xF  }
0x32c: {  	v2 =	vbroadcast v11, $0xF;
	v7 =	vsel vm1, v7, v13  }
0x32d: {  	v8 =	vadd.f32 v9, v8;
	v7 =	vsel vm2, v7, v10;
	v9 =	vbroadcast v16, $0xF  }
0x32e: {  	v11, _, _ =	vpop (xrf2);
	v10 =	vbroadcast v14, $0xF;
	v7 =	vsel vm3, v7, v2  }
0x32f: {  	v2 =	vbroadcast v11, $0xF;
	(xrf2) =	vadd.scan.msk.f32 $0xffff, v8;
	v7 =	vsel vm4, v7, v9  }
0x330: {  	v9 =	vbroadcast v1, $0xF;
	v7 =	vsel vm5, v7, v10  }
0x331: {  	v4 =	vbroadcast v4, $0xF;
	v7 =	vsel vm6, v7, v2;
	v8, _, _ =	vpop (xrf2)  }
0x332: {  	v1 =	vsel vm7, v7, v9;
	v8 =	vbroadcast v8, $0xF  }
0x333: {  	v6 =	vbroadcast v6, $0xF;
	v4 =	vsel vm8, v1, v4  }
0x334: {  	v0 =	vbroadcast v0, $0xF;
	v4 =	vsel vm9, v4, v8;
	v7, _, _ =	vpop (xrf2)  }
0x335: {  	s19 =	sadd.s32 $0x10, s19;
	v4 =	vsel vm10, v4, v6;
	v6 =	vbroadcast v7, $0xF  }
0x336: {  	v1 =	vbroadcast v5, $0xF;
	v7 =	vld [tilespmem:s19+$0x0];
	v0 =	vsel vm11, v4, v0  }
0x337: {  	v0 =	vsel vm12, v0, v6  }
0x338: {  	v0 =	vsel vm13, v0, v1;
	v1 =	vld [tilespmem:$0x1FBB0]  }
0x339: {  	v4, _, _ =	vpop (xrf2)  }
0x33a: {  	v0 =	vsel vm14, v0, v4  }
0x33b: {  	v0 =	vadd.f32 v0, v7;
	_ =	sdelay $0x1  }
0x33c: {  	v0 =	vadd.f32 v0, v1  }
0x33d: {  	s24 =	sadd.s32 $0x10, s24  }
0x33e: {  	s25 =	sshra.s32 s26, $0x2;
	[tilespmem:s24+$0x0] =	vst v0  }
0x33f: {  	v3 =	vld [tilespmem:s25+$0x8620];
	_ =	sdelay $0x4  }
0x340: {  	[tilespmem:$0x1F4E0] =	vst v3;
	v3 =	vld [tilespmem:s25+$0x8680];
	_ =	sdelay $0x4  }
0x341: {  	[tilespmem:$0x1F520] =	vst v3;
	v3 =	vld [tilespmem:s25+$0x106F0];
	_ =	sdelay $0x4  }
0x342: {  	[tilespmem:$0x1F4F0] =	vst v3;
	v3 =	vld [tilespmem:s25+$0x4F0];
	_ =	sdelay $0x4  }
0x343: {  	[tilespmem:$0x1F500] =	vst v3;
	v3 =	vld [tilespmem:s25+$0x10740];
	_ =	sdelay $0x4  }
0x344: {  	[tilespmem:$0x1F510] =	vst v3;
	v3 =	vld [tilespmem:s25+$0x85B0];
	_ =	sdelay $0x4  }
0x345: {  	[tilespmem:$0x1F530] =	vst v3;
	v3 =	vld [tilespmem:s25+$0x8610];
	_ =	sdelay $0x4  }
0x346: {  	[tilespmem:$0x1F540] =	vst v3;
	v3 =	vld [tilespmem:s25+$0x8640];
	_ =	sdelay $0x4  }
0x347: {  	[tilespmem:$0x1F550] =	vst v3;
	v3 =	vld [tilespmem:s25+$0x106B0];
	_ =	sdelay $0x4  }
0x348: {  	[tilespmem:$0x1F560] =	vst v3;
	v3 =	vld [tilespmem:s25+$0x4B0];
	_ =	sdelay $0x4  }
0x349: {  	[tilespmem:$0x1F570] =	vst v3;
	v3 =	vld [tilespmem:s25+$0x85A0];
	_ =	sdelay $0x4  }
0x34a: {  	[tilespmem:$0x1F580] =	vst v3;
	v3 =	vld [tilespmem:s25+$0x8600];
	_ =	sdelay $0x4  }
0x34b: {  	[tilespmem:$0x1F590] =	vst v3;
	v3 =	vld [tilespmem:s25+$0x10670];
	_ =	sdelay $0x4  }
0x34c: {  	[tilespmem:$0x1F5A0] =	vst v3;
	v3 =	vld [tilespmem:s25+$0x470];
	_ =	sdelay $0x4  }
0x34d: {  	[tilespmem:$0x1F5B0] =	vst v3;
	v3 =	vld [tilespmem:s25+$0x106A0];
	_ =	sdelay $0x4  }
0x34e: {  	[tilespmem:$0x1F5C0] =	vst v3;
	v3 =	vld [tilespmem:s25+$0x4A0];
	_ =	sdelay $0x4  }
0x34f: {  	[tilespmem:$0x1F5D0] =	vst v3;
	v3 =	vld [tilespmem:s25+$0x8560];
	_ =	sdelay $0x4  }
0x350: {  	[tilespmem:$0x1F5E0] =	vst v3;
	v3 =	vld [tilespmem:s25+$0x8590];
	_ =	sdelay $0x4  }
0x351: {  	[tilespmem:$0x1F620] =	vst v3;
	v3 =	vld [tilespmem:s25+$0x85C0];
	_ =	sdelay $0x4  }
0x352: {  	[tilespmem:$0x1F650] =	vst v3;
	v3 =	vld [tilespmem:s25+$0x10630];
	_ =	sdelay $0x4  }
0x353: {  	[tilespmem:$0x1F630] =	vst v3;
	v3 =	vld [tilespmem:s25+$0x430];
	_ =	sdelay $0x4  }
0x354: {  	[tilespmem:$0x1F640] =	vst v3;
	v3 =	vld [tilespmem:s25+$0x10680];
	_ =	sdelay $0x4  }
0x355: {  	[tilespmem:$0x1F5F0] =	vst v3;
	v3 =	vld [tilespmem:s25+$0x480];
	_ =	sdelay $0x4  }
0x356: {  	[tilespmem:$0x1F600] =	vst v3;
	v3 =	vld [tilespmem:s25+$0x10690];
	_ =	sdelay $0x4  }
0x357: {  	[tilespmem:$0x1F610] =	vst v3;
	v3 =	vld [tilespmem:s25+$0x84F0];
	_ =	sdelay $0x4  }
0x358: {  	[tilespmem:$0x1F660] =	vst v3;
	v3 =	vld [tilespmem:s25+$0x8550];
	_ =	sdelay $0x4  }
0x359: {  	[tilespmem:$0x1F670] =	vst v3;
	v3 =	vld [tilespmem:s25+$0x8580];
	_ =	sdelay $0x4  }
0x35a: {  	[tilespmem:$0x1F680] =	vst v3;
	v3 =	vld [tilespmem:s25+$0x105F0];
	_ =	sdelay $0x4  }
0x35b: {  	[tilespmem:$0x1F690] =	vst v3;
	v3 =	vld [tilespmem:s25+$0x3F0];
	_ =	sdelay $0x3  }
0x35c: {  	v1 =	vld [tilespmem:s25+$0x87C0]  }
0x35d: {  	[tilespmem:$0x1F6A0] =	vst v3;
	v3 =	vld [tilespmem:s25+$0x8540];
	_ =	sdelay $0x3  }
0x35e: {  	[tilespmem:$0x1FBC0] =	vst v1;
	v1 =	vld [tilespmem:s25+$0x107B0]  }
0x35f: {  	[tilespmem:$0x1F6B0] =	vst v3;
	v3 =	vld [tilespmem:s25+$0x105B0];
	_ =	sdelay $0x3  }
0x360: {  	[tilespmem:$0x1F400] =	vst v1;
	v1 =	vld [tilespmem:s25+$0x5B0]  }
0x361: {  	[tilespmem:$0x1F6D0] =	vst v3;
	v3 =	vld [tilespmem:s25+$0x3B0];
	_ =	sdelay $0x3  }
0x362: {  	[tilespmem:$0x1F410] =	vst v1;
	v1 =	vld [tilespmem:s25+$0x5C0]  }
0x363: {  	[tilespmem:$0x1F6E0] =	vst v3;
	v3 =	vld [tilespmem:s25+$0x105E0];
	_ =	sdelay $0x3  }
0x364: {  	[tilespmem:$0x1F420] =	vst v1;
	v1 =	vld [tilespmem:s25+$0x107D0]  }
0x365: {  	[tilespmem:$0x1F6F0] =	vst v3;
	v3 =	vld [tilespmem:s25+$0x3E0]  }
0x366: {  	v6 =	vld [tilespmem:s25+$0x87B0]  }
0x367: {  	v0 =	vld [tilespmem:s25+$0x87A0]  }
0x368: {  	v37 =	vld [tilespmem:s25+$0x8730]  }
0x369: {  	[tilespmem:$0x1F430] =	vst v1;
	v1 =	vld [tilespmem:s25+$0x5D0]  }
0x36a: {  	[tilespmem:$0x1F700] =	vst v3;
	v3 =	vld [tilespmem:s25+$0x8430]  }
0x36b: {  	v33 =	vld [tilespmem:s25+$0x8790]  }
0x36c: {  	v10 =	vld [tilespmem:s25+$0x107F0]  }
0x36d: {  	v11 =	vld [tilespmem:s25+$0x5F0]  }
0x36e: {  	[tilespmem:$0x1F440] =	vst v1;
	v1 =	vld [tilespmem:s25+$0x8670]  }
0x36f: {  	[tilespmem:$0x1F770] =	vst v3;
	v3 =	vld [tilespmem:s25+$0x84A0]  }
0x370: {  	v35 =	vmul.f32 v0, v25;
	v0 =	vld [tilespmem:s25+$0x3D0]  }
0x371: {  	v12 =	vld [tilespmem:s25+$0x86F0]  }
0x372: {  	v8 =	vld [tilespmem:s25+$0x8780]  }
0x373: {  	[tilespmem:$0x1F450] =	vst v1;
	v1 =	vld [tilespmem:s25+$0x86D0]  }
0x374: {  	[tilespmem:$0x1F780] =	vst v3;
	v3 =	vld [tilespmem:s25+$0x84D0]  }
0x375: {  	[tilespmem:$0x1F760] =	vst v0;
	v0 =	vld [tilespmem:s25+$0x8420]  }
0x376: {  	v14 =	vld [tilespmem:s25+$0x107E0]  }
0x377: {  	v27 =	vld [tilespmem:s25+$0x5E0]  }
0x378: {  	[tilespmem:$0x1F460] =	vst v1;
	v1 =	vld [tilespmem:s25+$0x8700]  }
0x379: {  	[tilespmem:$0x1F790] =	vst v3;
	v3 =	vld [tilespmem:s25+$0x10570]  }
0x37a: {  	[tilespmem:$0x1F7A0] =	vst v0;
	v0 =	vld [tilespmem:s25+$0x8490]  }
0x37b: {  	v2 =	vld [tilespmem:s25+$0x86C0]  }
0x37c: {  	v16 =	vld [tilespmem:s25+$0x86E0]  }
0x37d: {  	[tilespmem:$0x1F470] =	vst v1;
	v1 =	vld [tilespmem:s25+$0x10770]  }
0x37e: {  	[tilespmem:$0x1F710] =	vst v3;
	v3 =	vld [tilespmem:s25+$0x370]  }
0x37f: {  	v61 =	vld [tilespmem:s25+$0x107C0];
	[tilespmem:$0x1F7B0] =	vst v0;
	v0 =	vmul.f32 v11, v10  }
0x380: {  	[tilespmem:$0x1F4A0] =	vst v2;
	v2 =	vld [tilespmem:s25+$0x10730]  }
0x381: {  	[tilespmem:$0x1FBD0] =	vst v0;
	v0 =	vld [tilespmem:s25+$0x84C0]  }
0x382: {  	[tilespmem:$0x1F480] =	vst v1;
	v1 =	vld [tilespmem:s25+$0x570]  }
0x383: {  	[tilespmem:$0x1F720] =	vst v3;
	v3 =	vld [tilespmem:s25+$0x105A0]  }
0x384: {  	v9 =	vld [tilespmem:s25+$0x5A0]  }
0x385: {  	[tilespmem:$0x1F4B0] =	vst v2;
	v2 =	vld [tilespmem:s25+$0x10760]  }
0x386: {  	[tilespmem:$0x1F7C0] =	vst v0;
	v0 =	vld [tilespmem:s25+$0x10530]  }
0x387: {  	[tilespmem:$0x1F490] =	vst v1;
	v1 =	vld [tilespmem:s25+$0x107A0]  }
0x388: {  	[tilespmem:$0x1F6C0] =	vst v3;
	v3 =	vld [tilespmem:s25+$0x105C0]  }
0x389: {  	v50 =	vld [tilespmem:s25+$0x580]  }
0x38a: {  	[tilespmem:$0x1F4C0] =	vst v2;
	v2 =	vld [tilespmem:s25+$0x560]  }
0x38b: {  	[tilespmem:$0x1FBE0] =	vst v0;
	v0 =	vld [tilespmem:$0x1F400]  }
0x38c: {  	v9 =	vmul.f32 v9, v1;
	v1 =	vld [tilespmem:$0x1F410]  }
0x38d: {  	[tilespmem:$0x1F730] =	vst v3;
	v3 =	vld [tilespmem:s25+$0x3C0]  }
0x38e: {  	v51 =	vld [tilespmem:s25+$0x10790]  }
0x38f: {  	v52 =	vld [tilespmem:s25+$0x590]  }
0x390: {  	[tilespmem:$0x1F4D0] =	vst v2;
	v2 =	vld [tilespmem:s25+$0x10780]  }
0x391: {  	v13 =	vmul.f32 v37, v24;
	v37 =	vmul.f32 v1, v0;
	v1 =	vld [tilespmem:$0x1F420]  }
0x392: {  	[tilespmem:$0x1F740] =	vst v3;
	v3 =	vld [tilespmem:s25+$0x105D0]  }
0x393: {  	v5 =	vld [tilespmem:s25+$0x8710]  }
0x394: {  	v7 =	vld [tilespmem:s25+$0x8740]  }
0x395: {  	v4 =	vld [tilespmem:s25+$0x8630]  }
0x396: {  	v23 =	vld [tilespmem:s25+$0x10720];
	v52 =	vmul.f32 v52, v51;
	v50 =	vmul.f32 v50, v2  }
0x397: {  	v2 =	vmul.f32 v1, v61;
	v1 =	vld [tilespmem:$0x1F430];
	[tilespmem:$0x1F750] =	vst v3;
	v3 =	vmul.f32 v33, v28  }
0x398: {  	v33 =	vadd.f32 v52, v50;
	v52 =	vmul.f32 v8, v34;
	v8 =	vmul.f32 v5, v28;
	v5 =	vld [tilespmem:$0x1F440]  }
0x399: {  	v22 =	vld [tilespmem:s25+$0x520]  }
0x39a: {  	v45 =	vld [tilespmem:s25+$0x8660]  }
0x39b: {  	v47 =	vld [tilespmem:s25+$0x530]  }
0x39c: {  	v48 =	vld [tilespmem:s25+$0x540]  }
0x39d: {  	v38 =	vld [tilespmem:s25+$0x10750];
	v1 =	vmul.f32 v5, v1  }
0x39e: {  	v22 =	vmul.f32 v22, v23;
	v23 =	vld [tilespmem:$0x1F4D0]  }
0x39f: {  	v1 =	vadd.f32 v1, v2;
	v2 =	vld [tilespmem:$0x1F4C0]  }
0x3a0: {  	v30 =	vld [tilespmem:s25+$0x550]  }
0x3a1: {  	v19 =	vld [tilespmem:s25+$0x106E0]  }
0x3a2: {  	v15 =	vld [tilespmem:s25+$0x4E0]  }
0x3a3: {  	v43 =	vld [tilespmem:s25+$0x10700]  }
0x3a4: {  	v53 =	vld [tilespmem:s25+$0x106C0];
	v2 =	vmul.f32 v23, v2  }
0x3a5: {  	v55 =	vld [tilespmem:s25+$0x4C0];
	v0 =	vmul.f32 v7, v34;
	v9 =	vadd.f32 v9, v33  }
0x3a6: {  	[tilespmem:$0x1FC30] =	vst v2;
	v2 =	vld [tilespmem:s25+$0x10520]  }
0x3a7: {  	v57 =	vld [tilespmem:s25+$0x106D0];
	[tilespmem:$0x1F7F0] =	vst v0;
	v0 =	vadd.f32 v37, v9  }
0x3a8: {  	v60 =	vld [tilespmem:s25+$0x4D0]  }
0x3a9: {  	v0 =	vadd.f32 v52, v0;
	[tilespmem:$0x1FC20] =	vst v1;
	v1 =	vld [tilespmem:s25+$0x104F0]  }
0x3aa: {  	v44 =	vld [tilespmem:s25+$0x500]  }
0x3ab: {  	v0 =	vadd.f32 v3, v0;
	[tilespmem:$0x1FC90] =	vst v2;
	v2 =	vld [tilespmem:$0x1F4E0]  }
0x3ac: {  	v46 =	vld [tilespmem:s25+$0x10710]  }
0x3ad: {  	v49 =	vld [tilespmem:s25+$0x510];
	v6 =	vmul.f32 v6, v24;
	v27 =	vmul.f32 v27, v14;
	v0 =	vadd.f32 v35, v0  }
0x3ae: {  	v60 =	vmul.f32 v60, v57;
	v14 =	vld [tilespmem:$0x1F490];
	[tilespmem:$0x1F7E0] =	vst v1;
	v1 =	vmul.f32 v55, v53  }
0x3af: {  	v0 =	vadd.f32 v6, v0;
	v6 =	vld [tilespmem:$0x1F500]  }
0x3b0: {  	v1 =	vadd.f32 v60, v1;
	v60 =	vmul.f32 v2, v25;
	v2 =	vld [tilespmem:$0x1F4F0]  }
0x3b1: {  	v5 =	vld [tilespmem:$0x1F450]  }
0x3b2: {  	v52 =	vmul.f32 v4, v24;
	v4 =	vld [tilespmem:$0x1F4A0]  }
0x3b3: {  	v15 =	vmul.f32 v15, v19;
	v9 =	vld [tilespmem:$0x1F480]  }
0x3b4: {  	v59 =	vld [tilespmem:s25+$0x10640]  }
0x3b5: {  	v39 =	vld [tilespmem:s25+$0x440];
	v15 =	vadd.f32 v15, v1;
	v6 =	vmul.f32 v6, v2  }
0x3b6: {  	v10 =	vmul.f32 v16, v25;
	v3 =	vld [tilespmem:s25+$0x8480]  }
0x3b7: {  	v16 =	vmul.f32 v5, v24;
	v5 =	vld [tilespmem:$0x1F460];
	v4 =	vmul.f32 v4, v34;
	v6 =	vadd.f32 v6, v15  }
0x3b8: {  	v9 =	vmul.f32 v14, v9;
	v2 =	vld [tilespmem:$0x1F560]  }
0x3b9: {  	v4 =	vadd.f32 v4, v6;
	v6 =	vld [tilespmem:$0x1F570]  }
0x3ba: {  	[tilespmem:$0x1FBF0] =	vst v9;
	v9 =	vmul.f32 v45, v25;
	v45 =	vld [tilespmem:$0x1F4B0]  }
0x3bb: {  	v40 =	vld [tilespmem:s25+$0x10650];
	[tilespmem:$0x1F7D0] =	vst v3;
	v3 =	vmul.f32 v44, v43;
	v43 =	vmul.f32 v49, v46  }
0x3bc: {  	v7 =	vmul.f32 v5, v28;
	v5 =	vld [tilespmem:$0x1F470]  }
0x3bd: {  	v36 =	vld [tilespmem:s25+$0x450];
	v3 =	vadd.f32 v43, v3  }
0x3be: {  	v57 =	vmul.f32 v6, v2;
	v2 =	vld [tilespmem:$0x1F580]  }
0x3bf: {  	v18 =	vld [tilespmem:s25+$0x10660];
	v47 =	vmul.f32 v47, v45;
	v3 =	vadd.f32 v22, v3  }
0x3c0: {  	v42 =	vld [tilespmem:s25+$0x460]  }
0x3c1: {  	v1 =	vld [tilespmem:$0x1F510];
	v3 =	vadd.f32 v47, v3;
	v5 =	vmul.f32 v5, v34  }
0x3c2: {  	v17 =	vld [tilespmem:s25+$0x8720];
	v22 =	vmul.f32 v30, v38;
	v30 =	vmul.f32 v36, v40  }
0x3c3: {  	v3 =	vadd.f32 v5, v3;
	v5 =	vmul.f32 v39, v59;
	v40 =	vmul.f32 v2, v25;
	v2 =	vld [tilespmem:$0x1F590]  }
0x3c4: {  	v54 =	vld [tilespmem:s25+$0x8650]  }
0x3c5: {  	v26 =	vld [tilespmem:s25+$0x8570];
	v5 =	vadd.f32 v30, v5;
	v6 =	vmul.f32 v42, v18  }
0x3c6: {  	v19 =	vmul.f32 v48, v1;
	v1 =	vld [tilespmem:$0x1F520]  }
0x3c7: {  	v11 =	vmul.f32 v17, v25;
	v5 =	vadd.f32 v6, v5;
	v6 =	vld [tilespmem:$0x1F5B0]  }
0x3c8: {  	v3 =	vadd.f32 v8, v3;
	v4 =	vadd.f32 v7, v4;
	v7 =	vmul.f32 v2, v34;
	v2 =	vld [tilespmem:$0x1F5A0]  }
0x3c9: {  	v63 =	vld [tilespmem:s25+$0x490]  }
0x3ca: {  	v29 =	vld [tilespmem:s25+$0x10620];
	v3 =	vadd.f32 v11, v3  }
0x3cb: {  	v44 =	vmul.f32 v1, v34;
	v1 =	vld [tilespmem:$0x1F530]  }
0x3cc: {  	v13 =	vadd.f32 v13, v3;
	v3 =	vld [tilespmem:$0x1F5D0]  }
0x3cd: {  	v6 =	vmul.f32 v6, v2;
	v2 =	vld [tilespmem:$0x1F5C0]  }
0x3ce: {  	v21 =	vld [tilespmem:s25+$0x420]  }
0x3cf: {  	v41 =	vld [tilespmem:s25+$0x84B0]  }
0x3d0: {  	v31 =	vld [tilespmem:s25+$0x84E0];
	v49 =	vmul.f32 v1, v24;
	v1 =	vadd.f32 v22, v19  }
0x3d1: {  	v58 =	vld [tilespmem:s25+$0x10610]  }
0x3d2: {  	[tilespmem:$0x1FC70] =	vst v1;
	v1 =	vld [tilespmem:$0x1F540];
	v2 =	vmul.f32 v3, v2  }
0x3d3: {  	v62 =	vld [tilespmem:s25+$0x410]  }
0x3d4: {  	[tilespmem:$0x1FD10] =	vst v2;
	v2 =	vld [tilespmem:$0x1F5E0]  }
0x3d5: {  	v20 =	vld [tilespmem:s25+$0x10600]  }
0x3d6: {  	v56 =	vld [tilespmem:s25+$0x400]  }
0x3d7: {  	v19 =	vmul.f32 v1, v28;
	v1 =	vld [tilespmem:$0x1F550]  }
0x3d8: {  	v3 =	vld [tilespmem:$0x1F600]  }
0x3d9: {  	v4 =	vadd.f32 v10, v4;
	v10 =	vmul.f32 v62, v58;
	v58 =	vmul.f32 v2, v25;
	v2 =	vld [tilespmem:$0x1F5F0]  }
0x3da: {  	v32 =	vld [tilespmem:s25+$0x3A0]  }
0x3db: {  	v51 =	vld [tilespmem:s25+$0x360]  }
0x3dc: {  	v17 =	vld [tilespmem:s25+$0x10580];
	v1 =	vmul.f32 v1, v34;
	v5 =	vadd.f32 v6, v5  }
0x3dd: {  	v61 =	vld [tilespmem:s25+$0x8410]  }
0x3de: {  	v1 =	vadd.f32 v1, v5;
	v5 =	vmul.f32 v3, v2;
	v2 =	vld [tilespmem:$0x1F610]  }
0x3df: {  	v50 =	vld [tilespmem:s25+$0x10560]  }
0x3e0: {  	v33 =	vld [tilespmem:s25+$0x10590]  }
0x3e1: {  	v12 =	vmul.f32 v12, v24;
	v37 =	vld [tilespmem:s25+$0x380];
	v8 =	vmul.f32 v56, v20  }
0x3e2: {  	v14 =	vld [tilespmem:s25+$0x390]  }
0x3e3: {  	v56 =	vadd.f32 v12, v4;
	v4 =	vadd.f32 v10, v8;
	v10 =	vmul.f32 v63, v2;
	v2 =	vld [tilespmem:$0x1F620]  }
0x3e4: {  	v35 =	vld [tilespmem:s25+$0x10540]  }
0x3e5: {  	v23 =	vld [tilespmem:s25+$0x104B0]  }
0x3e6: {  	v46 =	vld [tilespmem:s25+$0x340]  }
0x3e7: {  	v3 =	vld [tilespmem:$0x1F640]  }
0x3e8: {  	v59 =	vmul.f32 v2, v28;
	v2 =	vld [tilespmem:$0x1F630]  }
0x3e9: {  	v55 =	vld [tilespmem:s25+$0x10550]  }
0x3ea: {  	v53 =	vmul.f32 v54, v28;
	v54 =	vld [tilespmem:s25+$0x8400]  }
0x3eb: {  	(xrf2) =	vadd.scan.msk.f32 $0xffff, v0;
	v0 =	vld [tilespmem:$0x1F770];
	v8 =	vmul.f32 v21, v29  }
0x3ec: {  	v43 =	vld [tilespmem:s25+$0x350]  }
0x3ed: {  	v45 =	vld [tilespmem:s25+$0x2F0];
	v4 =	vadd.f32 v8, v4;
	v8 =	vmul.f32 v3, v2  }
0x3ee: {  	v36 =	vld [tilespmem:s25+$0x104E0];
	v1 =	vadd.f32 v53, v1  }
0x3ef: {  	v38 =	vld [tilespmem:s25+$0x310];
	v8 =	vadd.f32 v8, v4  }
0x3f0: {  	v47 =	vld [tilespmem:s25+$0x10510];
	v1 =	vadd.f32 v9, v1  }
0x3f1: {  	v39 =	vld [tilespmem:s25+$0x2E0];
	v9 =	vmul.f32 v14, v33;
	v7 =	vadd.f32 v7, v8;
	v8 =	vmul.f32 v37, v17  }
0x3f2: {  	v48 =	vld [tilespmem:s25+$0x300]  }
0x3f3: {  	v8 =	vadd.f32 v9, v8;
	v9 =	vld [tilespmem:$0x1F6C0]  }
0x3f4: {  	v30 =	vld [tilespmem:s25+$0x10430]  }
0x3f5: {  	(xrf2) =	vadd.scan.msk.f32 $0xffff, v13;
	v13 =	vld [tilespmem:$0x1F7C0]  }
0x3f6: {  	v15 =	vmul.f32 v26, v24;
	v26 =	vld [tilespmem:s25+$0x10500]  }
0x3f7: {  	v22 =	vld [tilespmem:s25+$0x2B0]  }
0x3f8: {  	v2 =	vld [tilespmem:$0x1F650];
	v9 =	vmul.f32 v32, v9  }
0x3f9: {  	v17 =	vld [tilespmem:$0x1F6E0]  }
0x3fa: {  	v8 =	vadd.f32 v9, v8;
	v9 =	vld [tilespmem:$0x1F6D0]  }
0x3fb: {  	v62 =	vld [tilespmem:s25+$0x104C0]  }
0x3fc: {  	v42 =	vld [tilespmem:s25+$0x104A0]  }
0x3fd: {  	v12 =	vmul.f32 v43, v55;
	v55 =	vmov v27;
	v27 =	vld [tilespmem:$0x1F700]  }
0x3fe: {  	v21 =	vadd.f32 v10, v5;
	v10 =	vmul.f32 v46, v35;
	v20 =	vmul.f32 v2, v34;
	v2 =	vld [tilespmem:$0x1F660]  }
0x3ff: {  	v9 =	vmul.f32 v17, v9;
	v17 =	vld [tilespmem:$0x1F6F0]  }
0x400: {  	v18 =	vmul.f32 v41, v24;
	v41 =	vld [tilespmem:s25+$0x10420];
	v10 =	vadd.f32 v12, v10;
	v12 =	vmul.f32 v51, v50  }
0x401: {  	v43 =	vld [tilespmem:s25+$0x290]  }
0x402: {  	v12 =	vadd.f32 v12, v10;
	v10 =	vld [tilespmem:$0x1F710]  }
0x403: {  	v29 =	vmul.f32 v2, v24;
	v2 =	vld [tilespmem:$0x1F670]  }
0x404: {  	v46 =	vmul.f32 v27, v17;
	v27 =	vld [tilespmem:$0x1F720]  }
0x405: {  	v6 =	vld [tilespmem:s25+$0x230];
	v7 =	vadd.f32 v19, v7  }
0x406: {  	v53 =	vld [tilespmem:s25+$0x2A0]  }
0x407: {  	v14 =	vld [tilespmem:$0x1F6B0];
	v7 =	vadd.f32 v60, v7  }
0x408: {  	v5 =	vmul.f32 v2, v28;
	v2 =	vld [tilespmem:$0x1F680]  }
0x409: {  	v27 =	vmul.f32 v27, v10;
	v10 =	vadd.f32 v52, v7;
	v7 =	vadd.f32 v9, v8;
	v8 =	vld [tilespmem:$0x1F730]  }
0x40a: {  	v9 =	vld [tilespmem:$0x1F740]  }
0x40b: {  	v35 =	vld [tilespmem:s25+$0x10490]  }
0x40c: {  	v3 =	vld [tilespmem:$0x1F6A0]  }
0x40d: {  	v24 =	vmul.f32 v0, v24;
	v0 =	vld [tilespmem:$0x1F780]  }
0x40e: {  	v11 =	vmul.f32 v2, v34;
	v2 =	vld [tilespmem:$0x1F690]  }
0x40f: {  	v33 =	vmul.f32 v9, v8;
	v8 =	vld [tilespmem:$0x1F750]  }
0x410: {  	v9 =	vld [tilespmem:$0x1F760]  }
0x411: {  	v50 =	vld [tilespmem:s25+$0x200]  }
0x412: {  	v51 =	vld [tilespmem:s25+$0x10400]  }
0x413: {  	v4 =	vmul.f32 v31, v25;
	v31 =	vadd.f32 v16, v1;
	v1 =	vld [tilespmem:s25+$0x2D0]  }
0x414: {  	v14 =	vmul.f32 v14, v34;
	v63 =	vmul.f32 v3, v2;
	v3 =	vld [tilespmem:s25+$0x104D0]  }
0x415: {  	v16 =	vld [tilespmem:s25+$0x10480];
	v52 =	vmul.f32 v9, v8;
	v8 =	vmul.f32 v0, v25;
	v0 =	vadd.f32 v27, v12  }
0x416: {  	v19 =	vmov v54;
	v54 =	vld [tilespmem:s25+$0x220]  }
0x417: {  	v17 =	vld [tilespmem:s25+$0x280];
	v0 =	vadd.f32 v14, v0  }
0x418: {  	v2 =	vld [tilespmem:s25+$0x2C0]  }
0x419: {  	v1 =	vmul.f32 v1, v3;
	v3 =	vadd.f32 v5, v0;
	v0 =	vld [tilespmem:$0x1F7D0]  }
0x41a: {  	v60 =	vadd.f32 v11, v7;
	v7 =	vld [tilespmem:$0x1F7A0]  }
0x41b: {  	v11 =	vld [tilespmem:$0x1F7B0]  }
0x41c: {  	v32 =	vld [tilespmem:s25+$0x10440]  }
0x41d: {  	(xrf2) =	vadd.scan.msk.f32 $0xffff, v56;
	v56 =	vmul.f32 v17, v16;
	v9 =	vld [tilespmem:$0x1F790]  }
0x41e: {  	p6 =	sne.s32 s26, $0x1F000;
	v2 =	vmul.f32 v2, v62;
	v14 =	vmul.f32 v0, v34;
	v0 =	vld [tilespmem:$0x1F7E0]  }
.Ltmp23:
0x41f: {  	v27 =	vadd.f32 v52, v33;
	v52 =	vld [tilespmem:s25+$0x10410];
	v33 =	vmul.f32 v13, v34;
	v13 =	vadd.f32 v59, v60;
	(pc) =	sbr.rel @p6 .LBB2_29-.Ltmp23, $4  }
0x420: {  	v7 =	vmul.f32 v7, v25;
	v11 =	vmul.f32 v11, v28;
	v60 =	vld [tilespmem:s25+$0x210]  }
0x421: {  	v62 =	vmovc v21;
	v12 =	vmul.f32 v61, v28;
	v59 =	vmul.f32 v39, v36;
	v36 =	vld [tilespmem:s25+$0x10450];
	v5 =	vadd.f32 v40, v13  }
0x422: {  	v21 =	vmovc v20;
	v61 =	vadd.f32 v1, v2;
	v37 =	vadd.f32 v58, v3;
	v58 =	vmul.f32 v43, v35;
	v43 =	vld [tilespmem:$0x1F7F0]  }
0x423: {  	s26 =	sadd.s32 $0x1000, s26;
	v9 =	vmul.f32 v9, v28;
	v13 =	vadd.f32 v49, v5;
	v49 =	vmovc v44;
	v34 =	vld [tilespmem:s25+$0x240];
	v0 =	vmul.f32 v45, v0  }
0x424: {  	v5 =	vld [tilespmem:s25+$0x250]  }
0x425: {  	v17 =	vmul.f32 v38, v47;
	v47 =	vld [tilespmem:s25+$0x10460]  }
0x426: {  	v35 =	vmul.f32 v50, v51;
	v50 =	vld [tilespmem:s25+$0x260]  }
0x427: {  	v45 =	vadd.f32 v58, v56;
	v58 =	vld [tilespmem:s25+$0x270]  }
0x428: {  	v1 =	vadd.f32 v59, v61;
	v59 =	vld [tilespmem:s25+$0x320]  }
0x429: {  	v61 =	vld [tilespmem:s25+$0x330]  }
0x42a: {  	v25 =	vld [tilespmem:s25+$0x8450]  }
0x42b: {  	v2 =	vmul.f32 v48, v26;
	v28 =	vld [tilespmem:s25+$0x8500]  }
0x42c: {  	v6 =	vmul.f32 v6, v30;
	v30 =	vld [tilespmem:$0x1FC90];
	v48 =	vmul.f32 v60, v52  }
0x42d: {  	v38 =	vld [tilespmem:s25+$0x8520]  }
0x42e: {  	v16 =	vmul.f32 v53, v42;
	v56 =	vmul.f32 v54, v41;
	v40 =	vld [tilespmem:s25+$0x85D0];
	v53 =	vadd.f32 v48, v35  }
0x42f: {  	v44 =	vld [tilespmem:s25+$0x8530]  }
0x430: {  	v51 =	vmul.f32 v22, v23;
	v42 =	vadd.f32 v46, v27;
	v46 =	vld [tilespmem:s25+$0x85E0];
	v22 =	vadd.f32 v56, v53  }
0x431: {  	v3 =	vadd.f32 v15, v37;
	v54 =	vld [tilespmem:$0x1FD10];
	v15 =	vadd.f32 v16, v45  }
0x432: {  	v6 =	vadd.f32 v6, v22;
	v22 =	vld [tilespmem:$0x1FFF0]  }
0x433: {  	v52 =	vld [tilespmem:s25+$0x10470];
	v15 =	vadd.f32 v51, v15  }
0x434: {  	v60 =	vld [tilespmem:s25+$0x8440]  }
0x435: {  	v35 =	vld [tilespmem:$0x1FBE0];
	v14 =	vadd.f32 v14, v15  }
0x436: {  	v32 =	vmul.f32 v34, v32;
	v34 =	vld [tilespmem:s25+$0x8510];
	v5 =	vmul.f32 v5, v36  }
0x437: {  	v0 =	vadd.f32 v0, v1;
	v51 =	vld [tilespmem:s25+$0x8690];
	v11 =	vadd.f32 v11, v14;
	v19 =	vmul.f32 v19, v22  }
0x438: {  	v2 =	vadd.f32 v17, v2;
	v1 =	vmul.f32 v50, v47;
	v36 =	vld [tilespmem:s25+$0x8470];
	v5 =	vadd.f32 v5, v32  }
0x439: {  	v8 =	vadd.f32 v8, v11;
	v6 =	vadd.f32 v19, v6;
	v19 =	vld [tilespmem:$0x1FFE0]  }
0x43a: {  	v0 =	vadd.f32 v33, v0;
	v26 =	vmul.f32 v58, v52;
	v32 =	vld [tilespmem:s25+$0x8460];
	v1 =	vadd.f32 v1, v5  }
0x43b: {  	v16 =	vmul.f32 v59, v30;
	v50 =	vadd.f32 v63, v42;
	v37 =	vadd.f32 v18, v8;
	v18 =	vld [tilespmem:$0x1FFB0]  }
0x43c: {  	v47 =	vld [tilespmem:$0x1FF70];
	v0 =	vadd.f32 v9, v0;
	v1 =	vadd.f32 v26, v1;
	v33 =	vmul.f32 v60, v22  }
0x43d: {  	v56 =	vld [tilespmem:s25+$0x85F0];
	v2 =	vadd.f32 v16, v2;
	v58 =	vadd.f32 v21, v50;
	v11 =	vmul.f32 v61, v35  }
0x43e: {  	v63 =	vld [tilespmem:s25+$0x8750];
	v0 =	vadd.f32 v4, v0;
	v1 =	vadd.f32 v33, v1;
	v4 =	vmul.f32 v25, v19  }
0x43f: {  	(xrf2) =	vadd.scan.msk.f32 $0xffff, v31;
	v15 =	vld [tilespmem:$0x1FC30];
	v2 =	vadd.f32 v11, v2;
	v39 =	vmul.f32 v28, v22;
	v6 =	vadd.f32 v12, v6  }
0x440: {  	(xrf2) =	vadd.scan.msk.f32 $0xffff, v10;
	v16 =	vld [tilespmem:$0x1FC70];
	v0 =	vadd.f32 v29, v0;
	v41 =	vmul.f32 v32, v18;
	v1 =	vadd.f32 v4, v1  }
0x441: {  	(xrf2) =	vadd.scan.msk.f32 $0xffff, v13;
	v21 =	vld [tilespmem:s25+$0x86B0];
	v2 =	vadd.f32 v39, v2;
	v6 =	vadd.f32 v7, v6;
	v45 =	vmul.f32 v34, v19  }
0x442: {  	(xrf2) =	vadd.scan.msk.f32 $0xffff, v3;
	v48 =	vmul.f32 v36, v47;
	v26 =	vld [tilespmem:$0x1FBF0];
	v7 =	vadd.f32 v54, v62;
	v1 =	vadd.f32 v41, v1  }
0x443: {  	(xrf2) =	vadd.scan.msk.f32 $0xffff, v0;
	v60 =	vld [tilespmem:s25+$0x86A0];
	v53 =	vmul.f32 v38, v18;
	v6 =	vadd.f32 v24, v6;
	v52 =	vadd.f32 v45, v2  }
0x444: {  	v28 =	vld [tilespmem:$0x1FC20];
	(xrf2) =	vadd.scan.msk.f32 $0xffff, v37;
	v59 =	vmul.f32 v40, v19;
	v1 =	vadd.f32 v48, v1  }
0x445: {  	v61 =	vmul.f32 v44, v47;
	v35 =	vld [tilespmem:$0x1FBD0];
	v62 =	vadd.f32 v57, v7;
	(xrf2) =	vadd.scan.msk.f32 $0xffff, v6;
	v0 =	vadd.f32 v53, v52  }
0x446: {  	v20, _, _ =	vpop (xrf2);
	v33 =	vld [tilespmem:$0x1FBC0];
	v9 =	vmul.f32 v46, v18;
	v3 =	vadd.f32 v59, v58;
	v4 =	vadd.f32 v15, v16;
	(xrf2) =	vadd.scan.msk.f32 $0xffff, v1  }
0x447: {  	v23, _, _ =	vpop (xrf2);
	v10 =	vmul.f32 v51, v19;
	v24 =	vld [tilespmem:s25+$0x8760];
	v6 =	vadd.f32 v49, v62;
	v0 =	vadd.f32 v61, v0  }
0x448: {  	v27 =	vld [tilespmem:s25+$0x87D0];
	v8 =	vmul.f32 v56, v47;
	v25, _, _ =	vpop (xrf2);
	v3 =	vadd.f32 v9, v3;
	v4 =	vadd.f32 v26, v4  }
0x449: {  	v30 =	vld [tilespmem:s25+$0x8770];
	v5 =	vmul.f32 v60, v18;
	v29, _, _ =	vpop (xrf2);
	v6 =	vadd.f32 v10, v6;
	v10 =	vadd.f32 v55, v28;
	(xrf2) =	vadd.scan.msk.f32 $0xffff, v0  }
0x44a: {  	v7 =	vmul.f32 v63, v19;
	v31, _, _ =	vpop (xrf2);
	v3 =	vadd.f32 v8, v3;
	v4 =	vadd.f32 v43, v4  }
0x44b: {  	v34 =	vld [tilespmem:s25+$0x87E0];
	v15 =	vmul.f32 v33, v22;
	v32, _, _ =	vpop (xrf2);
	v5 =	vadd.f32 v5, v6;
	v1 =	vmul.f32 v21, v47  }
0x44c: {  	v36, _, _ =	vpop (xrf2);
	v37 =	vmul.f32 v24, v18;
	v4 =	vadd.f32 v7, v4;
	v7 =	vadd.f32 v35, v10;
	(xrf2) =	vadd.scan.msk.f32 $0xffff, v3  }
0x44d: {  	v39 =	vmul.f32 v27, v19;
	v40 =	vld [tilespmem:s25+$0x87F0];
	v38, _, _ =	vpop (xrf2);
	v1 =	vadd.f32 v1, v5  }
0x44e: {  	v41, _, _ =	vpop (xrf2);
	v0 =	vmul.f32 v30, v47;
	v4 =	vadd.f32 v37, v4;
	v7 =	vadd.f32 v15, v7  }
0x44f: {  	(xrf2) =	vadd.scan.msk.f32 $0xffff, v1;
	v42, _, _ =	vpop (xrf2)  }
0x450: {  	v44 =	vmul.f32 v34, v18;
	v0 =	vadd.f32 v0, v4;
	v43 =	vadd.f32 v39, v7;
	v45, _, _ =	vpop (xrf2)  }
0x451: {  	v1 =	vbroadcast v42, $0xF;
	v12 =	vbroadcast v45, $0xF  }
0x452: {  	v46 =	vmul.f32 v40, v47;
	v47 =	vbroadcast v41, $0xF;
	v4 =	vadd.f32 v44, v43;
	(xrf2) =	vadd.scan.msk.f32 $0xffff, v0  }
0x453: {  	v5 =	vbroadcast v38, $0xF;
	v48, _, _ =	vpop (xrf2);
	v1 =	vsel vm0, v1, v12  }
0x454: {  	v49 =	vadd.f32 v46, v4;
	v50 =	vbroadcast v48, $0xF;
	v0 =	vsel vm1, v1, v47  }
0x455: {  	v3 =	vbroadcast v36, $0xF;
	v0 =	vsel vm2, v0, v5  }
0x456: {  	v51 =	vbroadcast v32, $0xF;
	(xrf2) =	vadd.scan.msk.f32 $0xffff, v49;
	v52, _, _ =	vpop (xrf2);
	v0 =	vsel vm3, v0, v50  }
0x457: {  	v1 =	vbroadcast v52, $0xF;
	v0 =	vsel vm4, v0, v3  }
0x458: {  	v53 =	vbroadcast v31, $0xF;
	v0 =	vsel vm5, v0, v51  }
0x459: {  	v54 =	vbroadcast v29, $0xF;
	v55, _, _ =	vpop (xrf2);
	v0 =	vsel vm6, v0, v1  }
0x45a: {  	v56 =	vbroadcast v55, $0xF;
	v0 =	vsel vm7, v0, v53  }
0x45b: {  	v57 =	vbroadcast v25, $0xF;
	v0 =	vsel vm8, v0, v54  }
0x45c: {  	s19 =	sadd.s32 $0x10, s19;
	v2 =	vbroadcast v23, $0xF;
	v58, _, _ =	vpop (xrf2);
	v0 =	vsel vm9, v0, v56  }
0x45d: {  	v60 =	vld [tilespmem:s19+$0x0];
	v59 =	vbroadcast v58, $0xF;
	v0 =	vsel vm10, v0, v57  }
0x45e: {  	v61 =	vbroadcast v20, $0xF;
	v0 =	vsel vm11, v0, v2  }
0x45f: {  	v63 =	vld [tilespmem:$0x1FBB0];
	v0 =	vsel vm12, v0, v59  }
0x460: {  	v62, _, _ =	vpop (xrf2);
	v0 =	vsel vm13, v0, v61  }
0x461: {  	v0 =	vsel vm14, v0, v62  }
0x462: {  	v0 =	vadd.f32 v0, v60;
	_ =	sdelay $0x1  }
0x463: {  	s2 =	sadd.s32 $0x1, s2;
	v0 =	vadd.f32 v0, v63  }
0x464: {  	s26 =	sadd.s32 $0x10, s24;
	p3 =	sne.s32 s2, s21  }
.Ltmp24:
0x465: {  	[tilespmem:s26+$0x0] =	vst v0;
	(pc) =	sbr.rel @p3 .LBB2_1-.Ltmp24, $4  }
0x466: {  	[hbm4b:s20+s3] =	stream.linear.scatter [tilespmem:s13], [sflag:$0x3], $0x200, $0x38;
	[tilespmem:$0x1C650] =	vst v63  }
0x467: {  	_ =	swait.ge [sflag:s22], $0x200  }
0x468: {  	[sflag:s22] =	ssyncset.done $0x0  }
0x469: {  	[sflag:s22] =	ssyncadd.s32 $0xFFFFFE00  }
0x46a: {  	_ =	sfence.sel $0x180000  }
0x46b: {  	[bflag:$0x0] =	sbarrier.arrive $0xFFFF  }
0x46c: {  	_ =	strace $0x90000047  }
0x46d: {  	[bflag:$0x2] =	sbarrier.arrive $0xFFFF  }
0x46e: {  	s0 =	rddreg [dreg:$0x5]  }
0x46f: {  	s0 =	sadd.s32 @!p0 $0x100000, s0  }
0x470: {  	[sflag:s0] =	ssyncadd.tile.s32 @!p0 $0x1;
	_ =	shalt  }
.Lfunc_end2:
_tile_overlayer_lowered:
.L_overlay_start_2:
0x471: {  	(tag) =	ssettag $0x2  }
0x472: {  	s0 =	rddreg [dreg:$0x0];
	s2 =	stileid.u32  }
0x473: {  	s1 =	rddreg [dreg:$0x1];
	p0 =	sne.s32 s2, $0x0  }
0x474: {  	s3 =	rddreg [dreg:$0x2];
	[bflag:$0x3] =	sbarrier.arrive $0xFFFF;
	s2 =	simm.s32 @!p0 $0x1C03  }
0x475: {  	[timem:s3], [sflag:s2] =	dma.local @!p0 [hbm:s0], s1  }
0x476: {  	s0 =	simm.s32 @!p0 $0x3  }
0x477: {  	_ =	swait.ge @!p0 [sflag:s0], s1  }
0x478: {  	s1 =	ssub.s32 @!p0 $0x0, s1;
	[sflag:s0] =	ssyncset.done @!p0 $0x0  }
0x479: {  	[sflag:s0] =	ssyncadd.s32 @!p0 s1  }
0x47a: {  	[bflag:$0x3] =	sbarrier.arrive $0xFFFF  }
0x47b: {  	_ =	shalt  }

</sc_bundles>
